<compile_context>
chip_gen: v7x
topology: tpu7x:2x2x1
jax: 0.10.2.dev20260603
libtpu: 0.0.44.dev20260713+nightly
codegen_flags: <defaults>
</compile_context>

<pallas_src>
import jax
import jax.numpy as jnp
from jax import lax
from jax.experimental import pallas as pl
from jax.experimental.pallas import tpu as pltpu
from jax.experimental.pallas import tpu_sc as plsc

_NC = 2
_NS = 16
_NW = _NC * _NS
_L = 128
_NBUF = 8


def _gather_table(embT, out, idx, vsm, blks, buf, sem, base, bpw):
    dim = embT.shape[0]
    iotas = [lax.iota(jnp.int32, 16) + u * 16 for u in range(dim // 16)]

    def stage(g, carry):
        v16 = idx[pl.ds(g * 16, 16)]
        for t in range(16):
            vsm[g * 16 + t] = v16[t]
        return carry

    lax.fori_loop(0, bpw // 16, stage, 0)

    def fire(k, blk):
        c_off = pl.multiple_of((vsm[k] >> 7) * _L, _L)
        pltpu.async_copy(embT.at[:, pl.ds(c_off, _L)], blk, sem)

    for p in range(_NBUF):
        fire(p, blks[p])

    def body(g, carry):
        for p in range(_NBUF):
            k = g * _NBUF + p
            blk = blks[p]
            pltpu.make_async_copy(embT.at[:, pl.ds(0, _L)], blk, sem).wait()
            lane = vsm[k] & 127
            for u in range(dim // 16):
                rows = plsc.load_gather(
                    blk, [iotas[u], iotas[u] * 0 + lane])
                plsc.store_scatter(buf, [iotas[u], iotas[u] * 0 + k], rows)

            @pl.when(k + _NBUF < bpw)
            def _():
                fire(k + _NBUF, blk)
        return carry

    lax.fori_loop(0, bpw // _NBUF, body, 0)
    pltpu.sync_copy(buf, out.at[:, pl.ds(base, bpw)])


def _glove_body(words_hbm, contexts_hbm, w_embT, w_bias, c_embT, c_bias,
                out_we, out_wb, out_ce, out_cb,
                idx_w, idx_c, vsm, blk0, blk1, blk2, blk3, blk4, blk5, blk6, blk7, buf,
                wb_v, cb_v, sem_g, sem_b):
    bpw = idx_w.shape[0]
    nchunk = bpw // _L
    wid = lax.axis_index("s") * _NC + lax.axis_index("c")
    base = pl.multiple_of(wid * bpw, bpw)
    pltpu.sync_copy(words_hbm.at[pl.ds(base, bpw)], idx_w)
    pltpu.sync_copy(contexts_hbm.at[pl.ds(base, bpw)], idx_c)

    bias_copies = []
    for m in range(nchunk):
        s = pl.ds(m * _L, _L)
        bias_copies.append(
            pltpu.async_copy(w_bias.at[idx_w.at[s]], wb_v.at[s], sem_b))
        bias_copies.append(
            pltpu.async_copy(c_bias.at[idx_c.at[s]], cb_v.at[s], sem_b))

    blks = [blk0, blk1, blk2, blk3, blk4, blk5, blk6, blk7]
    _gather_table(w_embT, out_we, idx_w, vsm, blks, buf, sem_g, base, bpw)
    _gather_table(c_embT, out_ce, idx_c, vsm, blks, buf, sem_g, base, bpw)

    for c in bias_copies:
        c.wait()
    pltpu.sync_copy(wb_v, out_wb.at[pl.ds(base, bpw)])
    pltpu.sync_copy(cb_v, out_cb.at[pl.ds(base, bpw)])


def kernel(words, contexts, w_embeddings, w_biases, c_embeddings, c_biases):
    batch = words.shape[0]
    vocab, dim = w_embeddings.shape
    bpw = batch // _NW
    mesh = plsc.VectorSubcoreMesh(core_axis_name="c", subcore_axis_name="s")
    f = pl.kernel(
        _glove_body,
        out_type=(
            jax.ShapeDtypeStruct((dim, batch), jnp.float32),
            jax.ShapeDtypeStruct((batch,), jnp.float32),
            jax.ShapeDtypeStruct((dim, batch), jnp.float32),
            jax.ShapeDtypeStruct((batch,), jnp.float32),
        ),
        mesh=mesh,
        compiler_params=pltpu.CompilerParams(
            use_tc_tiling_on_sc=True, needs_layout_passes=False),
        scratch_types=[
            pltpu.VMEM((bpw,), jnp.int32),
            pltpu.VMEM((bpw,), jnp.int32),
            pltpu.SMEM((bpw,), jnp.int32),
            pltpu.VMEM((dim, _L), jnp.float32),
            pltpu.VMEM((dim, _L), jnp.float32),
            pltpu.VMEM((dim, _L), jnp.float32),
            pltpu.VMEM((dim, _L), jnp.float32),
            pltpu.VMEM((dim, _L), jnp.float32),
            pltpu.VMEM((dim, _L), jnp.float32),
            pltpu.VMEM((dim, _L), jnp.float32),
            pltpu.VMEM((dim, _L), jnp.float32),
            pltpu.VMEM((dim, bpw), jnp.float32),
            pltpu.VMEM((bpw,), jnp.float32),
            pltpu.VMEM((bpw,), jnp.float32),
            pltpu.SemaphoreType.DMA,
            pltpu.SemaphoreType.DMA,
        ],
    )
    we, wb, ce, cb = f(
        words, contexts,
        w_embeddings.T, w_biases.reshape(-1),
        c_embeddings.T, c_biases.reshape(-1),
    )
    return (we.T, wb.reshape(batch, 1), ce.T, cb.reshape(batch, 1))

# --- scband reference (transcript-rebuilt; emitter-appended) ---
"""Pipeline reference for scband-glove-model-51539608144 (READ-ONLY COPY).

The authoritative reference and input builder live on the scoring server;
editing this copy changes nothing except your own understanding.
"""

import jax, jax.numpy as jnp
import numpy as np

VOCAB = 1000000
DIM = 64
BATCH = 16384

def setup_inputs(seed: int = 0) -> dict:
    key = jax.random.key(seed)
    k1, k2, k3, k4, k5, k6 = jax.random.split(key, 6)
    words = jax.random.randint(k1, (BATCH,), 0, VOCAB, dtype=jnp.int64) if jax.config.jax_enable_x64 else jax.random.randint(k1, (BATCH,), 0, VOCAB, dtype=jnp.int32)
    contexts = jax.random.randint(k2, (BATCH,), 0, VOCAB, dtype=jnp.int64) if jax.config.jax_enable_x64 else jax.random.randint(k2, (BATCH,), 0, VOCAB, dtype=jnp.int32)
    # learned parameters, init uniform(-0.1, 0.1) like init_weights()
    w_embeddings = jax.random.uniform(k3, (VOCAB, DIM), minval=-0.1, maxval=0.1, dtype=jnp.float32)
    w_biases = jax.random.uniform(k4, (VOCAB, 1), minval=-0.1, maxval=0.1, dtype=jnp.float32)
    c_embeddings = jax.random.uniform(k5, (VOCAB, DIM), minval=-0.1, maxval=0.1, dtype=jnp.float32)
    c_biases = jax.random.uniform(k6, (VOCAB, 1), minval=-0.1, maxval=0.1, dtype=jnp.float32)
    return {"words": words, "contexts": contexts,
            "w_embeddings": w_embeddings, "w_biases": w_biases,
            "c_embeddings": c_embeddings, "c_biases": c_biases}

def reference(words, contexts, w_embeddings, w_biases, c_embeddings, c_biases):
    w_embeds = jnp.take(w_embeddings, words, axis=0)
    w_b = jnp.take(w_biases, words, axis=0)
    c_embeds = jnp.take(c_embeddings, contexts, axis=0)
    c_b = jnp.take(c_biases, contexts, axis=0)
    return (w_embeds, w_b, c_embeds, c_b)

if __name__ == "__main__":
    import jax
    _d = setup_inputs()
    print(jax.jit(kernel)(*tuple(_d.values())))

</pallas_src>

<mosaic_0001>
#map = affine_map<(d0, d1) -> (0)>
#map1 = affine_map<(d0, d1) -> (0, 0)>
module attributes {stable_mosaic.version = 14 : i64} {
  func.func @_glove_body(%arg0: i32, %arg1: i32, %arg2: memref<16384xi32, #tpu.memory_space<hbm>>, %arg3: memref<16384xi32, #tpu.memory_space<hbm>>, %arg4: memref<64x1000000xf32, #tpu.memory_space<hbm>>, %arg5: memref<1000000xf32, #tpu.memory_space<hbm>>, %arg6: memref<64x1000000xf32, #tpu.memory_space<hbm>>, %arg7: memref<1000000xf32, #tpu.memory_space<hbm>>, %arg8: memref<64x16384xf32, #tpu.memory_space<hbm>>, %arg9: memref<16384xf32, #tpu.memory_space<hbm>>, %arg10: memref<64x16384xf32, #tpu.memory_space<hbm>>, %arg11: memref<16384xf32, #tpu.memory_space<hbm>>, %arg12: memref<512xi32, #tpu.memory_space<vmem>>, %arg13: memref<512xi32, #tpu.memory_space<vmem>>, %arg14: memref<512xi32, #tpu.memory_space<smem>>, %arg15: memref<64x128xf32, #tpu.memory_space<vmem>>, %arg16: memref<64x128xf32, #tpu.memory_space<vmem>>, %arg17: memref<64x128xf32, #tpu.memory_space<vmem>>, %arg18: memref<64x128xf32, #tpu.memory_space<vmem>>, %arg19: memref<64x128xf32, #tpu.memory_space<vmem>>, %arg20: memref<64x128xf32, #tpu.memory_space<vmem>>, %arg21: memref<64x128xf32, #tpu.memory_space<vmem>>, %arg22: memref<64x128xf32, #tpu.memory_space<vmem>>, %arg23: memref<64x512xf32, #tpu.memory_space<vmem>>, %arg24: memref<512xf32, #tpu.memory_space<vmem>>, %arg25: memref<512xf32, #tpu.memory_space<vmem>>, %arg26: memref<!tpu.dma_semaphore, #tpu.memory_space<semaphore_mem>>, %arg27: memref<!tpu.dma_semaphore, #tpu.memory_space<semaphore_mem>>) attributes {dimension_semantics = [#tpu.dimension_semantics<core_parallel>, #tpu.dimension_semantics<subcore_parallel>], iteration_bounds = array<i64: 2, 16>, scalar_prefetch = 0 : i64, scratch_operands = 16 : i64, tpu.core_type = #tpu.core_type<sc_vector_subcore>, window_params = [{transform_indices = #map}, {transform_indices = #map}, {transform_indices = #map1}, {transform_indices = #map}, {transform_indices = #map1}, {transform_indices = #map}, {transform_indices = #map1}, {transform_indices = #map}, {transform_indices = #map1}, {transform_indices = #map}]} {
    %mul3A = arith.constant 2 : i32
    %mul3A_0 = arith.muli %arg1, %mul3A : i32
    %add3A = arith.addi %mul3A_0, %arg0 : i32
    %mul3A_1 = arith.constant 512 : i32
    %mul3A_2 = arith.muli %add3A, %mul3A_1 : i32
    %multiple_of3A = tpu.assume_multiple %mul3A_2, 512 : i32
    "tpu.region"() ({
      %run_scoped3A = tpu.sem_alloc : memref<!tpu.dma_semaphore, #tpu.memory_space<semaphore_mem>>
      %dma_start3A_341 = tpu.memref_slice %arg2[%multiple_of3A] : memref<16384xi32, #tpu.memory_space<hbm>> -> memref<512xi32, #tpu.memory_space<hbm>>
      %dma_start3A_342 = tpu.memref_slice %arg2[%multiple_of3A] : memref<16384xi32, #tpu.memory_space<hbm>> -> memref<512xi32, #tpu.memory_space<hbm>>
      tpu.enqueue_dma source(%dma_start3A_342 : memref<512xi32, #tpu.memory_space<hbm>>) target(%arg12 : memref<512xi32, #tpu.memory_space<vmem>>) target_semaphore(%run_scoped3A : memref<!tpu.dma_semaphore, #tpu.memory_space<semaphore_mem>>)
      %dma_wait3A_343 = tpu.memref_slice %arg2[%multiple_of3A] : memref<16384xi32, #tpu.memory_space<hbm>> -> memref<512xi32, #tpu.memory_space<hbm>>
      %dma_wait3A_344 = tpu.memref_slice %arg2[%multiple_of3A] : memref<16384xi32, #tpu.memory_space<hbm>> -> memref<512xi32, #tpu.memory_space<hbm>>
      tpu.wait_dma2 semaphore(%run_scoped3A : memref<!tpu.dma_semaphore, #tpu.memory_space<semaphore_mem>>) src(%dma_wait3A_344 : memref<512xi32, #tpu.memory_space<hbm>>) dst(%arg12 : memref<512xi32, #tpu.memory_space<vmem>>)
      tpu.yield
    }) : () -> ()
    "tpu.region"() ({
      %run_scoped3A = tpu.sem_alloc : memref<!tpu.dma_semaphore, #tpu.memory_space<semaphore_mem>>
      %dma_start3A_341 = tpu.memref_slice %arg3[%multiple_of3A] : memref<16384xi32, #tpu.memory_space<hbm>> -> memref<512xi32, #tpu.memory_space<hbm>>
      %dma_start3A_342 = tpu.memref_slice %arg3[%multiple_of3A] : memref<16384xi32, #tpu.memory_space<hbm>> -> memref<512xi32, #tpu.memory_space<hbm>>
      tpu.enqueue_dma source(%dma_start3A_342 : memref<512xi32, #tpu.memory_space<hbm>>) target(%arg13 : memref<512xi32, #tpu.memory_space<vmem>>) target_semaphore(%run_scoped3A : memref<!tpu.dma_semaphore, #tpu.memory_space<semaphore_mem>>)
      %dma_wait3A_343 = tpu.memref_slice %arg3[%multiple_of3A] : memref<16384xi32, #tpu.memory_space<hbm>> -> memref<512xi32, #tpu.memory_space<hbm>>
      %dma_wait3A_344 = tpu.memref_slice %arg3[%multiple_of3A] : memref<16384xi32, #tpu.memory_space<hbm>> -> memref<512xi32, #tpu.memory_space<hbm>>
      tpu.wait_dma2 semaphore(%run_scoped3A : memref<!tpu.dma_semaphore, #tpu.memory_space<semaphore_mem>>) src(%dma_wait3A_344 : memref<512xi32, #tpu.memory_space<hbm>>) dst(%arg13 : memref<512xi32, #tpu.memory_space<vmem>>)
      tpu.yield
    }) : () -> ()
    %dma_start3A = arith.constant 0 : i32
    %dma_start3A_3 = tpu.memref_slice %arg24[%dma_start3A] : memref<512xf32, #tpu.memory_space<vmem>> -> memref<128xf32, #tpu.memory_space<vmem>>
    %dma_start3A_4 = arith.constant 0 : i32
    %dma_start3A_5 = tpu.memref_slice %arg12[%dma_start3A_4] : memref<512xi32, #tpu.memory_space<vmem>> -> memref<128xi32, #tpu.memory_space<vmem>>
    %dma_start3A_6 = arith.constant 0 : i32
    %dma_start3A_7 = tpu.memref_slice %arg5[%dma_start3A_6] : memref<1000000xf32, #tpu.memory_space<hbm>> -> memref<1000000xf32, #tpu.memory_space<hbm>>
    tpu.enqueue_indirect_dma source(%dma_start3A_7 : memref<1000000xf32, #tpu.memory_space<hbm>>) target(%dma_start3A_3 : memref<128xf32, #tpu.memory_space<vmem>>) offsets(%dma_start3A_5 : memref<128xi32, #tpu.memory_space<vmem>>) semaphore(%arg27 : memref<!tpu.dma_semaphore, #tpu.memory_space<semaphore_mem>>)
    %dma_start3A_8 = arith.constant 0 : i32
    %dma_start3A_9 = tpu.memref_slice %arg25[%dma_start3A_8] : memref<512xf32, #tpu.memory_space<vmem>> -> memref<128xf32, #tpu.memory_space<vmem>>
    %dma_start3A_10 = arith.constant 0 : i32
    %dma_start3A_11 = tpu.memref_slice %arg13[%dma_start3A_10] : memref<512xi32, #tpu.memory_space<vmem>> -> memref<128xi32, #tpu.memory_space<vmem>>
    %dma_start3A_12 = arith.constant 0 : i32
    %dma_start3A_13 = tpu.memref_slice %arg7[%dma_start3A_12] : memref<1000000xf32, #tpu.memory_space<hbm>> -> memref<1000000xf32, #tpu.memory_space<hbm>>
    tpu.enqueue_indirect_dma source(%dma_start3A_13 : memref<1000000xf32, #tpu.memory_space<hbm>>) target(%dma_start3A_9 : memref<128xf32, #tpu.memory_space<vmem>>) offsets(%dma_start3A_11 : memref<128xi32, #tpu.memory_space<vmem>>) semaphore(%arg27 : memref<!tpu.dma_semaphore, #tpu.memory_space<semaphore_mem>>)
    %dma_start3A_14 = arith.constant 128 : i32
    %dma_start3A_15 = tpu.memref_slice %arg24[%dma_start3A_14] : memref<512xf32, #tpu.memory_space<vmem>> -> memref<128xf32, #tpu.memory_space<vmem>>
    %dma_start3A_16 = arith.constant 128 : i32
    %dma_start3A_17 = tpu.memref_slice %arg12[%dma_start3A_16] : memref<512xi32, #tpu.memory_space<vmem>> -> memref<128xi32, #tpu.memory_space<vmem>>
    %dma_start3A_18 = arith.constant 0 : i32
    %dma_start3A_19 = tpu.memref_slice %arg5[%dma_start3A_18] : memref<1000000xf32, #tpu.memory_space<hbm>> -> memref<1000000xf32, #tpu.memory_space<hbm>>
    tpu.enqueue_indirect_dma source(%dma_start3A_19 : memref<1000000xf32, #tpu.memory_space<hbm>>) target(%dma_start3A_15 : memref<128xf32, #tpu.memory_space<vmem>>) offsets(%dma_start3A_17 : memref<128xi32, #tpu.memory_space<vmem>>) semaphore(%arg27 : memref<!tpu.dma_semaphore, #tpu.memory_space<semaphore_mem>>)
    %dma_start3A_20 = arith.constant 128 : i32
    %dma_start3A_21 = tpu.memref_slice %arg25[%dma_start3A_20] : memref<512xf32, #tpu.memory_space<vmem>> -> memref<128xf32, #tpu.memory_space<vmem>>
    %dma_start3A_22 = arith.constant 128 : i32
    %dma_start3A_23 = tpu.memref_slice %arg13[%dma_start3A_22] : memref<512xi32, #tpu.memory_space<vmem>> -> memref<128xi32, #tpu.memory_space<vmem>>
    %dma_start3A_24 = arith.constant 0 : i32
    %dma_start3A_25 = tpu.memref_slice %arg7[%dma_start3A_24] : memref<1000000xf32, #tpu.memory_space<hbm>> -> memref<1000000xf32, #tpu.memory_space<hbm>>
    tpu.enqueue_indirect_dma source(%dma_start3A_25 : memref<1000000xf32, #tpu.memory_space<hbm>>) target(%dma_start3A_21 : memref<128xf32, #tpu.memory_space<vmem>>) offsets(%dma_start3A_23 : memref<128xi32, #tpu.memory_space<vmem>>) semaphore(%arg27 : memref<!tpu.dma_semaphore, #tpu.memory_space<semaphore_mem>>)
    %dma_start3A_26 = arith.constant 256 : i32
    %dma_start3A_27 = tpu.memref_slice %arg24[%dma_start3A_26] : memref<512xf32, #tpu.memory_space<vmem>> -> memref<128xf32, #tpu.memory_space<vmem>>
    %dma_start3A_28 = arith.constant 256 : i32
    %dma_start3A_29 = tpu.memref_slice %arg12[%dma_start3A_28] : memref<512xi32, #tpu.memory_space<vmem>> -> memref<128xi32, #tpu.memory_space<vmem>>
    %dma_start3A_30 = arith.constant 0 : i32
    %dma_start3A_31 = tpu.memref_slice %arg5[%dma_start3A_30] : memref<1000000xf32, #tpu.memory_space<hbm>> -> memref<1000000xf32, #tpu.memory_space<hbm>>
    tpu.enqueue_indirect_dma source(%dma_start3A_31 : memref<1000000xf32, #tpu.memory_space<hbm>>) target(%dma_start3A_27 : memref<128xf32, #tpu.memory_space<vmem>>) offsets(%dma_start3A_29 : memref<128xi32, #tpu.memory_space<vmem>>) semaphore(%arg27 : memref<!tpu.dma_semaphore, #tpu.memory_space<semaphore_mem>>)
    %dma_start3A_32 = arith.constant 256 : i32
    %dma_start3A_33 = tpu.memref_slice %arg25[%dma_start3A_32] : memref<512xf32, #tpu.memory_space<vmem>> -> memref<128xf32, #tpu.memory_space<vmem>>
    %dma_start3A_34 = arith.constant 256 : i32
    %dma_start3A_35 = tpu.memref_slice %arg13[%dma_start3A_34] : memref<512xi32, #tpu.memory_space<vmem>> -> memref<128xi32, #tpu.memory_space<vmem>>
    %dma_start3A_36 = arith.constant 0 : i32
    %dma_start3A_37 = tpu.memref_slice %arg7[%dma_start3A_36] : memref<1000000xf32, #tpu.memory_space<hbm>> -> memref<1000000xf32, #tpu.memory_space<hbm>>
    tpu.enqueue_indirect_dma source(%dma_start3A_37 : memref<1000000xf32, #tpu.memory_space<hbm>>) target(%dma_start3A_33 : memref<128xf32, #tpu.memory_space<vmem>>) offsets(%dma_start3A_35 : memref<128xi32, #tpu.memory_space<vmem>>) semaphore(%arg27 : memref<!tpu.dma_semaphore, #tpu.memory_space<semaphore_mem>>)
    %dma_start3A_38 = arith.constant 384 : i32
    %dma_start3A_39 = tpu.memref_slice %arg24[%dma_start3A_38] : memref<512xf32, #tpu.memory_space<vmem>> -> memref<128xf32, #tpu.memory_space<vmem>>
    %dma_start3A_40 = arith.constant 384 : i32
    %dma_start3A_41 = tpu.memref_slice %arg12[%dma_start3A_40] : memref<512xi32, #tpu.memory_space<vmem>> -> memref<128xi32, #tpu.memory_space<vmem>>
    %dma_start3A_42 = arith.constant 0 : i32
    %dma_start3A_43 = tpu.memref_slice %arg5[%dma_start3A_42] : memref<1000000xf32, #tpu.memory_space<hbm>> -> memref<1000000xf32, #tpu.memory_space<hbm>>
    tpu.enqueue_indirect_dma source(%dma_start3A_43 : memref<1000000xf32, #tpu.memory_space<hbm>>) target(%dma_start3A_39 : memref<128xf32, #tpu.memory_space<vmem>>) offsets(%dma_start3A_41 : memref<128xi32, #tpu.memory_space<vmem>>) semaphore(%arg27 : memref<!tpu.dma_semaphore, #tpu.memory_space<semaphore_mem>>)
    %dma_start3A_44 = arith.constant 384 : i32
    %dma_start3A_45 = tpu.memref_slice %arg25[%dma_start3A_44] : memref<512xf32, #tpu.memory_space<vmem>> -> memref<128xf32, #tpu.memory_space<vmem>>
    %dma_start3A_46 = arith.constant 384 : i32
    %dma_start3A_47 = tpu.memref_slice %arg13[%dma_start3A_46] : memref<512xi32, #tpu.memory_space<vmem>> -> memref<128xi32, #tpu.memory_space<vmem>>
    %dma_start3A_48 = arith.constant 0 : i32
    %dma_start3A_49 = tpu.memref_slice %arg7[%dma_start3A_48] : memref<1000000xf32, #tpu.memory_space<hbm>> -> memref<1000000xf32, #tpu.memory_space<hbm>>
    tpu.enqueue_indirect_dma source(%dma_start3A_49 : memref<1000000xf32, #tpu.memory_space<hbm>>) target(%dma_start3A_45 : memref<128xf32, #tpu.memory_space<vmem>>) offsets(%dma_start3A_47 : memref<128xi32, #tpu.memory_space<vmem>>) semaphore(%arg27 : memref<!tpu.dma_semaphore, #tpu.memory_space<semaphore_mem>>)
    %iota3A = tpu.iota {dimensions = array<i32: 0>} : vector<16xi32>
    %add3A_50 = arith.constant 0 : i32
    %add3A_51 = vector.broadcast %add3A_50 : i32 to vector<16xi32>
    %add3A_52 = arith.addi %iota3A, %add3A_51 : vector<16xi32>
    %iota3A_53 = tpu.iota {dimensions = array<i32: 0>} : vector<16xi32>
    %add3A_54 = arith.constant 16 : i32
    %add3A_55 = vector.broadcast %add3A_54 : i32 to vector<16xi32>
    %add3A_56 = arith.addi %iota3A_53, %add3A_55 : vector<16xi32>
    %iota3A_57 = tpu.iota {dimensions = array<i32: 0>} : vector<16xi32>
    %add3A_58 = arith.constant 32 : i32
    %add3A_59 = vector.broadcast %add3A_58 : i32 to vector<16xi32>
    %add3A_60 = arith.addi %iota3A_57, %add3A_59 : vector<16xi32>
    %iota3A_61 = tpu.iota {dimensions = array<i32: 0>} : vector<16xi32>
    %add3A_62 = arith.constant 48 : i32
    %add3A_63 = vector.broadcast %add3A_62 : i32 to vector<16xi32>
    %add3A_64 = arith.addi %iota3A_61, %add3A_63 : vector<16xi32>
    %scan3A = arith.constant 0 : i32
    %scan3A_65 = arith.constant 0 : i32
    %scan3A_66 = arith.constant 32 : i32
    %scan3A_67 = arith.addi %scan3A_65, %scan3A_66 : i32
    %scan3A_68 = arith.constant 1 : i32
    scf.for %scan3A_341 = %scan3A_65 to %scan3A_67 step %scan3A_68  : i32 {
      %mul3A_342 = arith.constant 16 : i32
      %mul3A_343 = arith.muli %scan3A_341, %mul3A_342 : i32
      %get3A_344 = arith.index_cast %mul3A_343 : i32 to index
      %get3A_345 = tpu.vector_load %arg12[%get3A_344] {strides = array<i32>} : memref<512xi32, #tpu.memory_space<vmem>>, vector<16xi32>,
      %slice3A = vector.extract_strided_slice %get3A_345 {offsets = [0], sizes = [1], strides = [1]} : vector<16xi32> to vector<1xi32>
      %squeeze3A = vector.extract %slice3A[0] : i32 from vector<1xi32>
      %mul3A_346 = arith.constant 16 : i32
      %mul3A_347 = arith.muli %scan3A_341, %mul3A_346 : i32
      %add3A_348 = arith.constant 0 : i32
      %add3A_349 = arith.addi %mul3A_347, %add3A_348 : i32
      %swap3A = arith.index_cast %add3A_349 : i32 to index
      %swap3A_350 = memref.load %arg14[%swap3A] : memref<512xi32, #tpu.memory_space<smem>>
      memref.store %squeeze3A, %arg14[%swap3A] : memref<512xi32, #tpu.memory_space<smem>>
      %slice3A_351 = vector.extract_strided_slice %get3A_345 {offsets = [1], sizes = [1], strides = [1]} : vector<16xi32> to vector<1xi32>
      %squeeze3A_352 = vector.extract %slice3A_351[0] : i32 from vector<1xi32>
      %mul3A_353 = arith.constant 16 : i32
      %mul3A_354 = arith.muli %scan3A_341, %mul3A_353 : i32
      %add3A_355 = arith.constant 1 : i32
      %add3A_356 = arith.addi %mul3A_354, %add3A_355 : i32
      %swap3A_357 = arith.index_cast %add3A_356 : i32 to index
      %swap3A_358 = memref.load %arg14[%swap3A_357] : memref<512xi32, #tpu.memory_space<smem>>
      memref.store %squeeze3A_352, %arg14[%swap3A_357] : memref<512xi32, #tpu.memory_space<smem>>
      %slice3A_359 = vector.extract_strided_slice %get3A_345 {offsets = [2], sizes = [1], strides = [1]} : vector<16xi32> to vector<1xi32>
      %squeeze3A_360 = vector.extract %slice3A_359[0] : i32 from vector<1xi32>
      %mul3A_361 = arith.constant 16 : i32
      %mul3A_362 = arith.muli %scan3A_341, %mul3A_361 : i32
      %add3A_363 = arith.constant 2 : i32
      %add3A_364 = arith.addi %mul3A_362, %add3A_363 : i32
      %swap3A_365 = arith.index_cast %add3A_364 : i32 to index
      %swap3A_366 = memref.load %arg14[%swap3A_365] : memref<512xi32, #tpu.memory_space<smem>>
      memref.store %squeeze3A_360, %arg14[%swap3A_365] : memref<512xi32, #tpu.memory_space<smem>>
      %slice3A_367 = vector.extract_strided_slice %get3A_345 {offsets = [3], sizes = [1], strides = [1]} : vector<16xi32> to vector<1xi32>
      %squeeze3A_368 = vector.extract %slice3A_367[0] : i32 from vector<1xi32>
      %mul3A_369 = arith.constant 16 : i32
      %mul3A_370 = arith.muli %scan3A_341, %mul3A_369 : i32
      %add3A_371 = arith.constant 3 : i32
      %add3A_372 = arith.addi %mul3A_370, %add3A_371 : i32
      %swap3A_373 = arith.index_cast %add3A_372 : i32 to index
      %swap3A_374 = memref.load %arg14[%swap3A_373] : memref<512xi32, #tpu.memory_space<smem>>
      memref.store %squeeze3A_368, %arg14[%swap3A_373] : memref<512xi32, #tpu.memory_space<smem>>
      %slice3A_375 = vector.extract_strided_slice %get3A_345 {offsets = [4], sizes = [1], strides = [1]} : vector<16xi32> to vector<1xi32>
      %squeeze3A_376 = vector.extract %slice3A_375[0] : i32 from vector<1xi32>
      %mul3A_377 = arith.constant 16 : i32
      %mul3A_378 = arith.muli %scan3A_341, %mul3A_377 : i32
      %add3A_379 = arith.constant 4 : i32
      %add3A_380 = arith.addi %mul3A_378, %add3A_379 : i32
      %swap3A_381 = arith.index_cast %add3A_380 : i32 to index
      %swap3A_382 = memref.load %arg14[%swap3A_381] : memref<512xi32, #tpu.memory_space<smem>>
      memref.store %squeeze3A_376, %arg14[%swap3A_381] : memref<512xi32, #tpu.memory_space<smem>>
      %slice3A_383 = vector.extract_strided_slice %get3A_345 {offsets = [5], sizes = [1], strides = [1]} : vector<16xi32> to vector<1xi32>
      %squeeze3A_384 = vector.extract %slice3A_383[0] : i32 from vector<1xi32>
      %mul3A_385 = arith.constant 16 : i32
      %mul3A_386 = arith.muli %scan3A_341, %mul3A_385 : i32
      %add3A_387 = arith.constant 5 : i32
      %add3A_388 = arith.addi %mul3A_386, %add3A_387 : i32
      %swap3A_389 = arith.index_cast %add3A_388 : i32 to index
      %swap3A_390 = memref.load %arg14[%swap3A_389] : memref<512xi32, #tpu.memory_space<smem>>
      memref.store %squeeze3A_384, %arg14[%swap3A_389] : memref<512xi32, #tpu.memory_space<smem>>
      %slice3A_391 = vector.extract_strided_slice %get3A_345 {offsets = [6], sizes = [1], strides = [1]} : vector<16xi32> to vector<1xi32>
      %squeeze3A_392 = vector.extract %slice3A_391[0] : i32 from vector<1xi32>
      %mul3A_393 = arith.constant 16 : i32
      %mul3A_394 = arith.muli %scan3A_341, %mul3A_393 : i32
      %add3A_395 = arith.constant 6 : i32
      %add3A_396 = arith.addi %mul3A_394, %add3A_395 : i32
      %swap3A_397 = arith.index_cast %add3A_396 : i32 to index
      %swap3A_398 = memref.load %arg14[%swap3A_397] : memref<512xi32, #tpu.memory_space<smem>>
      memref.store %squeeze3A_392, %arg14[%swap3A_397] : memref<512xi32, #tpu.memory_space<smem>>
      %slice3A_399 = vector.extract_strided_slice %get3A_345 {offsets = [7], sizes = [1], strides = [1]} : vector<16xi32> to vector<1xi32>
      %squeeze3A_400 = vector.extract %slice3A_399[0] : i32 from vector<1xi32>
      %mul3A_401 = arith.constant 16 : i32
      %mul3A_402 = arith.muli %scan3A_341, %mul3A_401 : i32
      %add3A_403 = arith.constant 7 : i32
      %add3A_404 = arith.addi %mul3A_402, %add3A_403 : i32
      %swap3A_405 = arith.index_cast %add3A_404 : i32 to index
      %swap3A_406 = memref.load %arg14[%swap3A_405] : memref<512xi32, #tpu.memory_space<smem>>
      memref.store %squeeze3A_400, %arg14[%swap3A_405] : memref<512xi32, #tpu.memory_space<smem>>
      %slice3A_407 = vector.extract_strided_slice %get3A_345 {offsets = [8], sizes = [1], strides = [1]} : vector<16xi32> to vector<1xi32>
      %squeeze3A_408 = vector.extract %slice3A_407[0] : i32 from vector<1xi32>
      %mul3A_409 = arith.constant 16 : i32
      %mul3A_410 = arith.muli %scan3A_341, %mul3A_409 : i32
      %add3A_411 = arith.constant 8 : i32
      %add3A_412 = arith.addi %mul3A_410, %add3A_411 : i32
      %swap3A_413 = arith.index_cast %add3A_412 : i32 to index
      %swap3A_414 = memref.load %arg14[%swap3A_413] : memref<512xi32, #tpu.memory_space<smem>>
      memref.store %squeeze3A_408, %arg14[%swap3A_413] : memref<512xi32, #tpu.memory_space<smem>>
      %slice3A_415 = vector.extract_strided_slice %get3A_345 {offsets = [9], sizes = [1], strides = [1]} : vector<16xi32> to vector<1xi32>
      %squeeze3A_416 = vector.extract %slice3A_415[0] : i32 from vector<1xi32>
      %mul3A_417 = arith.constant 16 : i32
      %mul3A_418 = arith.muli %scan3A_341, %mul3A_417 : i32
      %add3A_419 = arith.constant 9 : i32
      %add3A_420 = arith.addi %mul3A_418, %add3A_419 : i32
      %swap3A_421 = arith.index_cast %add3A_420 : i32 to index
      %swap3A_422 = memref.load %arg14[%swap3A_421] : memref<512xi32, #tpu.memory_space<smem>>
      memref.store %squeeze3A_416, %arg14[%swap3A_421] : memref<512xi32, #tpu.memory_space<smem>>
      %slice3A_423 = vector.extract_strided_slice %get3A_345 {offsets = [10], sizes = [1], strides = [1]} : vector<16xi32> to vector<1xi32>
      %squeeze3A_424 = vector.extract %slice3A_423[0] : i32 from vector<1xi32>
      %mul3A_425 = arith.constant 16 : i32
      %mul3A_426 = arith.muli %scan3A_341, %mul3A_425 : i32
      %add3A_427 = arith.constant 10 : i32
      %add3A_428 = arith.addi %mul3A_426, %add3A_427 : i32
      %swap3A_429 = arith.index_cast %add3A_428 : i32 to index
      %swap3A_430 = memref.load %arg14[%swap3A_429] : memref<512xi32, #tpu.memory_space<smem>>
      memref.store %squeeze3A_424, %arg14[%swap3A_429] : memref<512xi32, #tpu.memory_space<smem>>
      %slice3A_431 = vector.extract_strided_slice %get3A_345 {offsets = [11], sizes = [1], strides = [1]} : vector<16xi32> to vector<1xi32>
      %squeeze3A_432 = vector.extract %slice3A_431[0] : i32 from vector<1xi32>
      %mul3A_433 = arith.constant 16 : i32
      %mul3A_434 = arith.muli %scan3A_341, %mul3A_433 : i32
      %add3A_435 = arith.constant 11 : i32
      %add3A_436 = arith.addi %mul3A_434, %add3A_435 : i32
      %swap3A_437 = arith.index_cast %add3A_436 : i32 to index
      %swap3A_438 = memref.load %arg14[%swap3A_437] : memref<512xi32, #tpu.memory_space<smem>>
      memref.store %squeeze3A_432, %arg14[%swap3A_437] : memref<512xi32, #tpu.memory_space<smem>>
      %slice3A_439 = vector.extract_strided_slice %get3A_345 {offsets = [12], sizes = [1], strides = [1]} : vector<16xi32> to vector<1xi32>
      %squeeze3A_440 = vector.extract %slice3A_439[0] : i32 from vector<1xi32>
      %mul3A_441 = arith.constant 16 : i32
      %mul3A_442 = arith.muli %scan3A_341, %mul3A_441 : i32
      %add3A_443 = arith.constant 12 : i32
      %add3A_444 = arith.addi %mul3A_442, %add3A_443 : i32
      %swap3A_445 = arith.index_cast %add3A_444 : i32 to index
      %swap3A_446 = memref.load %arg14[%swap3A_445] : memref<512xi32, #tpu.memory_space<smem>>
      memref.store %squeeze3A_440, %arg14[%swap3A_445] : memref<512xi32, #tpu.memory_space<smem>>
      %slice3A_447 = vector.extract_strided_slice %get3A_345 {offsets = [13], sizes = [1], strides = [1]} : vector<16xi32> to vector<1xi32>
      %squeeze3A_448 = vector.extract %slice3A_447[0] : i32 from vector<1xi32>
      %mul3A_449 = arith.constant 16 : i32
      %mul3A_450 = arith.muli %scan3A_341, %mul3A_449 : i32
      %add3A_451 = arith.constant 13 : i32
      %add3A_452 = arith.addi %mul3A_450, %add3A_451 : i32
      %swap3A_453 = arith.index_cast %add3A_452 : i32 to index
      %swap3A_454 = memref.load %arg14[%swap3A_453] : memref<512xi32, #tpu.memory_space<smem>>
      memref.store %squeeze3A_448, %arg14[%swap3A_453] : memref<512xi32, #tpu.memory_space<smem>>
      %slice3A_455 = vector.extract_strided_slice %get3A_345 {offsets = [14], sizes = [1], strides = [1]} : vector<16xi32> to vector<1xi32>
      %squeeze3A_456 = vector.extract %slice3A_455[0] : i32 from vector<1xi32>
      %mul3A_457 = arith.constant 16 : i32
      %mul3A_458 = arith.muli %scan3A_341, %mul3A_457 : i32
      %add3A_459 = arith.constant 14 : i32
      %add3A_460 = arith.addi %mul3A_458, %add3A_459 : i32
      %swap3A_461 = arith.index_cast %add3A_460 : i32 to index
      %swap3A_462 = memref.load %arg14[%swap3A_461] : memref<512xi32, #tpu.memory_space<smem>>
      memref.store %squeeze3A_456, %arg14[%swap3A_461] : memref<512xi32, #tpu.memory_space<smem>>
      %slice3A_463 = vector.extract_strided_slice %get3A_345 {offsets = [15], sizes = [1], strides = [1]} : vector<16xi32> to vector<1xi32>
      %squeeze3A_464 = vector.extract %slice3A_463[0] : i32 from vector<1xi32>
      %mul3A_465 = arith.constant 16 : i32
      %mul3A_466 = arith.muli %scan3A_341, %mul3A_465 : i32
      %add3A_467 = arith.constant 15 : i32
      %add3A_468 = arith.addi %mul3A_466, %add3A_467 : i32
      %swap3A_469 = arith.index_cast %add3A_468 : i32 to index
      %swap3A_470 = memref.load %arg14[%swap3A_469] : memref<512xi32, #tpu.memory_space<smem>>
      memref.store %squeeze3A_464, %arg14[%swap3A_469] : memref<512xi32, #tpu.memory_space<smem>>
    }
    %scan3A_69 = arith.constant 32 : i32
    %get3A = arith.constant 0 : i32
    %get3A_70 = arith.index_cast %get3A : i32 to index
    %get3A_71 = memref.load %arg14[%get3A_70] : memref<512xi32, #tpu.memory_space<smem>>
    %shift_right_arithmetic3A = arith.constant 7 : i32
    %shift_right_arithmetic3A_72 = arith.shrsi %get3A_71, %shift_right_arithmetic3A : i32
    %mul3A_73 = arith.constant 128 : i32
    %mul3A_74 = arith.muli %shift_right_arithmetic3A_72, %mul3A_73 : i32
    %multiple_of3A_75 = tpu.assume_multiple %mul3A_74, 128 : i32
    %dma_start3A_76 = arith.constant 0 : i32
    %dma_start3A_77 = tpu.memref_slice %arg4[%dma_start3A_76, %multiple_of3A_75] : memref<64x1000000xf32, #tpu.memory_space<hbm>> -> memref<64x128xf32, #tpu.memory_space<hbm>>
    %dma_start3A_78 = arith.constant 0 : i32
    %dma_start3A_79 = tpu.memref_slice %arg4[%dma_start3A_78, %multiple_of3A_75] : memref<64x1000000xf32, #tpu.memory_space<hbm>> -> memref<64x128xf32, #tpu.memory_space<hbm>>
    tpu.enqueue_dma source(%dma_start3A_79 : memref<64x128xf32, #tpu.memory_space<hbm>>) target(%arg15 : memref<64x128xf32, #tpu.memory_space<vmem>>) target_semaphore(%arg26 : memref<!tpu.dma_semaphore, #tpu.memory_space<semaphore_mem>>)
    %get3A_80 = arith.constant 1 : i32
    %get3A_81 = arith.index_cast %get3A_80 : i32 to index
    %get3A_82 = memref.load %arg14[%get3A_81] : memref<512xi32, #tpu.memory_space<smem>>
    %shift_right_arithmetic3A_83 = arith.constant 7 : i32
    %shift_right_arithmetic3A_84 = arith.shrsi %get3A_82, %shift_right_arithmetic3A_83 : i32
    %mul3A_85 = arith.constant 128 : i32
    %mul3A_86 = arith.muli %shift_right_arithmetic3A_84, %mul3A_85 : i32
    %multiple_of3A_87 = tpu.assume_multiple %mul3A_86, 128 : i32
    %dma_start3A_88 = arith.constant 0 : i32
    %dma_start3A_89 = tpu.memref_slice %arg4[%dma_start3A_88, %multiple_of3A_87] : memref<64x1000000xf32, #tpu.memory_space<hbm>> -> memref<64x128xf32, #tpu.memory_space<hbm>>
    %dma_start3A_90 = arith.constant 0 : i32
    %dma_start3A_91 = tpu.memref_slice %arg4[%dma_start3A_90, %multiple_of3A_87] : memref<64x1000000xf32, #tpu.memory_space<hbm>> -> memref<64x128xf32, #tpu.memory_space<hbm>>
    tpu.enqueue_dma source(%dma_start3A_91 : memref<64x128xf32, #tpu.memory_space<hbm>>) target(%arg16 : memref<64x128xf32, #tpu.memory_space<vmem>>) target_semaphore(%arg26 : memref<!tpu.dma_semaphore, #tpu.memory_space<semaphore_mem>>)
    %get3A_92 = arith.constant 2 : i32
    %get3A_93 = arith.index_cast %get3A_92 : i32 to index
    %get3A_94 = memref.load %arg14[%get3A_93] : memref<512xi32, #tpu.memory_space<smem>>
    %shift_right_arithmetic3A_95 = arith.constant 7 : i32
    %shift_right_arithmetic3A_96 = arith.shrsi %get3A_94, %shift_right_arithmetic3A_95 : i32
    %mul3A_97 = arith.constant 128 : i32
    %mul3A_98 = arith.muli %shift_right_arithmetic3A_96, %mul3A_97 : i32
    %multiple_of3A_99 = tpu.assume_multiple %mul3A_98, 128 : i32
    %dma_start3A_100 = arith.constant 0 : i32
    %dma_start3A_101 = tpu.memref_slice %arg4[%dma_start3A_100, %multiple_of3A_99] : memref<64x1000000xf32, #tpu.memory_space<hbm>> -> memref<64x128xf32, #tpu.memory_space<hbm>>
    %dma_start3A_102 = arith.constant 0 : i32
    %dma_start3A_103 = tpu.memref_slice %arg4[%dma_start3A_102, %multiple_of3A_99] : memref<64x1000000xf32, #tpu.memory_space<hbm>> -> memref<64x128xf32, #tpu.memory_space<hbm>>
    tpu.enqueue_dma source(%dma_start3A_103 : memref<64x128xf32, #tpu.memory_space<hbm>>) target(%arg17 : memref<64x128xf32, #tpu.memory_space<vmem>>) target_semaphore(%arg26 : memref<!tpu.dma_semaphore, #tpu.memory_space<semaphore_mem>>)
    %get3A_104 = arith.constant 3 : i32
    %get3A_105 = arith.index_cast %get3A_104 : i32 to index
    %get3A_106 = memref.load %arg14[%get3A_105] : memref<512xi32, #tpu.memory_space<smem>>
    %shift_right_arithmetic3A_107 = arith.constant 7 : i32
    %shift_right_arithmetic3A_108 = arith.shrsi %get3A_106, %shift_right_arithmetic3A_107 : i32
    %mul3A_109 = arith.constant 128 : i32
    %mul3A_110 = arith.muli %shift_right_arithmetic3A_108, %mul3A_109 : i32
    %multiple_of3A_111 = tpu.assume_multiple %mul3A_110, 128 : i32
    %dma_start3A_112 = arith.constant 0 : i32
    %dma_start3A_113 = tpu.memref_slice %arg4[%dma_start3A_112, %multiple_of3A_111] : memref<64x1000000xf32, #tpu.memory_space<hbm>> -> memref<64x128xf32, #tpu.memory_space<hbm>>
    %dma_start3A_114 = arith.constant 0 : i32
    %dma_start3A_115 = tpu.memref_slice %arg4[%dma_start3A_114, %multiple_of3A_111] : memref<64x1000000xf32, #tpu.memory_space<hbm>> -> memref<64x128xf32, #tpu.memory_space<hbm>>
    tpu.enqueue_dma source(%dma_start3A_115 : memref<64x128xf32, #tpu.memory_space<hbm>>) target(%arg18 : memref<64x128xf32, #tpu.memory_space<vmem>>) target_semaphore(%arg26 : memref<!tpu.dma_semaphore, #tpu.memory_space<semaphore_mem>>)
    %get3A_116 = arith.constant 4 : i32
    %get3A_117 = arith.index_cast %get3A_116 : i32 to index
    %get3A_118 = memref.load %arg14[%get3A_117] : memref<512xi32, #tpu.memory_space<smem>>
    %shift_right_arithmetic3A_119 = arith.constant 7 : i32
    %shift_right_arithmetic3A_120 = arith.shrsi %get3A_118, %shift_right_arithmetic3A_119 : i32
    %mul3A_121 = arith.constant 128 : i32
    %mul3A_122 = arith.muli %shift_right_arithmetic3A_120, %mul3A_121 : i32
    %multiple_of3A_123 = tpu.assume_multiple %mul3A_122, 128 : i32
    %dma_start3A_124 = arith.constant 0 : i32
    %dma_start3A_125 = tpu.memref_slice %arg4[%dma_start3A_124, %multiple_of3A_123] : memref<64x1000000xf32, #tpu.memory_space<hbm>> -> memref<64x128xf32, #tpu.memory_space<hbm>>
    %dma_start3A_126 = arith.constant 0 : i32
    %dma_start3A_127 = tpu.memref_slice %arg4[%dma_start3A_126, %multiple_of3A_123] : memref<64x1000000xf32, #tpu.memory_space<hbm>> -> memref<64x128xf32, #tpu.memory_space<hbm>>
    tpu.enqueue_dma source(%dma_start3A_127 : memref<64x128xf32, #tpu.memory_space<hbm>>) target(%arg19 : memref<64x128xf32, #tpu.memory_space<vmem>>) target_semaphore(%arg26 : memref<!tpu.dma_semaphore, #tpu.memory_space<semaphore_mem>>)
    %get3A_128 = arith.constant 5 : i32
    %get3A_129 = arith.index_cast %get3A_128 : i32 to index
    %get3A_130 = memref.load %arg14[%get3A_129] : memref<512xi32, #tpu.memory_space<smem>>
    %shift_right_arithmetic3A_131 = arith.constant 7 : i32
    %shift_right_arithmetic3A_132 = arith.shrsi %get3A_130, %shift_right_arithmetic3A_131 : i32
    %mul3A_133 = arith.constant 128 : i32
    %mul3A_134 = arith.muli %shift_right_arithmetic3A_132, %mul3A_133 : i32
    %multiple_of3A_135 = tpu.assume_multiple %mul3A_134, 128 : i32
    %dma_start3A_136 = arith.constant 0 : i32
    %dma_start3A_137 = tpu.memref_slice %arg4[%dma_start3A_136, %multiple_of3A_135] : memref<64x1000000xf32, #tpu.memory_space<hbm>> -> memref<64x128xf32, #tpu.memory_space<hbm>>
    %dma_start3A_138 = arith.constant 0 : i32
    %dma_start3A_139 = tpu.memref_slice %arg4[%dma_start3A_138, %multiple_of3A_135] : memref<64x1000000xf32, #tpu.memory_space<hbm>> -> memref<64x128xf32, #tpu.memory_space<hbm>>
    tpu.enqueue_dma source(%dma_start3A_139 : memref<64x128xf32, #tpu.memory_space<hbm>>) target(%arg20 : memref<64x128xf32, #tpu.memory_space<vmem>>) target_semaphore(%arg26 : memref<!tpu.dma_semaphore, #tpu.memory_space<semaphore_mem>>)
    %get3A_140 = arith.constant 6 : i32
    %get3A_141 = arith.index_cast %get3A_140 : i32 to index
    %get3A_142 = memref.load %arg14[%get3A_141] : memref<512xi32, #tpu.memory_space<smem>>
    %shift_right_arithmetic3A_143 = arith.constant 7 : i32
    %shift_right_arithmetic3A_144 = arith.shrsi %get3A_142, %shift_right_arithmetic3A_143 : i32
    %mul3A_145 = arith.constant 128 : i32
    %mul3A_146 = arith.muli %shift_right_arithmetic3A_144, %mul3A_145 : i32
    %multiple_of3A_147 = tpu.assume_multiple %mul3A_146, 128 : i32
    %dma_start3A_148 = arith.constant 0 : i32
    %dma_start3A_149 = tpu.memref_slice %arg4[%dma_start3A_148, %multiple_of3A_147] : memref<64x1000000xf32, #tpu.memory_space<hbm>> -> memref<64x128xf32, #tpu.memory_space<hbm>>
    %dma_start3A_150 = arith.constant 0 : i32
    %dma_start3A_151 = tpu.memref_slice %arg4[%dma_start3A_150, %multiple_of3A_147] : memref<64x1000000xf32, #tpu.memory_space<hbm>> -> memref<64x128xf32, #tpu.memory_space<hbm>>
    tpu.enqueue_dma source(%dma_start3A_151 : memref<64x128xf32, #tpu.memory_space<hbm>>) target(%arg21 : memref<64x128xf32, #tpu.memory_space<vmem>>) target_semaphore(%arg26 : memref<!tpu.dma_semaphore, #tpu.memory_space<semaphore_mem>>)
    %get3A_152 = arith.constant 7 : i32
    %get3A_153 = arith.index_cast %get3A_152 : i32 to index
    %get3A_154 = memref.load %arg14[%get3A_153] : memref<512xi32, #tpu.memory_space<smem>>
    %shift_right_arithmetic3A_155 = arith.constant 7 : i32
    %shift_right_arithmetic3A_156 = arith.shrsi %get3A_154, %shift_right_arithmetic3A_155 : i32
    %mul3A_157 = arith.constant 128 : i32
    %mul3A_158 = arith.muli %shift_right_arithmetic3A_156, %mul3A_157 : i32
    %multiple_of3A_159 = tpu.assume_multiple %mul3A_158, 128 : i32
    %dma_start3A_160 = arith.constant 0 : i32
    %dma_start3A_161 = tpu.memref_slice %arg4[%dma_start3A_160, %multiple_of3A_159] : memref<64x1000000xf32, #tpu.memory_space<hbm>> -> memref<64x128xf32, #tpu.memory_space<hbm>>
    %dma_start3A_162 = arith.constant 0 : i32
    %dma_start3A_163 = tpu.memref_slice %arg4[%dma_start3A_162, %multiple_of3A_159] : memref<64x1000000xf32, #tpu.memory_space<hbm>> -> memref<64x128xf32, #tpu.memory_space<hbm>>
    tpu.enqueue_dma source(%dma_start3A_163 : memref<64x128xf32, #tpu.memory_space<hbm>>) target(%arg22 : memref<64x128xf32, #tpu.memory_space<vmem>>) target_semaphore(%arg26 : memref<!tpu.dma_semaphore, #tpu.memory_space<semaphore_mem>>)
    %scan3A_164 = arith.constant 0 : i32
    %scan3A_165 = arith.constant 0 : i32
    %scan3A_166 = arith.constant 64 : i32
    %scan3A_167 = arith.addi %scan3A_165, %scan3A_166 : i32
    %scan3A_168 = arith.constant 1 : i32
    scf.for %scan3A_341 = %scan3A_165 to %scan3A_167 step %scan3A_168  : i32 {
      %mul3A_342 = arith.constant 8 : i32
      %mul3A_343 = arith.muli %scan3A_341, %mul3A_342 : i32
      %add3A_344 = arith.constant 0 : i32
      %add3A_345 = arith.addi %mul3A_343, %add3A_344 : i32
      %dma_wait3A_346 = arith.constant 0 : i32
      %dma_wait3A_347 = arith.constant 0 : i32
      %dma_wait3A_348 = tpu.memref_slice %arg4[%dma_wait3A_346, %dma_wait3A_347] : memref<64x1000000xf32, #tpu.memory_space<hbm>> -> memref<64x128xf32, #tpu.memory_space<hbm>>
      %dma_wait3A_349 = arith.constant 0 : i32
      %dma_wait3A_350 = arith.constant 0 : i32
      %dma_wait3A_351 = tpu.memref_slice %arg4[%dma_wait3A_349, %dma_wait3A_350] : memref<64x1000000xf32, #tpu.memory_space<hbm>> -> memref<64x128xf32, #tpu.memory_space<hbm>>
      tpu.wait_dma2 semaphore(%arg26 : memref<!tpu.dma_semaphore, #tpu.memory_space<semaphore_mem>>) src(%dma_wait3A_351 : memref<64x128xf32, #tpu.memory_space<hbm>>) dst(%arg15 : memref<64x128xf32, #tpu.memory_space<vmem>>)
      %get3A_352 = arith.index_cast %add3A_345 : i32 to index
      %get3A_353 = memref.load %arg14[%get3A_352] : memref<512xi32, #tpu.memory_space<smem>>
      %and3A = arith.constant 127 : i32
      %and3A_354 = arith.andi %get3A_353, %and3A : i32
      %mul3A_355 = arith.constant 0 : i32
      %mul3A_356 = vector.broadcast %mul3A_355 : i32 to vector<16xi32>
      %mul3A_357 = arith.muli %add3A_52, %mul3A_356 : vector<16xi32>
      %add3A_358 = vector.broadcast %and3A_354 : i32 to vector<16xi32>
      %add3A_359 = arith.addi %mul3A_357, %add3A_358 : vector<16xi32>
      %gather3A = tpu.vector_load_idx %arg15[%add3A_52, %add3A_359] : memref<64x128xf32, #tpu.memory_space<vmem>>[vector<16xi32>, vector<16xi32>], vector<16xf32>,
      %mul3A_360 = arith.constant 0 : i32
      %mul3A_361 = vector.broadcast %mul3A_360 : i32 to vector<16xi32>
      %mul3A_362 = arith.muli %add3A_52, %mul3A_361 : vector<16xi32>
      %add3A_363 = vector.broadcast %add3A_345 : i32 to vector<16xi32>
      %add3A_364 = arith.addi %mul3A_362, %add3A_363 : vector<16xi32>
      tpu.vector_store_idx %arg23[%add3A_52, %add3A_364], %gather3A : memref<64x512xf32, #tpu.memory_space<vmem>>[vector<16xi32>, vector<16xi32>], vector<16xf32>,
      %mul3A_365 = arith.constant 0 : i32
      %mul3A_366 = vector.broadcast %mul3A_365 : i32 to vector<16xi32>
      %mul3A_367 = arith.muli %add3A_56, %mul3A_366 : vector<16xi32>
      %add3A_368 = vector.broadcast %and3A_354 : i32 to vector<16xi32>
      %add3A_369 = arith.addi %mul3A_367, %add3A_368 : vector<16xi32>
      %gather3A_370 = tpu.vector_load_idx %arg15[%add3A_56, %add3A_369] : memref<64x128xf32, #tpu.memory_space<vmem>>[vector<16xi32>, vector<16xi32>], vector<16xf32>,
      %mul3A_371 = arith.constant 0 : i32
      %mul3A_372 = vector.broadcast %mul3A_371 : i32 to vector<16xi32>
      %mul3A_373 = arith.muli %add3A_56, %mul3A_372 : vector<16xi32>
      %add3A_374 = vector.broadcast %add3A_345 : i32 to vector<16xi32>
      %add3A_375 = arith.addi %mul3A_373, %add3A_374 : vector<16xi32>
      tpu.vector_store_idx %arg23[%add3A_56, %add3A_375], %gather3A_370 : memref<64x512xf32, #tpu.memory_space<vmem>>[vector<16xi32>, vector<16xi32>], vector<16xf32>,
      %mul3A_376 = arith.constant 0 : i32
      %mul3A_377 = vector.broadcast %mul3A_376 : i32 to vector<16xi32>
      %mul3A_378 = arith.muli %add3A_60, %mul3A_377 : vector<16xi32>
      %add3A_379 = vector.broadcast %and3A_354 : i32 to vector<16xi32>
      %add3A_380 = arith.addi %mul3A_378, %add3A_379 : vector<16xi32>
      %gather3A_381 = tpu.vector_load_idx %arg15[%add3A_60, %add3A_380] : memref<64x128xf32, #tpu.memory_space<vmem>>[vector<16xi32>, vector<16xi32>], vector<16xf32>,
      %mul3A_382 = arith.constant 0 : i32
      %mul3A_383 = vector.broadcast %mul3A_382 : i32 to vector<16xi32>
      %mul3A_384 = arith.muli %add3A_60, %mul3A_383 : vector<16xi32>
      %add3A_385 = vector.broadcast %add3A_345 : i32 to vector<16xi32>
      %add3A_386 = arith.addi %mul3A_384, %add3A_385 : vector<16xi32>
      tpu.vector_store_idx %arg23[%add3A_60, %add3A_386], %gather3A_381 : memref<64x512xf32, #tpu.memory_space<vmem>>[vector<16xi32>, vector<16xi32>], vector<16xf32>,
      %mul3A_387 = arith.constant 0 : i32
      %mul3A_388 = vector.broadcast %mul3A_387 : i32 to vector<16xi32>
      %mul3A_389 = arith.muli %add3A_64, %mul3A_388 : vector<16xi32>
      %add3A_390 = vector.broadcast %and3A_354 : i32 to vector<16xi32>
      %add3A_391 = arith.addi %mul3A_389, %add3A_390 : vector<16xi32>
      %gather3A_392 = tpu.vector_load_idx %arg15[%add3A_64, %add3A_391] : memref<64x128xf32, #tpu.memory_space<vmem>>[vector<16xi32>, vector<16xi32>], vector<16xf32>,
      %mul3A_393 = arith.constant 0 : i32
      %mul3A_394 = vector.broadcast %mul3A_393 : i32 to vector<16xi32>
      %mul3A_395 = arith.muli %add3A_64, %mul3A_394 : vector<16xi32>
      %add3A_396 = vector.broadcast %add3A_345 : i32 to vector<16xi32>
      %add3A_397 = arith.addi %mul3A_395, %add3A_396 : vector<16xi32>
      tpu.vector_store_idx %arg23[%add3A_64, %add3A_397], %gather3A_392 : memref<64x512xf32, #tpu.memory_space<vmem>>[vector<16xi32>, vector<16xi32>], vector<16xf32>,
      %add3A_398 = arith.constant 8 : i32
      %add3A_399 = arith.addi %add3A_345, %add3A_398 : i32
      %lt3A = arith.constant 512 : i32
      %lt3A_400 = arith.cmpi slt, %add3A_399, %lt3A : i32
      %convert_element_type3A = arith.extui %lt3A_400 : i1 to i32
      %cond3A = arith.constant 0 : i32
      %cond3A_401 = arith.cmpi ne, %convert_element_type3A, %cond3A : i32
      scf.if %cond3A_401 {
        %add3A_857 = arith.constant 8 : i32
        %add3A_858 = arith.addi %add3A_345, %add3A_857 : i32
        %get3A_859 = arith.index_cast %add3A_858 : i32 to index
        %get3A_860 = memref.load %arg14[%get3A_859] : memref<512xi32, #tpu.memory_space<smem>>
        %shift_right_arithmetic3A_861 = arith.constant 7 : i32
        %shift_right_arithmetic3A_862 = arith.shrsi %get3A_860, %shift_right_arithmetic3A_861 : i32
        %mul3A_863 = arith.constant 128 : i32
        %mul3A_864 = arith.muli %shift_right_arithmetic3A_862, %mul3A_863 : i32
        %multiple_of3A_865 = tpu.assume_multiple %mul3A_864, 128 : i32
        %dma_start3A_866 = arith.constant 0 : i32
        %dma_start3A_867 = tpu.memref_slice %arg4[%dma_start3A_866, %multiple_of3A_865] : memref<64x1000000xf32, #tpu.memory_space<hbm>> -> memref<64x128xf32, #tpu.memory_space<hbm>>
        %dma_start3A_868 = arith.constant 0 : i32
        %dma_start3A_869 = tpu.memref_slice %arg4[%dma_start3A_868, %multiple_of3A_865] : memref<64x1000000xf32, #tpu.memory_space<hbm>> -> memref<64x128xf32, #tpu.memory_space<hbm>>
        tpu.enqueue_dma source(%dma_start3A_869 : memref<64x128xf32, #tpu.memory_space<hbm>>) target(%arg15 : memref<64x128xf32, #tpu.memory_space<vmem>>) target_semaphore(%arg26 : memref<!tpu.dma_semaphore, #tpu.memory_space<semaphore_mem>>)
      } else {
      }
      %mul3A_402 = arith.constant 8 : i32
      %mul3A_403 = arith.muli %scan3A_341, %mul3A_402 : i32
      %add3A_404 = arith.constant 1 : i32
      %add3A_405 = arith.addi %mul3A_403, %add3A_404 : i32
      %dma_wait3A_406 = arith.constant 0 : i32
      %dma_wait3A_407 = arith.constant 0 : i32
      %dma_wait3A_408 = tpu.memref_slice %arg4[%dma_wait3A_406, %dma_wait3A_407] : memref<64x1000000xf32, #tpu.memory_space<hbm>> -> memref<64x128xf32, #tpu.memory_space<hbm>>
      %dma_wait3A_409 = arith.constant 0 : i32
      %dma_wait3A_410 = arith.constant 0 : i32
      %dma_wait3A_411 = tpu.memref_slice %arg4[%dma_wait3A_409, %dma_wait3A_410] : memref<64x1000000xf32, #tpu.memory_space<hbm>> -> memref<64x128xf32, #tpu.memory_space<hbm>>
      tpu.wait_dma2 semaphore(%arg26 : memref<!tpu.dma_semaphore, #tpu.memory_space<semaphore_mem>>) src(%dma_wait3A_411 : memref<64x128xf32, #tpu.memory_space<hbm>>) dst(%arg16 : memref<64x128xf32, #tpu.memory_space<vmem>>)
      %get3A_412 = arith.index_cast %add3A_405 : i32 to index
      %get3A_413 = memref.load %arg14[%get3A_412] : memref<512xi32, #tpu.memory_space<smem>>
      %and3A_414 = arith.constant 127 : i32
      %and3A_415 = arith.andi %get3A_413, %and3A_414 : i32
      %mul3A_416 = arith.constant 0 : i32
      %mul3A_417 = vector.broadcast %mul3A_416 : i32 to vector<16xi32>
      %mul3A_418 = arith.muli %add3A_52, %mul3A_417 : vector<16xi32>
      %add3A_419 = vector.broadcast %and3A_415 : i32 to vector<16xi32>
      %add3A_420 = arith.addi %mul3A_418, %add3A_419 : vector<16xi32>
      %gather3A_421 = tpu.vector_load_idx %arg16[%add3A_52, %add3A_420] : memref<64x128xf32, #tpu.memory_space<vmem>>[vector<16xi32>, vector<16xi32>], vector<16xf32>,
      %mul3A_422 = arith.constant 0 : i32
      %mul3A_423 = vector.broadcast %mul3A_422 : i32 to vector<16xi32>
      %mul3A_424 = arith.muli %add3A_52, %mul3A_423 : vector<16xi32>
      %add3A_425 = vector.broadcast %add3A_405 : i32 to vector<16xi32>
      %add3A_426 = arith.addi %mul3A_424, %add3A_425 : vector<16xi32>
      tpu.vector_store_idx %arg23[%add3A_52, %add3A_426], %gather3A_421 : memref<64x512xf32, #tpu.memory_space<vmem>>[vector<16xi32>, vector<16xi32>], vector<16xf32>,
      %mul3A_427 = arith.constant 0 : i32
      %mul3A_428 = vector.broadcast %mul3A_427 : i32 to vector<16xi32>
      %mul3A_429 = arith.muli %add3A_56, %mul3A_428 : vector<16xi32>
      %add3A_430 = vector.broadcast %and3A_415 : i32 to vector<16xi32>
      %add3A_431 = arith.addi %mul3A_429, %add3A_430 : vector<16xi32>
      %gather3A_432 = tpu.vector_load_idx %arg16[%add3A_56, %add3A_431] : memref<64x128xf32, #tpu.memory_space<vmem>>[vector<16xi32>, vector<16xi32>], vector<16xf32>,
      %mul3A_433 = arith.constant 0 : i32
      %mul3A_434 = vector.broadcast %mul3A_433 : i32 to vector<16xi32>
      %mul3A_435 = arith.muli %add3A_56, %mul3A_434 : vector<16xi32>
      %add3A_436 = vector.broadcast %add3A_405 : i32 to vector<16xi32>
      %add3A_437 = arith.addi %mul3A_435, %add3A_436 : vector<16xi32>
      tpu.vector_store_idx %arg23[%add3A_56, %add3A_437], %gather3A_432 : memref<64x512xf32, #tpu.memory_space<vmem>>[vector<16xi32>, vector<16xi32>], vector<16xf32>,
      %mul3A_438 = arith.constant 0 : i32
      %mul3A_439 = vector.broadcast %mul3A_438 : i32 to vector<16xi32>
      %mul3A_440 = arith.muli %add3A_60, %mul3A_439 : vector<16xi32>
      %add3A_441 = vector.broadcast %and3A_415 : i32 to vector<16xi32>
      %add3A_442 = arith.addi %mul3A_440, %add3A_441 : vector<16xi32>
      %gather3A_443 = tpu.vector_load_idx %arg16[%add3A_60, %add3A_442] : memref<64x128xf32, #tpu.memory_space<vmem>>[vector<16xi32>, vector<16xi32>], vector<16xf32>,
      %mul3A_444 = arith.constant 0 : i32
      %mul3A_445 = vector.broadcast %mul3A_444 : i32 to vector<16xi32>
      %mul3A_446 = arith.muli %add3A_60, %mul3A_445 : vector<16xi32>
      %add3A_447 = vector.broadcast %add3A_405 : i32 to vector<16xi32>
      %add3A_448 = arith.addi %mul3A_446, %add3A_447 : vector<16xi32>
      tpu.vector_store_idx %arg23[%add3A_60, %add3A_448], %gather3A_443 : memref<64x512xf32, #tpu.memory_space<vmem>>[vector<16xi32>, vector<16xi32>], vector<16xf32>,
      %mul3A_449 = arith.constant 0 : i32
      %mul3A_450 = vector.broadcast %mul3A_449 : i32 to vector<16xi32>
      %mul3A_451 = arith.muli %add3A_64, %mul3A_450 : vector<16xi32>
      %add3A_452 = vector.broadcast %and3A_415 : i32 to vector<16xi32>
      %add3A_453 = arith.addi %mul3A_451, %add3A_452 : vector<16xi32>
      %gather3A_454 = tpu.vector_load_idx %arg16[%add3A_64, %add3A_453] : memref<64x128xf32, #tpu.memory_space<vmem>>[vector<16xi32>, vector<16xi32>], vector<16xf32>,
      %mul3A_455 = arith.constant 0 : i32
      %mul3A_456 = vector.broadcast %mul3A_455 : i32 to vector<16xi32>
      %mul3A_457 = arith.muli %add3A_64, %mul3A_456 : vector<16xi32>
      %add3A_458 = vector.broadcast %add3A_405 : i32 to vector<16xi32>
      %add3A_459 = arith.addi %mul3A_457, %add3A_458 : vector<16xi32>
      tpu.vector_store_idx %arg23[%add3A_64, %add3A_459], %gather3A_454 : memref<64x512xf32, #tpu.memory_space<vmem>>[vector<16xi32>, vector<16xi32>], vector<16xf32>,
      %add3A_460 = arith.constant 8 : i32
      %add3A_461 = arith.addi %add3A_405, %add3A_460 : i32
      %lt3A_462 = arith.constant 512 : i32
      %lt3A_463 = arith.cmpi slt, %add3A_461, %lt3A_462 : i32
      %convert_element_type3A_464 = arith.extui %lt3A_463 : i1 to i32
      %cond3A_465 = arith.constant 0 : i32
      %cond3A_466 = arith.cmpi ne, %convert_element_type3A_464, %cond3A_465 : i32
      scf.if %cond3A_466 {
        %add3A_857 = arith.constant 8 : i32
        %add3A_858 = arith.addi %add3A_405, %add3A_857 : i32
        %get3A_859 = arith.index_cast %add3A_858 : i32 to index
        %get3A_860 = memref.load %arg14[%get3A_859] : memref<512xi32, #tpu.memory_space<smem>>
        %shift_right_arithmetic3A_861 = arith.constant 7 : i32
        %shift_right_arithmetic3A_862 = arith.shrsi %get3A_860, %shift_right_arithmetic3A_861 : i32
        %mul3A_863 = arith.constant 128 : i32
        %mul3A_864 = arith.muli %shift_right_arithmetic3A_862, %mul3A_863 : i32
        %multiple_of3A_865 = tpu.assume_multiple %mul3A_864, 128 : i32
        %dma_start3A_866 = arith.constant 0 : i32
        %dma_start3A_867 = tpu.memref_slice %arg4[%dma_start3A_866, %multiple_of3A_865] : memref<64x1000000xf32, #tpu.memory_space<hbm>> -> memref<64x128xf32, #tpu.memory_space<hbm>>
        %dma_start3A_868 = arith.constant 0 : i32
        %dma_start3A_869 = tpu.memref_slice %arg4[%dma_start3A_868, %multiple_of3A_865] : memref<64x1000000xf32, #tpu.memory_space<hbm>> -> memref<64x128xf32, #tpu.memory_space<hbm>>
        tpu.enqueue_dma source(%dma_start3A_869 : memref<64x128xf32, #tpu.memory_space<hbm>>) target(%arg16 : memref<64x128xf32, #tpu.memory_space<vmem>>) target_semaphore(%arg26 : memref<!tpu.dma_semaphore, #tpu.memory_space<semaphore_mem>>)
      } else {
      }
      %mul3A_467 = arith.constant 8 : i32
      %mul3A_468 = arith.muli %scan3A_341, %mul3A_467 : i32
      %add3A_469 = arith.constant 2 : i32
      %add3A_470 = arith.addi %mul3A_468, %add3A_469 : i32
      %dma_wait3A_471 = arith.constant 0 : i32
      %dma_wait3A_472 = arith.constant 0 : i32
      %dma_wait3A_473 = tpu.memref_slice %arg4[%dma_wait3A_471, %dma_wait3A_472] : memref<64x1000000xf32, #tpu.memory_space<hbm>> -> memref<64x128xf32, #tpu.memory_space<hbm>>
      %dma_wait3A_474 = arith.constant 0 : i32
      %dma_wait3A_475 = arith.constant 0 : i32
      %dma_wait3A_476 = tpu.memref_slice %arg4[%dma_wait3A_474, %dma_wait3A_475] : memref<64x1000000xf32, #tpu.memory_space<hbm>> -> memref<64x128xf32, #tpu.memory_space<hbm>>
      tpu.wait_dma2 semaphore(%arg26 : memref<!tpu.dma_semaphore, #tpu.memory_space<semaphore_mem>>) src(%dma_wait3A_476 : memref<64x128xf32, #tpu.memory_space<hbm>>) dst(%arg17 : memref<64x128xf32, #tpu.memory_space<vmem>>)
      %get3A_477 = arith.index_cast %add3A_470 : i32 to index
      %get3A_478 = memref.load %arg14[%get3A_477] : memref<512xi32, #tpu.memory_space<smem>>
      %and3A_479 = arith.constant 127 : i32
      %and3A_480 = arith.andi %get3A_478, %and3A_479 : i32
      %mul3A_481 = arith.constant 0 : i32
      %mul3A_482 = vector.broadcast %mul3A_481 : i32 to vector<16xi32>
      %mul3A_483 = arith.muli %add3A_52, %mul3A_482 : vector<16xi32>
      %add3A_484 = vector.broadcast %and3A_480 : i32 to vector<16xi32>
      %add3A_485 = arith.addi %mul3A_483, %add3A_484 : vector<16xi32>
      %gather3A_486 = tpu.vector_load_idx %arg17[%add3A_52, %add3A_485] : memref<64x128xf32, #tpu.memory_space<vmem>>[vector<16xi32>, vector<16xi32>], vector<16xf32>,
      %mul3A_487 = arith.constant 0 : i32
      %mul3A_488 = vector.broadcast %mul3A_487 : i32 to vector<16xi32>
      %mul3A_489 = arith.muli %add3A_52, %mul3A_488 : vector<16xi32>
      %add3A_490 = vector.broadcast %add3A_470 : i32 to vector<16xi32>
      %add3A_491 = arith.addi %mul3A_489, %add3A_490 : vector<16xi32>
      tpu.vector_store_idx %arg23[%add3A_52, %add3A_491], %gather3A_486 : memref<64x512xf32, #tpu.memory_space<vmem>>[vector<16xi32>, vector<16xi32>], vector<16xf32>,
      %mul3A_492 = arith.constant 0 : i32
      %mul3A_493 = vector.broadcast %mul3A_492 : i32 to vector<16xi32>
      %mul3A_494 = arith.muli %add3A_56, %mul3A_493 : vector<16xi32>
      %add3A_495 = vector.broadcast %and3A_480 : i32 to vector<16xi32>
      %add3A_496 = arith.addi %mul3A_494, %add3A_495 : vector<16xi32>
      %gather3A_497 = tpu.vector_load_idx %arg17[%add3A_56, %add3A_496] : memref<64x128xf32, #tpu.memory_space<vmem>>[vector<16xi32>, vector<16xi32>], vector<16xf32>,
      %mul3A_498 = arith.constant 0 : i32
      %mul3A_499 = vector.broadcast %mul3A_498 : i32 to vector<16xi32>
      %mul3A_500 = arith.muli %add3A_56, %mul3A_499 : vector<16xi32>
      %add3A_501 = vector.broadcast %add3A_470 : i32 to vector<16xi32>
      %add3A_502 = arith.addi %mul3A_500, %add3A_501 : vector<16xi32>
      tpu.vector_store_idx %arg23[%add3A_56, %add3A_502], %gather3A_497 : memref<64x512xf32, #tpu.memory_space<vmem>>[vector<16xi32>, vector<16xi32>], vector<16xf32>,
      %mul3A_503 = arith.constant 0 : i32
      %mul3A_504 = vector.broadcast %mul3A_503 : i32 to vector<16xi32>
      %mul3A_505 = arith.muli %add3A_60, %mul3A_504 : vector<16xi32>
      %add3A_506 = vector.broadcast %and3A_480 : i32 to vector<16xi32>
      %add3A_507 = arith.addi %mul3A_505, %add3A_506 : vector<16xi32>
      %gather3A_508 = tpu.vector_load_idx %arg17[%add3A_60, %add3A_507] : memref<64x128xf32, #tpu.memory_space<vmem>>[vector<16xi32>, vector<16xi32>], vector<16xf32>,
      %mul3A_509 = arith.constant 0 : i32
      %mul3A_510 = vector.broadcast %mul3A_509 : i32 to vector<16xi32>
      %mul3A_511 = arith.muli %add3A_60, %mul3A_510 : vector<16xi32>
      %add3A_512 = vector.broadcast %add3A_470 : i32 to vector<16xi32>
      %add3A_513 = arith.addi %mul3A_511, %add3A_512 : vector<16xi32>
      tpu.vector_store_idx %arg23[%add3A_60, %add3A_513], %gather3A_508 : memref<64x512xf32, #tpu.memory_space<vmem>>[vector<16xi32>, vector<16xi32>], vector<16xf32>,
      %mul3A_514 = arith.constant 0 : i32
      %mul3A_515 = vector.broadcast %mul3A_514 : i32 to vector<16xi32>
      %mul3A_516 = arith.muli %add3A_64, %mul3A_515 : vector<16xi32>
      %add3A_517 = vector.broadcast %and3A_480 : i32 to vector<16xi32>
      %add3A_518 = arith.addi %mul3A_516, %add3A_517 : vector<16xi32>
      %gather3A_519 = tpu.vector_load_idx %arg17[%add3A_64, %add3A_518] : memref<64x128xf32, #tpu.memory_space<vmem>>[vector<16xi32>, vector<16xi32>], vector<16xf32>,
      %mul3A_520 = arith.constant 0 : i32
      %mul3A_521 = vector.broadcast %mul3A_520 : i32 to vector<16xi32>
      %mul3A_522 = arith.muli %add3A_64, %mul3A_521 : vector<16xi32>
      %add3A_523 = vector.broadcast %add3A_470 : i32 to vector<16xi32>
      %add3A_524 = arith.addi %mul3A_522, %add3A_523 : vector<16xi32>
      tpu.vector_store_idx %arg23[%add3A_64, %add3A_524], %gather3A_519 : memref<64x512xf32, #tpu.memory_space<vmem>>[vector<16xi32>, vector<16xi32>], vector<16xf32>,
      %add3A_525 = arith.constant 8 : i32
      %add3A_526 = arith.addi %add3A_470, %add3A_525 : i32
      %lt3A_527 = arith.constant 512 : i32
      %lt3A_528 = arith.cmpi slt, %add3A_526, %lt3A_527 : i32
      %convert_element_type3A_529 = arith.extui %lt3A_528 : i1 to i32
      %cond3A_530 = arith.constant 0 : i32
      %cond3A_531 = arith.cmpi ne, %convert_element_type3A_529, %cond3A_530 : i32
      scf.if %cond3A_531 {
        %add3A_857 = arith.constant 8 : i32
        %add3A_858 = arith.addi %add3A_470, %add3A_857 : i32
        %get3A_859 = arith.index_cast %add3A_858 : i32 to index
        %get3A_860 = memref.load %arg14[%get3A_859] : memref<512xi32, #tpu.memory_space<smem>>
        %shift_right_arithmetic3A_861 = arith.constant 7 : i32
        %shift_right_arithmetic3A_862 = arith.shrsi %get3A_860, %shift_right_arithmetic3A_861 : i32
        %mul3A_863 = arith.constant 128 : i32
        %mul3A_864 = arith.muli %shift_right_arithmetic3A_862, %mul3A_863 : i32
        %multiple_of3A_865 = tpu.assume_multiple %mul3A_864, 128 : i32
        %dma_start3A_866 = arith.constant 0 : i32
        %dma_start3A_867 = tpu.memref_slice %arg4[%dma_start3A_866, %multiple_of3A_865] : memref<64x1000000xf32, #tpu.memory_space<hbm>> -> memref<64x128xf32, #tpu.memory_space<hbm>>
        %dma_start3A_868 = arith.constant 0 : i32
        %dma_start3A_869 = tpu.memref_slice %arg4[%dma_start3A_868, %multiple_of3A_865] : memref<64x1000000xf32, #tpu.memory_space<hbm>> -> memref<64x128xf32, #tpu.memory_space<hbm>>
        tpu.enqueue_dma source(%dma_start3A_869 : memref<64x128xf32, #tpu.memory_space<hbm>>) target(%arg17 : memref<64x128xf32, #tpu.memory_space<vmem>>) target_semaphore(%arg26 : memref<!tpu.dma_semaphore, #tpu.memory_space<semaphore_mem>>)
      } else {
      }
      %mul3A_532 = arith.constant 8 : i32
      %mul3A_533 = arith.muli %scan3A_341, %mul3A_532 : i32
      %add3A_534 = arith.constant 3 : i32
      %add3A_535 = arith.addi %mul3A_533, %add3A_534 : i32
      %dma_wait3A_536 = arith.constant 0 : i32
      %dma_wait3A_537 = arith.constant 0 : i32
      %dma_wait3A_538 = tpu.memref_slice %arg4[%dma_wait3A_536, %dma_wait3A_537] : memref<64x1000000xf32, #tpu.memory_space<hbm>> -> memref<64x128xf32, #tpu.memory_space<hbm>>
      %dma_wait3A_539 = arith.constant 0 : i32
      %dma_wait3A_540 = arith.constant 0 : i32
      %dma_wait3A_541 = tpu.memref_slice %arg4[%dma_wait3A_539, %dma_wait3A_540] : memref<64x1000000xf32, #tpu.memory_space<hbm>> -> memref<64x128xf32, #tpu.memory_space<hbm>>
      tpu.wait_dma2 semaphore(%arg26 : memref<!tpu.dma_semaphore, #tpu.memory_space<semaphore_mem>>) src(%dma_wait3A_541 : memref<64x128xf32, #tpu.memory_space<hbm>>) dst(%arg18 : memref<64x128xf32, #tpu.memory_space<vmem>>)
      %get3A_542 = arith.index_cast %add3A_535 : i32 to index
      %get3A_543 = memref.load %arg14[%get3A_542] : memref<512xi32, #tpu.memory_space<smem>>
      %and3A_544 = arith.constant 127 : i32
      %and3A_545 = arith.andi %get3A_543, %and3A_544 : i32
      %mul3A_546 = arith.constant 0 : i32
      %mul3A_547 = vector.broadcast %mul3A_546 : i32 to vector<16xi32>
      %mul3A_548 = arith.muli %add3A_52, %mul3A_547 : vector<16xi32>
      %add3A_549 = vector.broadcast %and3A_545 : i32 to vector<16xi32>
      %add3A_550 = arith.addi %mul3A_548, %add3A_549 : vector<16xi32>
      %gather3A_551 = tpu.vector_load_idx %arg18[%add3A_52, %add3A_550] : memref<64x128xf32, #tpu.memory_space<vmem>>[vector<16xi32>, vector<16xi32>], vector<16xf32>,
      %mul3A_552 = arith.constant 0 : i32
      %mul3A_553 = vector.broadcast %mul3A_552 : i32 to vector<16xi32>
      %mul3A_554 = arith.muli %add3A_52, %mul3A_553 : vector<16xi32>
      %add3A_555 = vector.broadcast %add3A_535 : i32 to vector<16xi32>
      %add3A_556 = arith.addi %mul3A_554, %add3A_555 : vector<16xi32>
      tpu.vector_store_idx %arg23[%add3A_52, %add3A_556], %gather3A_551 : memref<64x512xf32, #tpu.memory_space<vmem>>[vector<16xi32>, vector<16xi32>], vector<16xf32>,
      %mul3A_557 = arith.constant 0 : i32
      %mul3A_558 = vector.broadcast %mul3A_557 : i32 to vector<16xi32>
      %mul3A_559 = arith.muli %add3A_56, %mul3A_558 : vector<16xi32>
      %add3A_560 = vector.broadcast %and3A_545 : i32 to vector<16xi32>
      %add3A_561 = arith.addi %mul3A_559, %add3A_560 : vector<16xi32>
      %gather3A_562 = tpu.vector_load_idx %arg18[%add3A_56, %add3A_561] : memref<64x128xf32, #tpu.memory_space<vmem>>[vector<16xi32>, vector<16xi32>], vector<16xf32>,
      %mul3A_563 = arith.constant 0 : i32
      %mul3A_564 = vector.broadcast %mul3A_563 : i32 to vector<16xi32>
      %mul3A_565 = arith.muli %add3A_56, %mul3A_564 : vector<16xi32>
      %add3A_566 = vector.broadcast %add3A_535 : i32 to vector<16xi32>
      %add3A_567 = arith.addi %mul3A_565, %add3A_566 : vector<16xi32>
      tpu.vector_store_idx %arg23[%add3A_56, %add3A_567], %gather3A_562 : memref<64x512xf32, #tpu.memory_space<vmem>>[vector<16xi32>, vector<16xi32>], vector<16xf32>,
      %mul3A_568 = arith.constant 0 : i32
      %mul3A_569 = vector.broadcast %mul3A_568 : i32 to vector<16xi32>
      %mul3A_570 = arith.muli %add3A_60, %mul3A_569 : vector<16xi32>
      %add3A_571 = vector.broadcast %and3A_545 : i32 to vector<16xi32>
      %add3A_572 = arith.addi %mul3A_570, %add3A_571 : vector<16xi32>
      %gather3A_573 = tpu.vector_load_idx %arg18[%add3A_60, %add3A_572] : memref<64x128xf32, #tpu.memory_space<vmem>>[vector<16xi32>, vector<16xi32>], vector<16xf32>,
      %mul3A_574 = arith.constant 0 : i32
      %mul3A_575 = vector.broadcast %mul3A_574 : i32 to vector<16xi32>
      %mul3A_576 = arith.muli %add3A_60, %mul3A_575 : vector<16xi32>
      %add3A_577 = vector.broadcast %add3A_535 : i32 to vector<16xi32>
      %add3A_578 = arith.addi %mul3A_576, %add3A_577 : vector<16xi32>
      tpu.vector_store_idx %arg23[%add3A_60, %add3A_578], %gather3A_573 : memref<64x512xf32, #tpu.memory_space<vmem>>[vector<16xi32>, vector<16xi32>], vector<16xf32>,
      %mul3A_579 = arith.constant 0 : i32
      %mul3A_580 = vector.broadcast %mul3A_579 : i32 to vector<16xi32>
      %mul3A_581 = arith.muli %add3A_64, %mul3A_580 : vector<16xi32>
      %add3A_582 = vector.broadcast %and3A_545 : i32 to vector<16xi32>
      %add3A_583 = arith.addi %mul3A_581, %add3A_582 : vector<16xi32>
      %gather3A_584 = tpu.vector_load_idx %arg18[%add3A_64, %add3A_583] : memref<64x128xf32, #tpu.memory_space<vmem>>[vector<16xi32>, vector<16xi32>], vector<16xf32>,
      %mul3A_585 = arith.constant 0 : i32
      %mul3A_586 = vector.broadcast %mul3A_585 : i32 to vector<16xi32>
      %mul3A_587 = arith.muli %add3A_64, %mul3A_586 : vector<16xi32>
      %add3A_588 = vector.broadcast %add3A_535 : i32 to vector<16xi32>
      %add3A_589 = arith.addi %mul3A_587, %add3A_588 : vector<16xi32>
      tpu.vector_store_idx %arg23[%add3A_64, %add3A_589], %gather3A_584 : memref<64x512xf32, #tpu.memory_space<vmem>>[vector<16xi32>, vector<16xi32>], vector<16xf32>,
      %add3A_590 = arith.constant 8 : i32
      %add3A_591 = arith.addi %add3A_535, %add3A_590 : i32
      %lt3A_592 = arith.constant 512 : i32
      %lt3A_593 = arith.cmpi slt, %add3A_591, %lt3A_592 : i32
      %convert_element_type3A_594 = arith.extui %lt3A_593 : i1 to i32
      %cond3A_595 = arith.constant 0 : i32
      %cond3A_596 = arith.cmpi ne, %convert_element_type3A_594, %cond3A_595 : i32
      scf.if %cond3A_596 {
        %add3A_857 = arith.constant 8 : i32
        %add3A_858 = arith.addi %add3A_535, %add3A_857 : i32
        %get3A_859 = arith.index_cast %add3A_858 : i32 to index
        %get3A_860 = memref.load %arg14[%get3A_859] : memref<512xi32, #tpu.memory_space<smem>>
        %shift_right_arithmetic3A_861 = arith.constant 7 : i32
        %shift_right_arithmetic3A_862 = arith.shrsi %get3A_860, %shift_right_arithmetic3A_861 : i32
        %mul3A_863 = arith.constant 128 : i32
        %mul3A_864 = arith.muli %shift_right_arithmetic3A_862, %mul3A_863 : i32
        %multiple_of3A_865 = tpu.assume_multiple %mul3A_864, 128 : i32
        %dma_start3A_866 = arith.constant 0 : i32
        %dma_start3A_867 = tpu.memref_slice %arg4[%dma_start3A_866, %multiple_of3A_865] : memref<64x1000000xf32, #tpu.memory_space<hbm>> -> memref<64x128xf32, #tpu.memory_space<hbm>>
        %dma_start3A_868 = arith.constant 0 : i32
        %dma_start3A_869 = tpu.memref_slice %arg4[%dma_start3A_868, %multiple_of3A_865] : memref<64x1000000xf32, #tpu.memory_space<hbm>> -> memref<64x128xf32, #tpu.memory_space<hbm>>
        tpu.enqueue_dma source(%dma_start3A_869 : memref<64x128xf32, #tpu.memory_space<hbm>>) target(%arg18 : memref<64x128xf32, #tpu.memory_space<vmem>>) target_semaphore(%arg26 : memref<!tpu.dma_semaphore, #tpu.memory_space<semaphore_mem>>)
      } else {
      }
      %mul3A_597 = arith.constant 8 : i32
      %mul3A_598 = arith.muli %scan3A_341, %mul3A_597 : i32
      %add3A_599 = arith.constant 4 : i32
      %add3A_600 = arith.addi %mul3A_598, %add3A_599 : i32
      %dma_wait3A_601 = arith.constant 0 : i32
      %dma_wait3A_602 = arith.constant 0 : i32
      %dma_wait3A_603 = tpu.memref_slice %arg4[%dma_wait3A_601, %dma_wait3A_602] : memref<64x1000000xf32, #tpu.memory_space<hbm>> -> memref<64x128xf32, #tpu.memory_space<hbm>>
      %dma_wait3A_604 = arith.constant 0 : i32
      %dma_wait3A_605 = arith.constant 0 : i32
      %dma_wait3A_606 = tpu.memref_slice %arg4[%dma_wait3A_604, %dma_wait3A_605] : memref<64x1000000xf32, #tpu.memory_space<hbm>> -> memref<64x128xf32, #tpu.memory_space<hbm>>
      tpu.wait_dma2 semaphore(%arg26 : memref<!tpu.dma_semaphore, #tpu.memory_space<semaphore_mem>>) src(%dma_wait3A_606 : memref<64x128xf32, #tpu.memory_space<hbm>>) dst(%arg19 : memref<64x128xf32, #tpu.memory_space<vmem>>)
      %get3A_607 = arith.index_cast %add3A_600 : i32 to index
      %get3A_608 = memref.load %arg14[%get3A_607] : memref<512xi32, #tpu.memory_space<smem>>
      %and3A_609 = arith.constant 127 : i32
      %and3A_610 = arith.andi %get3A_608, %and3A_609 : i32
      %mul3A_611 = arith.constant 0 : i32
      %mul3A_612 = vector.broadcast %mul3A_611 : i32 to vector<16xi32>
      %mul3A_613 = arith.muli %add3A_52, %mul3A_612 : vector<16xi32>
      %add3A_614 = vector.broadcast %and3A_610 : i32 to vector<16xi32>
      %add3A_615 = arith.addi %mul3A_613, %add3A_614 : vector<16xi32>
      %gather3A_616 = tpu.vector_load_idx %arg19[%add3A_52, %add3A_615] : memref<64x128xf32, #tpu.memory_space<vmem>>[vector<16xi32>, vector<16xi32>], vector<16xf32>,
      %mul3A_617 = arith.constant 0 : i32
      %mul3A_618 = vector.broadcast %mul3A_617 : i32 to vector<16xi32>
      %mul3A_619 = arith.muli %add3A_52, %mul3A_618 : vector<16xi32>
      %add3A_620 = vector.broadcast %add3A_600 : i32 to vector<16xi32>
      %add3A_621 = arith.addi %mul3A_619, %add3A_620 : vector<16xi32>
      tpu.vector_store_idx %arg23[%add3A_52, %add3A_621], %gather3A_616 : memref<64x512xf32, #tpu.memory_space<vmem>>[vector<16xi32>, vector<16xi32>], vector<16xf32>,
      %mul3A_622 = arith.constant 0 : i32
      %mul3A_623 = vector.broadcast %mul3A_622 : i32 to vector<16xi32>
      %mul3A_624 = arith.muli %add3A_56, %mul3A_623 : vector<16xi32>
      %add3A_625 = vector.broadcast %and3A_610 : i32 to vector<16xi32>
      %add3A_626 = arith.addi %mul3A_624, %add3A_625 : vector<16xi32>
      %gather3A_627 = tpu.vector_load_idx %arg19[%add3A_56, %add3A_626] : memref<64x128xf32, #tpu.memory_space<vmem>>[vector<16xi32>, vector<16xi32>], vector<16xf32>,
      %mul3A_628 = arith.constant 0 : i32
      %mul3A_629 = vector.broadcast %mul3A_628 : i32 to vector<16xi32>
      %mul3A_630 = arith.muli %add3A_56, %mul3A_629 : vector<16xi32>
      %add3A_631 = vector.broadcast %add3A_600 : i32 to vector<16xi32>
      %add3A_632 = arith.addi %mul3A_630, %add3A_631 : vector<16xi32>
      tpu.vector_store_idx %arg23[%add3A_56, %add3A_632], %gather3A_627 : memref<64x512xf32, #tpu.memory_space<vmem>>[vector<16xi32>, vector<16xi32>], vector<16xf32>,
      %mul3A_633 = arith.constant 0 : i32
      %mul3A_634 = vector.broadcast %mul3A_633 : i32 to vector<16xi32>
      %mul3A_635 = arith.muli %add3A_60, %mul3A_634 : vector<16xi32>
      %add3A_636 = vector.broadcast %and3A_610 : i32 to vector<16xi32>
      %add3A_637 = arith.addi %mul3A_635, %add3A_636 : vector<16xi32>
      %gather3A_638 = tpu.vector_load_idx %arg19[%add3A_60, %add3A_637] : memref<64x128xf32, #tpu.memory_space<vmem>>[vector<16xi32>, vector<16xi32>], vector<16xf32>,
      %mul3A_639 = arith.constant 0 : i32
      %mul3A_640 = vector.broadcast %mul3A_639 : i32 to vector<16xi32>
      %mul3A_641 = arith.muli %add3A_60, %mul3A_640 : vector<16xi32>
      %add3A_642 = vector.broadcast %add3A_600 : i32 to vector<16xi32>
      %add3A_643 = arith.addi %mul3A_641, %add3A_642 : vector<16xi32>
      tpu.vector_store_idx %arg23[%add3A_60, %add3A_643], %gather3A_638 : memref<64x512xf32, #tpu.memory_space<vmem>>[vector<16xi32>, vector<16xi32>], vector<16xf32>,
      %mul3A_644 = arith.constant 0 : i32
      %mul3A_645 = vector.broadcast %mul3A_644 : i32 to vector<16xi32>
      %mul3A_646 = arith.muli %add3A_64, %mul3A_645 : vector<16xi32>
      %add3A_647 = vector.broadcast %and3A_610 : i32 to vector<16xi32>
      %add3A_648 = arith.addi %mul3A_646, %add3A_647 : vector<16xi32>
      %gather3A_649 = tpu.vector_load_idx %arg19[%add3A_64, %add3A_648] : memref<64x128xf32, #tpu.memory_space<vmem>>[vector<16xi32>, vector<16xi32>], vector<16xf32>,
      %mul3A_650 = arith.constant 0 : i32
      %mul3A_651 = vector.broadcast %mul3A_650 : i32 to vector<16xi32>
      %mul3A_652 = arith.muli %add3A_64, %mul3A_651 : vector<16xi32>
      %add3A_653 = vector.broadcast %add3A_600 : i32 to vector<16xi32>
      %add3A_654 = arith.addi %mul3A_652, %add3A_653 : vector<16xi32>
      tpu.vector_store_idx %arg23[%add3A_64, %add3A_654], %gather3A_649 : memref<64x512xf32, #tpu.memory_space<vmem>>[vector<16xi32>, vector<16xi32>], vector<16xf32>,
      %add3A_655 = arith.constant 8 : i32
      %add3A_656 = arith.addi %add3A_600, %add3A_655 : i32
      %lt3A_657 = arith.constant 512 : i32
      %lt3A_658 = arith.cmpi slt, %add3A_656, %lt3A_657 : i32
      %convert_element_type3A_659 = arith.extui %lt3A_658 : i1 to i32
      %cond3A_660 = arith.constant 0 : i32
      %cond3A_661 = arith.cmpi ne, %convert_element_type3A_659, %cond3A_660 : i32
      scf.if %cond3A_661 {
        %add3A_857 = arith.constant 8 : i32
        %add3A_858 = arith.addi %add3A_600, %add3A_857 : i32
        %get3A_859 = arith.index_cast %add3A_858 : i32 to index
        %get3A_860 = memref.load %arg14[%get3A_859] : memref<512xi32, #tpu.memory_space<smem>>
        %shift_right_arithmetic3A_861 = arith.constant 7 : i32
        %shift_right_arithmetic3A_862 = arith.shrsi %get3A_860, %shift_right_arithmetic3A_861 : i32
        %mul3A_863 = arith.constant 128 : i32
        %mul3A_864 = arith.muli %shift_right_arithmetic3A_862, %mul3A_863 : i32
        %multiple_of3A_865 = tpu.assume_multiple %mul3A_864, 128 : i32
        %dma_start3A_866 = arith.constant 0 : i32
        %dma_start3A_867 = tpu.memref_slice %arg4[%dma_start3A_866, %multiple_of3A_865] : memref<64x1000000xf32, #tpu.memory_space<hbm>> -> memref<64x128xf32, #tpu.memory_space<hbm>>
        %dma_start3A_868 = arith.constant 0 : i32
        %dma_start3A_869 = tpu.memref_slice %arg4[%dma_start3A_868, %multiple_of3A_865] : memref<64x1000000xf32, #tpu.memory_space<hbm>> -> memref<64x128xf32, #tpu.memory_space<hbm>>
        tpu.enqueue_dma source(%dma_start3A_869 : memref<64x128xf32, #tpu.memory_space<hbm>>) target(%arg19 : memref<64x128xf32, #tpu.memory_space<vmem>>) target_semaphore(%arg26 : memref<!tpu.dma_semaphore, #tpu.memory_space<semaphore_mem>>)
      } else {
      }
      %mul3A_662 = arith.constant 8 : i32
      %mul3A_663 = arith.muli %scan3A_341, %mul3A_662 : i32
      %add3A_664 = arith.constant 5 : i32
      %add3A_665 = arith.addi %mul3A_663, %add3A_664 : i32
      %dma_wait3A_666 = arith.constant 0 : i32
      %dma_wait3A_667 = arith.constant 0 : i32
      %dma_wait3A_668 = tpu.memref_slice %arg4[%dma_wait3A_666, %dma_wait3A_667] : memref<64x1000000xf32, #tpu.memory_space<hbm>> -> memref<64x128xf32, #tpu.memory_space<hbm>>
      %dma_wait3A_669 = arith.constant 0 : i32
      %dma_wait3A_670 = arith.constant 0 : i32
      %dma_wait3A_671 = tpu.memref_slice %arg4[%dma_wait3A_669, %dma_wait3A_670] : memref<64x1000000xf32, #tpu.memory_space<hbm>> -> memref<64x128xf32, #tpu.memory_space<hbm>>
      tpu.wait_dma2 semaphore(%arg26 : memref<!tpu.dma_semaphore, #tpu.memory_space<semaphore_mem>>) src(%dma_wait3A_671 : memref<64x128xf32, #tpu.memory_space<hbm>>) dst(%arg20 : memref<64x128xf32, #tpu.memory_space<vmem>>)
      %get3A_672 = arith.index_cast %add3A_665 : i32 to index
      %get3A_673 = memref.load %arg14[%get3A_672] : memref<512xi32, #tpu.memory_space<smem>>
      %and3A_674 = arith.constant 127 : i32
      %and3A_675 = arith.andi %get3A_673, %and3A_674 : i32
      %mul3A_676 = arith.constant 0 : i32
      %mul3A_677 = vector.broadcast %mul3A_676 : i32 to vector<16xi32>
      %mul3A_678 = arith.muli %add3A_52, %mul3A_677 : vector<16xi32>
      %add3A_679 = vector.broadcast %and3A_675 : i32 to vector<16xi32>
      %add3A_680 = arith.addi %mul3A_678, %add3A_679 : vector<16xi32>
      %gather3A_681 = tpu.vector_load_idx %arg20[%add3A_52, %add3A_680] : memref<64x128xf32, #tpu.memory_space<vmem>>[vector<16xi32>, vector<16xi32>], vector<16xf32>,
      %mul3A_682 = arith.constant 0 : i32
      %mul3A_683 = vector.broadcast %mul3A_682 : i32 to vector<16xi32>
      %mul3A_684 = arith.muli %add3A_52, %mul3A_683 : vector<16xi32>
      %add3A_685 = vector.broadcast %add3A_665 : i32 to vector<16xi32>
      %add3A_686 = arith.addi %mul3A_684, %add3A_685 : vector<16xi32>
      tpu.vector_store_idx %arg23[%add3A_52, %add3A_686], %gather3A_681 : memref<64x512xf32, #tpu.memory_space<vmem>>[vector<16xi32>, vector<16xi32>], vector<16xf32>,
      %mul3A_687 = arith.constant 0 : i32
      %mul3A_688 = vector.broadcast %mul3A_687 : i32 to vector<16xi32>
      %mul3A_689 = arith.muli %add3A_56, %mul3A_688 : vector<16xi32>
      %add3A_690 = vector.broadcast %and3A_675 : i32 to vector<16xi32>
      %add3A_691 = arith.addi %mul3A_689, %add3A_690 : vector<16xi32>
      %gather3A_692 = tpu.vector_load_idx %arg20[%add3A_56, %add3A_691] : memref<64x128xf32, #tpu.memory_space<vmem>>[vector<16xi32>, vector<16xi32>], vector<16xf32>,
      %mul3A_693 = arith.constant 0 : i32
      %mul3A_694 = vector.broadcast %mul3A_693 : i32 to vector<16xi32>
      %mul3A_695 = arith.muli %add3A_56, %mul3A_694 : vector<16xi32>
      %add3A_696 = vector.broadcast %add3A_665 : i32 to vector<16xi32>
      %add3A_697 = arith.addi %mul3A_695, %add3A_696 : vector<16xi32>
      tpu.vector_store_idx %arg23[%add3A_56, %add3A_697], %gather3A_692 : memref<64x512xf32, #tpu.memory_space<vmem>>[vector<16xi32>, vector<16xi32>], vector<16xf32>,
      %mul3A_698 = arith.constant 0 : i32
      %mul3A_699 = vector.broadcast %mul3A_698 : i32 to vector<16xi32>
      %mul3A_700 = arith.muli %add3A_60, %mul3A_699 : vector<16xi32>
      %add3A_701 = vector.broadcast %and3A_675 : i32 to vector<16xi32>
      %add3A_702 = arith.addi %mul3A_700, %add3A_701 : vector<16xi32>
      %gather3A_703 = tpu.vector_load_idx %arg20[%add3A_60, %add3A_702] : memref<64x128xf32, #tpu.memory_space<vmem>>[vector<16xi32>, vector<16xi32>], vector<16xf32>,
      %mul3A_704 = arith.constant 0 : i32
      %mul3A_705 = vector.broadcast %mul3A_704 : i32 to vector<16xi32>
      %mul3A_706 = arith.muli %add3A_60, %mul3A_705 : vector<16xi32>
      %add3A_707 = vector.broadcast %add3A_665 : i32 to vector<16xi32>
      %add3A_708 = arith.addi %mul3A_706, %add3A_707 : vector<16xi32>
      tpu.vector_store_idx %arg23[%add3A_60, %add3A_708], %gather3A_703 : memref<64x512xf32, #tpu.memory_space<vmem>>[vector<16xi32>, vector<16xi32>], vector<16xf32>,
      %mul3A_709 = arith.constant 0 : i32
      %mul3A_710 = vector.broadcast %mul3A_709 : i32 to vector<16xi32>
      %mul3A_711 = arith.muli %add3A_64, %mul3A_710 : vector<16xi32>
      %add3A_712 = vector.broadcast %and3A_675 : i32 to vector<16xi32>
      %add3A_713 = arith.addi %mul3A_711, %add3A_712 : vector<16xi32>
      %gather3A_714 = tpu.vector_load_idx %arg20[%add3A_64, %add3A_713] : memref<64x128xf32, #tpu.memory_space<vmem>>[vector<16xi32>, vector<16xi32>], vector<16xf32>,
      %mul3A_715 = arith.constant 0 : i32
      %mul3A_716 = vector.broadcast %mul3A_715 : i32 to vector<16xi32>
      %mul3A_717 = arith.muli %add3A_64, %mul3A_716 : vector<16xi32>
      %add3A_718 = vector.broadcast %add3A_665 : i32 to vector<16xi32>
      %add3A_719 = arith.addi %mul3A_717, %add3A_718 : vector<16xi32>
      tpu.vector_store_idx %arg23[%add3A_64, %add3A_719], %gather3A_714 : memref<64x512xf32, #tpu.memory_space<vmem>>[vector<16xi32>, vector<16xi32>], vector<16xf32>,
      %add3A_720 = arith.constant 8 : i32
      %add3A_721 = arith.addi %add3A_665, %add3A_720 : i32
      %lt3A_722 = arith.constant 512 : i32
      %lt3A_723 = arith.cmpi slt, %add3A_721, %lt3A_722 : i32
      %convert_element_type3A_724 = arith.extui %lt3A_723 : i1 to i32
      %cond3A_725 = arith.constant 0 : i32
      %cond3A_726 = arith.cmpi ne, %convert_element_type3A_724, %cond3A_725 : i32
      scf.if %cond3A_726 {
        %add3A_857 = arith.constant 8 : i32
        %add3A_858 = arith.addi %add3A_665, %add3A_857 : i32
        %get3A_859 = arith.index_cast %add3A_858 : i32 to index
        %get3A_860 = memref.load %arg14[%get3A_859] : memref<512xi32, #tpu.memory_space<smem>>
        %shift_right_arithmetic3A_861 = arith.constant 7 : i32
        %shift_right_arithmetic3A_862 = arith.shrsi %get3A_860, %shift_right_arithmetic3A_861 : i32
        %mul3A_863 = arith.constant 128 : i32
        %mul3A_864 = arith.muli %shift_right_arithmetic3A_862, %mul3A_863 : i32
        %multiple_of3A_865 = tpu.assume_multiple %mul3A_864, 128 : i32
        %dma_start3A_866 = arith.constant 0 : i32
        %dma_start3A_867 = tpu.memref_slice %arg4[%dma_start3A_866, %multiple_of3A_865] : memref<64x1000000xf32, #tpu.memory_space<hbm>> -> memref<64x128xf32, #tpu.memory_space<hbm>>
        %dma_start3A_868 = arith.constant 0 : i32
        %dma_start3A_869 = tpu.memref_slice %arg4[%dma_start3A_868, %multiple_of3A_865] : memref<64x1000000xf32, #tpu.memory_space<hbm>> -> memref<64x128xf32, #tpu.memory_space<hbm>>
        tpu.enqueue_dma source(%dma_start3A_869 : memref<64x128xf32, #tpu.memory_space<hbm>>) target(%arg20 : memref<64x128xf32, #tpu.memory_space<vmem>>) target_semaphore(%arg26 : memref<!tpu.dma_semaphore, #tpu.memory_space<semaphore_mem>>)
      } else {
      }
      %mul3A_727 = arith.constant 8 : i32
      %mul3A_728 = arith.muli %scan3A_341, %mul3A_727 : i32
      %add3A_729 = arith.constant 6 : i32
      %add3A_730 = arith.addi %mul3A_728, %add3A_729 : i32
      %dma_wait3A_731 = arith.constant 0 : i32
      %dma_wait3A_732 = arith.constant 0 : i32
      %dma_wait3A_733 = tpu.memref_slice %arg4[%dma_wait3A_731, %dma_wait3A_732] : memref<64x1000000xf32, #tpu.memory_space<hbm>> -> memref<64x128xf32, #tpu.memory_space<hbm>>
      %dma_wait3A_734 = arith.constant 0 : i32
      %dma_wait3A_735 = arith.constant 0 : i32
      %dma_wait3A_736 = tpu.memref_slice %arg4[%dma_wait3A_734, %dma_wait3A_735] : memref<64x1000000xf32, #tpu.memory_space<hbm>> -> memref<64x128xf32, #tpu.memory_space<hbm>>
      tpu.wait_dma2 semaphore(%arg26 : memref<!tpu.dma_semaphore, #tpu.memory_space<semaphore_mem>>) src(%dma_wait3A_736 : memref<64x128xf32, #tpu.memory_space<hbm>>) dst(%arg21 : memref<64x128xf32, #tpu.memory_space<vmem>>)
      %get3A_737 = arith.index_cast %add3A_730 : i32 to index
      %get3A_738 = memref.load %arg14[%get3A_737] : memref<512xi32, #tpu.memory_space<smem>>
      %and3A_739 = arith.constant 127 : i32
      %and3A_740 = arith.andi %get3A_738, %and3A_739 : i32
      %mul3A_741 = arith.constant 0 : i32
      %mul3A_742 = vector.broadcast %mul3A_741 : i32 to vector<16xi32>
      %mul3A_743 = arith.muli %add3A_52, %mul3A_742 : vector<16xi32>
      %add3A_744 = vector.broadcast %and3A_740 : i32 to vector<16xi32>
      %add3A_745 = arith.addi %mul3A_743, %add3A_744 : vector<16xi32>
      %gather3A_746 = tpu.vector_load_idx %arg21[%add3A_52, %add3A_745] : memref<64x128xf32, #tpu.memory_space<vmem>>[vector<16xi32>, vector<16xi32>], vector<16xf32>,
      %mul3A_747 = arith.constant 0 : i32
      %mul3A_748 = vector.broadcast %mul3A_747 : i32 to vector<16xi32>
      %mul3A_749 = arith.muli %add3A_52, %mul3A_748 : vector<16xi32>
      %add3A_750 = vector.broadcast %add3A_730 : i32 to vector<16xi32>
      %add3A_751 = arith.addi %mul3A_749, %add3A_750 : vector<16xi32>
      tpu.vector_store_idx %arg23[%add3A_52, %add3A_751], %gather3A_746 : memref<64x512xf32, #tpu.memory_space<vmem>>[vector<16xi32>, vector<16xi32>], vector<16xf32>,
      %mul3A_752 = arith.constant 0 : i32
      %mul3A_753 = vector.broadcast %mul3A_752 : i32 to vector<16xi32>
      %mul3A_754 = arith.muli %add3A_56, %mul3A_753 : vector<16xi32>
      %add3A_755 = vector.broadcast %and3A_740 : i32 to vector<16xi32>
      %add3A_756 = arith.addi %mul3A_754, %add3A_755 : vector<16xi32>
      %gather3A_757 = tpu.vector_load_idx %arg21[%add3A_56, %add3A_756] : memref<64x128xf32, #tpu.memory_space<vmem>>[vector<16xi32>, vector<16xi32>], vector<16xf32>,
      %mul3A_758 = arith.constant 0 : i32
      %mul3A_759 = vector.broadcast %mul3A_758 : i32 to vector<16xi32>
      %mul3A_760 = arith.muli %add3A_56, %mul3A_759 : vector<16xi32>
      %add3A_761 = vector.broadcast %add3A_730 : i32 to vector<16xi32>
      %add3A_762 = arith.addi %mul3A_760, %add3A_761 : vector<16xi32>
      tpu.vector_store_idx %arg23[%add3A_56, %add3A_762], %gather3A_757 : memref<64x512xf32, #tpu.memory_space<vmem>>[vector<16xi32>, vector<16xi32>], vector<16xf32>,
      %mul3A_763 = arith.constant 0 : i32
      %mul3A_764 = vector.broadcast %mul3A_763 : i32 to vector<16xi32>
      %mul3A_765 = arith.muli %add3A_60, %mul3A_764 : vector<16xi32>
      %add3A_766 = vector.broadcast %and3A_740 : i32 to vector<16xi32>
      %add3A_767 = arith.addi %mul3A_765, %add3A_766 : vector<16xi32>
      %gather3A_768 = tpu.vector_load_idx %arg21[%add3A_60, %add3A_767] : memref<64x128xf32, #tpu.memory_space<vmem>>[vector<16xi32>, vector<16xi32>], vector<16xf32>,
      %mul3A_769 = arith.constant 0 : i32
      %mul3A_770 = vector.broadcast %mul3A_769 : i32 to vector<16xi32>
      %mul3A_771 = arith.muli %add3A_60, %mul3A_770 : vector<16xi32>
      %add3A_772 = vector.broadcast %add3A_730 : i32 to vector<16xi32>
      %add3A_773 = arith.addi %mul3A_771, %add3A_772 : vector<16xi32>
      tpu.vector_store_idx %arg23[%add3A_60, %add3A_773], %gather3A_768 : memref<64x512xf32, #tpu.memory_space<vmem>>[vector<16xi32>, vector<16xi32>], vector<16xf32>,
      %mul3A_774 = arith.constant 0 : i32
      %mul3A_775 = vector.broadcast %mul3A_774 : i32 to vector<16xi32>
      %mul3A_776 = arith.muli %add3A_64, %mul3A_775 : vector<16xi32>
      %add3A_777 = vector.broadcast %and3A_740 : i32 to vector<16xi32>
      %add3A_778 = arith.addi %mul3A_776, %add3A_777 : vector<16xi32>
      %gather3A_779 = tpu.vector_load_idx %arg21[%add3A_64, %add3A_778] : memref<64x128xf32, #tpu.memory_space<vmem>>[vector<16xi32>, vector<16xi32>], vector<16xf32>,
      %mul3A_780 = arith.constant 0 : i32
      %mul3A_781 = vector.broadcast %mul3A_780 : i32 to vector<16xi32>
      %mul3A_782 = arith.muli %add3A_64, %mul3A_781 : vector<16xi32>
      %add3A_783 = vector.broadcast %add3A_730 : i32 to vector<16xi32>
      %add3A_784 = arith.addi %mul3A_782, %add3A_783 : vector<16xi32>
      tpu.vector_store_idx %arg23[%add3A_64, %add3A_784], %gather3A_779 : memref<64x512xf32, #tpu.memory_space<vmem>>[vector<16xi32>, vector<16xi32>], vector<16xf32>,
      %add3A_785 = arith.constant 8 : i32
      %add3A_786 = arith.addi %add3A_730, %add3A_785 : i32
      %lt3A_787 = arith.constant 512 : i32
      %lt3A_788 = arith.cmpi slt, %add3A_786, %lt3A_787 : i32
      %convert_element_type3A_789 = arith.extui %lt3A_788 : i1 to i32
      %cond3A_790 = arith.constant 0 : i32
      %cond3A_791 = arith.cmpi ne, %convert_element_type3A_789, %cond3A_790 : i32
      scf.if %cond3A_791 {
        %add3A_857 = arith.constant 8 : i32
        %add3A_858 = arith.addi %add3A_730, %add3A_857 : i32
        %get3A_859 = arith.index_cast %add3A_858 : i32 to index
        %get3A_860 = memref.load %arg14[%get3A_859] : memref<512xi32, #tpu.memory_space<smem>>
        %shift_right_arithmetic3A_861 = arith.constant 7 : i32
        %shift_right_arithmetic3A_862 = arith.shrsi %get3A_860, %shift_right_arithmetic3A_861 : i32
        %mul3A_863 = arith.constant 128 : i32
        %mul3A_864 = arith.muli %shift_right_arithmetic3A_862, %mul3A_863 : i32
        %multiple_of3A_865 = tpu.assume_multiple %mul3A_864, 128 : i32
        %dma_start3A_866 = arith.constant 0 : i32
        %dma_start3A_867 = tpu.memref_slice %arg4[%dma_start3A_866, %multiple_of3A_865] : memref<64x1000000xf32, #tpu.memory_space<hbm>> -> memref<64x128xf32, #tpu.memory_space<hbm>>
        %dma_start3A_868 = arith.constant 0 : i32
        %dma_start3A_869 = tpu.memref_slice %arg4[%dma_start3A_868, %multiple_of3A_865] : memref<64x1000000xf32, #tpu.memory_space<hbm>> -> memref<64x128xf32, #tpu.memory_space<hbm>>
        tpu.enqueue_dma source(%dma_start3A_869 : memref<64x128xf32, #tpu.memory_space<hbm>>) target(%arg21 : memref<64x128xf32, #tpu.memory_space<vmem>>) target_semaphore(%arg26 : memref<!tpu.dma_semaphore, #tpu.memory_space<semaphore_mem>>)
      } else {
      }
      %mul3A_792 = arith.constant 8 : i32
      %mul3A_793 = arith.muli %scan3A_341, %mul3A_792 : i32
      %add3A_794 = arith.constant 7 : i32
      %add3A_795 = arith.addi %mul3A_793, %add3A_794 : i32
      %dma_wait3A_796 = arith.constant 0 : i32
      %dma_wait3A_797 = arith.constant 0 : i32
      %dma_wait3A_798 = tpu.memref_slice %arg4[%dma_wait3A_796, %dma_wait3A_797] : memref<64x1000000xf32, #tpu.memory_space<hbm>> -> memref<64x128xf32, #tpu.memory_space<hbm>>
      %dma_wait3A_799 = arith.constant 0 : i32
      %dma_wait3A_800 = arith.constant 0 : i32
      %dma_wait3A_801 = tpu.memref_slice %arg4[%dma_wait3A_799, %dma_wait3A_800] : memref<64x1000000xf32, #tpu.memory_space<hbm>> -> memref<64x128xf32, #tpu.memory_space<hbm>>
      tpu.wait_dma2 semaphore(%arg26 : memref<!tpu.dma_semaphore, #tpu.memory_space<semaphore_mem>>) src(%dma_wait3A_801 : memref<64x128xf32, #tpu.memory_space<hbm>>) dst(%arg22 : memref<64x128xf32, #tpu.memory_space<vmem>>)
      %get3A_802 = arith.index_cast %add3A_795 : i32 to index
      %get3A_803 = memref.load %arg14[%get3A_802] : memref<512xi32, #tpu.memory_space<smem>>
      %and3A_804 = arith.constant 127 : i32
      %and3A_805 = arith.andi %get3A_803, %and3A_804 : i32
      %mul3A_806 = arith.constant 0 : i32
      %mul3A_807 = vector.broadcast %mul3A_806 : i32 to vector<16xi32>
      %mul3A_808 = arith.muli %add3A_52, %mul3A_807 : vector<16xi32>
      %add3A_809 = vector.broadcast %and3A_805 : i32 to vector<16xi32>
      %add3A_810 = arith.addi %mul3A_808, %add3A_809 : vector<16xi32>
      %gather3A_811 = tpu.vector_load_idx %arg22[%add3A_52, %add3A_810] : memref<64x128xf32, #tpu.memory_space<vmem>>[vector<16xi32>, vector<16xi32>], vector<16xf32>,
      %mul3A_812 = arith.constant 0 : i32
      %mul3A_813 = vector.broadcast %mul3A_812 : i32 to vector<16xi32>
      %mul3A_814 = arith.muli %add3A_52, %mul3A_813 : vector<16xi32>
      %add3A_815 = vector.broadcast %add3A_795 : i32 to vector<16xi32>
      %add3A_816 = arith.addi %mul3A_814, %add3A_815 : vector<16xi32>
      tpu.vector_store_idx %arg23[%add3A_52, %add3A_816], %gather3A_811 : memref<64x512xf32, #tpu.memory_space<vmem>>[vector<16xi32>, vector<16xi32>], vector<16xf32>,
      %mul3A_817 = arith.constant 0 : i32
      %mul3A_818 = vector.broadcast %mul3A_817 : i32 to vector<16xi32>
      %mul3A_819 = arith.muli %add3A_56, %mul3A_818 : vector<16xi32>
      %add3A_820 = vector.broadcast %and3A_805 : i32 to vector<16xi32>
      %add3A_821 = arith.addi %mul3A_819, %add3A_820 : vector<16xi32>
      %gather3A_822 = tpu.vector_load_idx %arg22[%add3A_56, %add3A_821] : memref<64x128xf32, #tpu.memory_space<vmem>>[vector<16xi32>, vector<16xi32>], vector<16xf32>,
      %mul3A_823 = arith.constant 0 : i32
      %mul3A_824 = vector.broadcast %mul3A_823 : i32 to vector<16xi32>
      %mul3A_825 = arith.muli %add3A_56, %mul3A_824 : vector<16xi32>
      %add3A_826 = vector.broadcast %add3A_795 : i32 to vector<16xi32>
      %add3A_827 = arith.addi %mul3A_825, %add3A_826 : vector<16xi32>
      tpu.vector_store_idx %arg23[%add3A_56, %add3A_827], %gather3A_822 : memref<64x512xf32, #tpu.memory_space<vmem>>[vector<16xi32>, vector<16xi32>], vector<16xf32>,
      %mul3A_828 = arith.constant 0 : i32
      %mul3A_829 = vector.broadcast %mul3A_828 : i32 to vector<16xi32>
      %mul3A_830 = arith.muli %add3A_60, %mul3A_829 : vector<16xi32>
      %add3A_831 = vector.broadcast %and3A_805 : i32 to vector<16xi32>
      %add3A_832 = arith.addi %mul3A_830, %add3A_831 : vector<16xi32>
      %gather3A_833 = tpu.vector_load_idx %arg22[%add3A_60, %add3A_832] : memref<64x128xf32, #tpu.memory_space<vmem>>[vector<16xi32>, vector<16xi32>], vector<16xf32>,
      %mul3A_834 = arith.constant 0 : i32
      %mul3A_835 = vector.broadcast %mul3A_834 : i32 to vector<16xi32>
      %mul3A_836 = arith.muli %add3A_60, %mul3A_835 : vector<16xi32>
      %add3A_837 = vector.broadcast %add3A_795 : i32 to vector<16xi32>
      %add3A_838 = arith.addi %mul3A_836, %add3A_837 : vector<16xi32>
      tpu.vector_store_idx %arg23[%add3A_60, %add3A_838], %gather3A_833 : memref<64x512xf32, #tpu.memory_space<vmem>>[vector<16xi32>, vector<16xi32>], vector<16xf32>,
      %mul3A_839 = arith.constant 0 : i32
      %mul3A_840 = vector.broadcast %mul3A_839 : i32 to vector<16xi32>
      %mul3A_841 = arith.muli %add3A_64, %mul3A_840 : vector<16xi32>
      %add3A_842 = vector.broadcast %and3A_805 : i32 to vector<16xi32>
      %add3A_843 = arith.addi %mul3A_841, %add3A_842 : vector<16xi32>
      %gather3A_844 = tpu.vector_load_idx %arg22[%add3A_64, %add3A_843] : memref<64x128xf32, #tpu.memory_space<vmem>>[vector<16xi32>, vector<16xi32>], vector<16xf32>,
      %mul3A_845 = arith.constant 0 : i32
      %mul3A_846 = vector.broadcast %mul3A_845 : i32 to vector<16xi32>
      %mul3A_847 = arith.muli %add3A_64, %mul3A_846 : vector<16xi32>
      %add3A_848 = vector.broadcast %add3A_795 : i32 to vector<16xi32>
      %add3A_849 = arith.addi %mul3A_847, %add3A_848 : vector<16xi32>
      tpu.vector_store_idx %arg23[%add3A_64, %add3A_849], %gather3A_844 : memref<64x512xf32, #tpu.memory_space<vmem>>[vector<16xi32>, vector<16xi32>], vector<16xf32>,
      %add3A_850 = arith.constant 8 : i32
      %add3A_851 = arith.addi %add3A_795, %add3A_850 : i32
      %lt3A_852 = arith.constant 512 : i32
      %lt3A_853 = arith.cmpi slt, %add3A_851, %lt3A_852 : i32
      %convert_element_type3A_854 = arith.extui %lt3A_853 : i1 to i32
      %cond3A_855 = arith.constant 0 : i32
      %cond3A_856 = arith.cmpi ne, %convert_element_type3A_854, %cond3A_855 : i32
      scf.if %cond3A_856 {
        %add3A_857 = arith.constant 8 : i32
        %add3A_858 = arith.addi %add3A_795, %add3A_857 : i32
        %get3A_859 = arith.index_cast %add3A_858 : i32 to index
        %get3A_860 = memref.load %arg14[%get3A_859] : memref<512xi32, #tpu.memory_space<smem>>
        %shift_right_arithmetic3A_861 = arith.constant 7 : i32
        %shift_right_arithmetic3A_862 = arith.shrsi %get3A_860, %shift_right_arithmetic3A_861 : i32
        %mul3A_863 = arith.constant 128 : i32
        %mul3A_864 = arith.muli %shift_right_arithmetic3A_862, %mul3A_863 : i32
        %multiple_of3A_865 = tpu.assume_multiple %mul3A_864, 128 : i32
        %dma_start3A_866 = arith.constant 0 : i32
        %dma_start3A_867 = tpu.memref_slice %arg4[%dma_start3A_866, %multiple_of3A_865] : memref<64x1000000xf32, #tpu.memory_space<hbm>> -> memref<64x128xf32, #tpu.memory_space<hbm>>
        %dma_start3A_868 = arith.constant 0 : i32
        %dma_start3A_869 = tpu.memref_slice %arg4[%dma_start3A_868, %multiple_of3A_865] : memref<64x1000000xf32, #tpu.memory_space<hbm>> -> memref<64x128xf32, #tpu.memory_space<hbm>>
        tpu.enqueue_dma source(%dma_start3A_869 : memref<64x128xf32, #tpu.memory_space<hbm>>) target(%arg22 : memref<64x128xf32, #tpu.memory_space<vmem>>) target_semaphore(%arg26 : memref<!tpu.dma_semaphore, #tpu.memory_space<semaphore_mem>>)
      } else {
      }
    }
    %scan3A_169 = arith.constant 64 : i32
    "tpu.region"() ({
      %run_scoped3A = tpu.sem_alloc : memref<!tpu.dma_semaphore, #tpu.memory_space<semaphore_mem>>
      %dma_start3A_341 = arith.constant 0 : i32
      %dma_start3A_342 = tpu.memref_slice %arg8[%dma_start3A_341, %multiple_of3A] : memref<64x16384xf32, #tpu.memory_space<hbm>> -> memref<64x512xf32, #tpu.memory_space<hbm>>
      %dma_start3A_343 = arith.constant 0 : i32
      %dma_start3A_344 = tpu.memref_slice %arg8[%dma_start3A_343, %multiple_of3A] : memref<64x16384xf32, #tpu.memory_space<hbm>> -> memref<64x512xf32, #tpu.memory_space<hbm>>
      tpu.enqueue_dma source(%arg23 : memref<64x512xf32, #tpu.memory_space<vmem>>) target(%dma_start3A_344 : memref<64x512xf32, #tpu.memory_space<hbm>>) target_semaphore(%run_scoped3A : memref<!tpu.dma_semaphore, #tpu.memory_space<semaphore_mem>>)
      %dma_wait3A_345 = arith.constant 0 : i32
      %dma_wait3A_346 = tpu.memref_slice %arg8[%dma_wait3A_345, %multiple_of3A] : memref<64x16384xf32, #tpu.memory_space<hbm>> -> memref<64x512xf32, #tpu.memory_space<hbm>>
      %dma_wait3A_347 = arith.constant 0 : i32
      %dma_wait3A_348 = tpu.memref_slice %arg8[%dma_wait3A_347, %multiple_of3A] : memref<64x16384xf32, #tpu.memory_space<hbm>> -> memref<64x512xf32, #tpu.memory_space<hbm>>
      tpu.wait_dma2 semaphore(%run_scoped3A : memref<!tpu.dma_semaphore, #tpu.memory_space<semaphore_mem>>) src(%arg23 : memref<64x512xf32, #tpu.memory_space<vmem>>) dst(%dma_wait3A_348 : memref<64x512xf32, #tpu.memory_space<hbm>>)
      tpu.yield
    }) : () -> ()
    %iota3A_170 = tpu.iota {dimensions = array<i32: 0>} : vector<16xi32>
    %add3A_171 = arith.constant 0 : i32
    %add3A_172 = vector.broadcast %add3A_171 : i32 to vector<16xi32>
    %add3A_173 = arith.addi %iota3A_170, %add3A_172 : vector<16xi32>
    %iota3A_174 = tpu.iota {dimensions = array<i32: 0>} : vector<16xi32>
    %add3A_175 = arith.constant 16 : i32
    %add3A_176 = vector.broadcast %add3A_175 : i32 to vector<16xi32>
    %add3A_177 = arith.addi %iota3A_174, %add3A_176 : vector<16xi32>
    %iota3A_178 = tpu.iota {dimensions = array<i32: 0>} : vector<16xi32>
    %add3A_179 = arith.constant 32 : i32
    %add3A_180 = vector.broadcast %add3A_179 : i32 to vector<16xi32>
    %add3A_181 = arith.addi %iota3A_178, %add3A_180 : vector<16xi32>
    %iota3A_182 = tpu.iota {dimensions = array<i32: 0>} : vector<16xi32>
    %add3A_183 = arith.constant 48 : i32
    %add3A_184 = vector.broadcast %add3A_183 : i32 to vector<16xi32>
    %add3A_185 = arith.addi %iota3A_182, %add3A_184 : vector<16xi32>
    %scan3A_186 = arith.constant 0 : i32
    %scan3A_187 = arith.constant 0 : i32
    %scan3A_188 = arith.constant 32 : i32
    %scan3A_189 = arith.addi %scan3A_187, %scan3A_188 : i32
    %scan3A_190 = arith.constant 1 : i32
    scf.for %scan3A_341 = %scan3A_187 to %scan3A_189 step %scan3A_190  : i32 {
      %mul3A_342 = arith.constant 16 : i32
      %mul3A_343 = arith.muli %scan3A_341, %mul3A_342 : i32
      %get3A_344 = arith.index_cast %mul3A_343 : i32 to index
      %get3A_345 = tpu.vector_load %arg13[%get3A_344] {strides = array<i32>} : memref<512xi32, #tpu.memory_space<vmem>>, vector<16xi32>,
      %slice3A = vector.extract_strided_slice %get3A_345 {offsets = [0], sizes = [1], strides = [1]} : vector<16xi32> to vector<1xi32>
      %squeeze3A = vector.extract %slice3A[0] : i32 from vector<1xi32>
      %mul3A_346 = arith.constant 16 : i32
      %mul3A_347 = arith.muli %scan3A_341, %mul3A_346 : i32
      %add3A_348 = arith.constant 0 : i32
      %add3A_349 = arith.addi %mul3A_347, %add3A_348 : i32
      %swap3A = arith.index_cast %add3A_349 : i32 to index
      %swap3A_350 = memref.load %arg14[%swap3A] : memref<512xi32, #tpu.memory_space<smem>>
      memref.store %squeeze3A, %arg14[%swap3A] : memref<512xi32, #tpu.memory_space<smem>>
      %slice3A_351 = vector.extract_strided_slice %get3A_345 {offsets = [1], sizes = [1], strides = [1]} : vector<16xi32> to vector<1xi32>
      %squeeze3A_352 = vector.extract %slice3A_351[0] : i32 from vector<1xi32>
      %mul3A_353 = arith.constant 16 : i32
      %mul3A_354 = arith.muli %scan3A_341, %mul3A_353 : i32
      %add3A_355 = arith.constant 1 : i32
      %add3A_356 = arith.addi %mul3A_354, %add3A_355 : i32
      %swap3A_357 = arith.index_cast %add3A_356 : i32 to index
      %swap3A_358 = memref.load %arg14[%swap3A_357] : memref<512xi32, #tpu.memory_space<smem>>
      memref.store %squeeze3A_352, %arg14[%swap3A_357] : memref<512xi32, #tpu.memory_space<smem>>
      %slice3A_359 = vector.extract_strided_slice %get3A_345 {offsets = [2], sizes = [1], strides = [1]} : vector<16xi32> to vector<1xi32>
      %squeeze3A_360 = vector.extract %slice3A_359[0] : i32 from vector<1xi32>
      %mul3A_361 = arith.constant 16 : i32
      %mul3A_362 = arith.muli %scan3A_341, %mul3A_361 : i32
      %add3A_363 = arith.constant 2 : i32
      %add3A_364 = arith.addi %mul3A_362, %add3A_363 : i32
      %swap3A_365 = arith.index_cast %add3A_364 : i32 to index
      %swap3A_366 = memref.load %arg14[%swap3A_365] : memref<512xi32, #tpu.memory_space<smem>>
      memref.store %squeeze3A_360, %arg14[%swap3A_365] : memref<512xi32, #tpu.memory_space<smem>>
      %slice3A_367 = vector.extract_strided_slice %get3A_345 {offsets = [3], sizes = [1], strides = [1]} : vector<16xi32> to vector<1xi32>
      %squeeze3A_368 = vector.extract %slice3A_367[0] : i32 from vector<1xi32>
      %mul3A_369 = arith.constant 16 : i32
      %mul3A_370 = arith.muli %scan3A_341, %mul3A_369 : i32
      %add3A_371 = arith.constant 3 : i32
      %add3A_372 = arith.addi %mul3A_370, %add3A_371 : i32
      %swap3A_373 = arith.index_cast %add3A_372 : i32 to index
      %swap3A_374 = memref.load %arg14[%swap3A_373] : memref<512xi32, #tpu.memory_space<smem>>
      memref.store %squeeze3A_368, %arg14[%swap3A_373] : memref<512xi32, #tpu.memory_space<smem>>
      %slice3A_375 = vector.extract_strided_slice %get3A_345 {offsets = [4], sizes = [1], strides = [1]} : vector<16xi32> to vector<1xi32>
      %squeeze3A_376 = vector.extract %slice3A_375[0] : i32 from vector<1xi32>
      %mul3A_377 = arith.constant 16 : i32
      %mul3A_378 = arith.muli %scan3A_341, %mul3A_377 : i32
      %add3A_379 = arith.constant 4 : i32
      %add3A_380 = arith.addi %mul3A_378, %add3A_379 : i32
      %swap3A_381 = arith.index_cast %add3A_380 : i32 to index
      %swap3A_382 = memref.load %arg14[%swap3A_381] : memref<512xi32, #tpu.memory_space<smem>>
      memref.store %squeeze3A_376, %arg14[%swap3A_381] : memref<512xi32, #tpu.memory_space<smem>>
      %slice3A_383 = vector.extract_strided_slice %get3A_345 {offsets = [5], sizes = [1], strides = [1]} : vector<16xi32> to vector<1xi32>
      %squeeze3A_384 = vector.extract %slice3A_383[0] : i32 from vector<1xi32>
      %mul3A_385 = arith.constant 16 : i32
      %mul3A_386 = arith.muli %scan3A_341, %mul3A_385 : i32
      %add3A_387 = arith.constant 5 : i32
      %add3A_388 = arith.addi %mul3A_386, %add3A_387 : i32
      %swap3A_389 = arith.index_cast %add3A_388 : i32 to index
      %swap3A_390 = memref.load %arg14[%swap3A_389] : memref<512xi32, #tpu.memory_space<smem>>
      memref.store %squeeze3A_384, %arg14[%swap3A_389] : memref<512xi32, #tpu.memory_space<smem>>
      %slice3A_391 = vector.extract_strided_slice %get3A_345 {offsets = [6], sizes = [1], strides = [1]} : vector<16xi32> to vector<1xi32>
      %squeeze3A_392 = vector.extract %slice3A_391[0] : i32 from vector<1xi32>
      %mul3A_393 = arith.constant 16 : i32
      %mul3A_394 = arith.muli %scan3A_341, %mul3A_393 : i32
      %add3A_395 = arith.constant 6 : i32
      %add3A_396 = arith.addi %mul3A_394, %add3A_395 : i32
      %swap3A_397 = arith.index_cast %add3A_396 : i32 to index
      %swap3A_398 = memref.load %arg14[%swap3A_397] : memref<512xi32, #tpu.memory_space<smem>>
      memref.store %squeeze3A_392, %arg14[%swap3A_397] : memref<512xi32, #tpu.memory_space<smem>>
      %slice3A_399 = vector.extract_strided_slice %get3A_345 {offsets = [7], sizes = [1], strides = [1]} : vector<16xi32> to vector<1xi32>
      %squeeze3A_400 = vector.extract %slice3A_399[0] : i32 from vector<1xi32>
      %mul3A_401 = arith.constant 16 : i32
      %mul3A_402 = arith.muli %scan3A_341, %mul3A_401 : i32
      %add3A_403 = arith.constant 7 : i32
      %add3A_404 = arith.addi %mul3A_402, %add3A_403 : i32
      %swap3A_405 = arith.index_cast %add3A_404 : i32 to index
      %swap3A_406 = memref.load %arg14[%swap3A_405] : memref<512xi32, #tpu.memory_space<smem>>
      memref.store %squeeze3A_400, %arg14[%swap3A_405] : memref<512xi32, #tpu.memory_space<smem>>
      %slice3A_407 = vector.extract_strided_slice %get3A_345 {offsets = [8], sizes = [1], strides = [1]} : vector<16xi32> to vector<1xi32>
      %squeeze3A_408 = vector.extract %slice3A_407[0] : i32 from vector<1xi32>
      %mul3A_409 = arith.constant 16 : i32
      %mul3A_410 = arith.muli %scan3A_341, %mul3A_409 : i32
      %add3A_411 = arith.constant 8 : i32
      %add3A_412 = arith.addi %mul3A_410, %add3A_411 : i32
      %swap3A_413 = arith.index_cast %add3A_412 : i32 to index
      %swap3A_414 = memref.load %arg14[%swap3A_413] : memref<512xi32, #tpu.memory_space<smem>>
      memref.store %squeeze3A_408, %arg14[%swap3A_413] : memref<512xi32, #tpu.memory_space<smem>>
      %slice3A_415 = vector.extract_strided_slice %get3A_345 {offsets = [9], sizes = [1], strides = [1]} : vector<16xi32> to vector<1xi32>
      %squeeze3A_416 = vector.extract %slice3A_415[0] : i32 from vector<1xi32>
      %mul3A_417 = arith.constant 16 : i32
      %mul3A_418 = arith.muli %scan3A_341, %mul3A_417 : i32
      %add3A_419 = arith.constant 9 : i32
      %add3A_420 = arith.addi %mul3A_418, %add3A_419 : i32
      %swap3A_421 = arith.index_cast %add3A_420 : i32 to index
      %swap3A_422 = memref.load %arg14[%swap3A_421] : memref<512xi32, #tpu.memory_space<smem>>
      memref.store %squeeze3A_416, %arg14[%swap3A_421] : memref<512xi32, #tpu.memory_space<smem>>
      %slice3A_423 = vector.extract_strided_slice %get3A_345 {offsets = [10], sizes = [1], strides = [1]} : vector<16xi32> to vector<1xi32>
      %squeeze3A_424 = vector.extract %slice3A_423[0] : i32 from vector<1xi32>
      %mul3A_425 = arith.constant 16 : i32
      %mul3A_426 = arith.muli %scan3A_341, %mul3A_425 : i32
      %add3A_427 = arith.constant 10 : i32
      %add3A_428 = arith.addi %mul3A_426, %add3A_427 : i32
      %swap3A_429 = arith.index_cast %add3A_428 : i32 to index
      %swap3A_430 = memref.load %arg14[%swap3A_429] : memref<512xi32, #tpu.memory_space<smem>>
      memref.store %squeeze3A_424, %arg14[%swap3A_429] : memref<512xi32, #tpu.memory_space<smem>>
      %slice3A_431 = vector.extract_strided_slice %get3A_345 {offsets = [11], sizes = [1], strides = [1]} : vector<16xi32> to vector<1xi32>
      %squeeze3A_432 = vector.extract %slice3A_431[0] : i32 from vector<1xi32>
      %mul3A_433 = arith.constant 16 : i32
      %mul3A_434 = arith.muli %scan3A_341, %mul3A_433 : i32
      %add3A_435 = arith.constant 11 : i32
      %add3A_436 = arith.addi %mul3A_434, %add3A_435 : i32
      %swap3A_437 = arith.index_cast %add3A_436 : i32 to index
      %swap3A_438 = memref.load %arg14[%swap3A_437] : memref<512xi32, #tpu.memory_space<smem>>
      memref.store %squeeze3A_432, %arg14[%swap3A_437] : memref<512xi32, #tpu.memory_space<smem>>
      %slice3A_439 = vector.extract_strided_slice %get3A_345 {offsets = [12], sizes = [1], strides = [1]} : vector<16xi32> to vector<1xi32>
      %squeeze3A_440 = vector.extract %slice3A_439[0] : i32 from vector<1xi32>
      %mul3A_441 = arith.constant 16 : i32
      %mul3A_442 = arith.muli %scan3A_341, %mul3A_441 : i32
      %add3A_443 = arith.constant 12 : i32
      %add3A_444 = arith.addi %mul3A_442, %add3A_443 : i32
      %swap3A_445 = arith.index_cast %add3A_444 : i32 to index
      %swap3A_446 = memref.load %arg14[%swap3A_445] : memref<512xi32, #tpu.memory_space<smem>>
      memref.store %squeeze3A_440, %arg14[%swap3A_445] : memref<512xi32, #tpu.memory_space<smem>>
      %slice3A_447 = vector.extract_strided_slice %get3A_345 {offsets = [13], sizes = [1], strides = [1]} : vector<16xi32> to vector<1xi32>
      %squeeze3A_448 = vector.extract %slice3A_447[0] : i32 from vector<1xi32>
      %mul3A_449 = arith.constant 16 : i32
      %mul3A_450 = arith.muli %scan3A_341, %mul3A_449 : i32
      %add3A_451 = arith.constant 13 : i32
      %add3A_452 = arith.addi %mul3A_450, %add3A_451 : i32
      %swap3A_453 = arith.index_cast %add3A_452 : i32 to index
      %swap3A_454 = memref.load %arg14[%swap3A_453] : memref<512xi32, #tpu.memory_space<smem>>
      memref.store %squeeze3A_448, %arg14[%swap3A_453] : memref<512xi32, #tpu.memory_space<smem>>
      %slice3A_455 = vector.extract_strided_slice %get3A_345 {offsets = [14], sizes = [1], strides = [1]} : vector<16xi32> to vector<1xi32>
      %squeeze3A_456 = vector.extract %slice3A_455[0] : i32 from vector<1xi32>
      %mul3A_457 = arith.constant 16 : i32
      %mul3A_458 = arith.muli %scan3A_341, %mul3A_457 : i32
      %add3A_459 = arith.constant 14 : i32
      %add3A_460 = arith.addi %mul3A_458, %add3A_459 : i32
      %swap3A_461 = arith.index_cast %add3A_460 : i32 to index
      %swap3A_462 = memref.load %arg14[%swap3A_461] : memref<512xi32, #tpu.memory_space<smem>>
      memref.store %squeeze3A_456, %arg14[%swap3A_461] : memref<512xi32, #tpu.memory_space<smem>>
      %slice3A_463 = vector.extract_strided_slice %get3A_345 {offsets = [15], sizes = [1], strides = [1]} : vector<16xi32> to vector<1xi32>
      %squeeze3A_464 = vector.extract %slice3A_463[0] : i32 from vector<1xi32>
      %mul3A_465 = arith.constant 16 : i32
      %mul3A_466 = arith.muli %scan3A_341, %mul3A_465 : i32
      %add3A_467 = arith.constant 15 : i32
      %add3A_468 = arith.addi %mul3A_466, %add3A_467 : i32
      %swap3A_469 = arith.index_cast %add3A_468 : i32 to index
      %swap3A_470 = memref.load %arg14[%swap3A_469] : memref<512xi32, #tpu.memory_space<smem>>
      memref.store %squeeze3A_464, %arg14[%swap3A_469] : memref<512xi32, #tpu.memory_space<smem>>
    }
    %scan3A_191 = arith.constant 32 : i32
    %get3A_192 = arith.constant 0 : i32
    %get3A_193 = arith.index_cast %get3A_192 : i32 to index
    %get3A_194 = memref.load %arg14[%get3A_193] : memref<512xi32, #tpu.memory_space<smem>>
    %shift_right_arithmetic3A_195 = arith.constant 7 : i32
    %shift_right_arithmetic3A_196 = arith.shrsi %get3A_194, %shift_right_arithmetic3A_195 : i32
    %mul3A_197 = arith.constant 128 : i32
    %mul3A_198 = arith.muli %shift_right_arithmetic3A_196, %mul3A_197 : i32
    %multiple_of3A_199 = tpu.assume_multiple %mul3A_198, 128 : i32
    %dma_start3A_200 = arith.constant 0 : i32
    %dma_start3A_201 = tpu.memref_slice %arg6[%dma_start3A_200, %multiple_of3A_199] : memref<64x1000000xf32, #tpu.memory_space<hbm>> -> memref<64x128xf32, #tpu.memory_space<hbm>>
    %dma_start3A_202 = arith.constant 0 : i32
    %dma_start3A_203 = tpu.memref_slice %arg6[%dma_start3A_202, %multiple_of3A_199] : memref<64x1000000xf32, #tpu.memory_space<hbm>> -> memref<64x128xf32, #tpu.memory_space<hbm>>
    tpu.enqueue_dma source(%dma_start3A_203 : memref<64x128xf32, #tpu.memory_space<hbm>>) target(%arg15 : memref<64x128xf32, #tpu.memory_space<vmem>>) target_semaphore(%arg26 : memref<!tpu.dma_semaphore, #tpu.memory_space<semaphore_mem>>)
    %get3A_204 = arith.constant 1 : i32
    %get3A_205 = arith.index_cast %get3A_204 : i32 to index
    %get3A_206 = memref.load %arg14[%get3A_205] : memref<512xi32, #tpu.memory_space<smem>>
    %shift_right_arithmetic3A_207 = arith.constant 7 : i32
    %shift_right_arithmetic3A_208 = arith.shrsi %get3A_206, %shift_right_arithmetic3A_207 : i32
    %mul3A_209 = arith.constant 128 : i32
    %mul3A_210 = arith.muli %shift_right_arithmetic3A_208, %mul3A_209 : i32
    %multiple_of3A_211 = tpu.assume_multiple %mul3A_210, 128 : i32
    %dma_start3A_212 = arith.constant 0 : i32
    %dma_start3A_213 = tpu.memref_slice %arg6[%dma_start3A_212, %multiple_of3A_211] : memref<64x1000000xf32, #tpu.memory_space<hbm>> -> memref<64x128xf32, #tpu.memory_space<hbm>>
    %dma_start3A_214 = arith.constant 0 : i32
    %dma_start3A_215 = tpu.memref_slice %arg6[%dma_start3A_214, %multiple_of3A_211] : memref<64x1000000xf32, #tpu.memory_space<hbm>> -> memref<64x128xf32, #tpu.memory_space<hbm>>
    tpu.enqueue_dma source(%dma_start3A_215 : memref<64x128xf32, #tpu.memory_space<hbm>>) target(%arg16 : memref<64x128xf32, #tpu.memory_space<vmem>>) target_semaphore(%arg26 : memref<!tpu.dma_semaphore, #tpu.memory_space<semaphore_mem>>)
    %get3A_216 = arith.constant 2 : i32
    %get3A_217 = arith.index_cast %get3A_216 : i32 to index
    %get3A_218 = memref.load %arg14[%get3A_217] : memref<512xi32, #tpu.memory_space<smem>>
    %shift_right_arithmetic3A_219 = arith.constant 7 : i32
    %shift_right_arithmetic3A_220 = arith.shrsi %get3A_218, %shift_right_arithmetic3A_219 : i32
    %mul3A_221 = arith.constant 128 : i32
    %mul3A_222 = arith.muli %shift_right_arithmetic3A_220, %mul3A_221 : i32
    %multiple_of3A_223 = tpu.assume_multiple %mul3A_222, 128 : i32
    %dma_start3A_224 = arith.constant 0 : i32
    %dma_start3A_225 = tpu.memref_slice %arg6[%dma_start3A_224, %multiple_of3A_223] : memref<64x1000000xf32, #tpu.memory_space<hbm>> -> memref<64x128xf32, #tpu.memory_space<hbm>>
    %dma_start3A_226 = arith.constant 0 : i32
    %dma_start3A_227 = tpu.memref_slice %arg6[%dma_start3A_226, %multiple_of3A_223] : memref<64x1000000xf32, #tpu.memory_space<hbm>> -> memref<64x128xf32, #tpu.memory_space<hbm>>
    tpu.enqueue_dma source(%dma_start3A_227 : memref<64x128xf32, #tpu.memory_space<hbm>>) target(%arg17 : memref<64x128xf32, #tpu.memory_space<vmem>>) target_semaphore(%arg26 : memref<!tpu.dma_semaphore, #tpu.memory_space<semaphore_mem>>)
    %get3A_228 = arith.constant 3 : i32
    %get3A_229 = arith.index_cast %get3A_228 : i32 to index
    %get3A_230 = memref.load %arg14[%get3A_229] : memref<512xi32, #tpu.memory_space<smem>>
    %shift_right_arithmetic3A_231 = arith.constant 7 : i32
    %shift_right_arithmetic3A_232 = arith.shrsi %get3A_230, %shift_right_arithmetic3A_231 : i32
    %mul3A_233 = arith.constant 128 : i32
    %mul3A_234 = arith.muli %shift_right_arithmetic3A_232, %mul3A_233 : i32
    %multiple_of3A_235 = tpu.assume_multiple %mul3A_234, 128 : i32
    %dma_start3A_236 = arith.constant 0 : i32
    %dma_start3A_237 = tpu.memref_slice %arg6[%dma_start3A_236, %multiple_of3A_235] : memref<64x1000000xf32, #tpu.memory_space<hbm>> -> memref<64x128xf32, #tpu.memory_space<hbm>>
    %dma_start3A_238 = arith.constant 0 : i32
    %dma_start3A_239 = tpu.memref_slice %arg6[%dma_start3A_238, %multiple_of3A_235] : memref<64x1000000xf32, #tpu.memory_space<hbm>> -> memref<64x128xf32, #tpu.memory_space<hbm>>
    tpu.enqueue_dma source(%dma_start3A_239 : memref<64x128xf32, #tpu.memory_space<hbm>>) target(%arg18 : memref<64x128xf32, #tpu.memory_space<vmem>>) target_semaphore(%arg26 : memref<!tpu.dma_semaphore, #tpu.memory_space<semaphore_mem>>)
    %get3A_240 = arith.constant 4 : i32
    %get3A_241 = arith.index_cast %get3A_240 : i32 to index
    %get3A_242 = memref.load %arg14[%get3A_241] : memref<512xi32, #tpu.memory_space<smem>>
    %shift_right_arithmetic3A_243 = arith.constant 7 : i32
    %shift_right_arithmetic3A_244 = arith.shrsi %get3A_242, %shift_right_arithmetic3A_243 : i32
    %mul3A_245 = arith.constant 128 : i32
    %mul3A_246 = arith.muli %shift_right_arithmetic3A_244, %mul3A_245 : i32
    %multiple_of3A_247 = tpu.assume_multiple %mul3A_246, 128 : i32
    %dma_start3A_248 = arith.constant 0 : i32
    %dma_start3A_249 = tpu.memref_slice %arg6[%dma_start3A_248, %multiple_of3A_247] : memref<64x1000000xf32, #tpu.memory_space<hbm>> -> memref<64x128xf32, #tpu.memory_space<hbm>>
    %dma_start3A_250 = arith.constant 0 : i32
    %dma_start3A_251 = tpu.memref_slice %arg6[%dma_start3A_250, %multiple_of3A_247] : memref<64x1000000xf32, #tpu.memory_space<hbm>> -> memref<64x128xf32, #tpu.memory_space<hbm>>
    tpu.enqueue_dma source(%dma_start3A_251 : memref<64x128xf32, #tpu.memory_space<hbm>>) target(%arg19 : memref<64x128xf32, #tpu.memory_space<vmem>>) target_semaphore(%arg26 : memref<!tpu.dma_semaphore, #tpu.memory_space<semaphore_mem>>)
    %get3A_252 = arith.constant 5 : i32
    %get3A_253 = arith.index_cast %get3A_252 : i32 to index
    %get3A_254 = memref.load %arg14[%get3A_253] : memref<512xi32, #tpu.memory_space<smem>>
    %shift_right_arithmetic3A_255 = arith.constant 7 : i32
    %shift_right_arithmetic3A_256 = arith.shrsi %get3A_254, %shift_right_arithmetic3A_255 : i32
    %mul3A_257 = arith.constant 128 : i32
    %mul3A_258 = arith.muli %shift_right_arithmetic3A_256, %mul3A_257 : i32
    %multiple_of3A_259 = tpu.assume_multiple %mul3A_258, 128 : i32
    %dma_start3A_260 = arith.constant 0 : i32
    %dma_start3A_261 = tpu.memref_slice %arg6[%dma_start3A_260, %multiple_of3A_259] : memref<64x1000000xf32, #tpu.memory_space<hbm>> -> memref<64x128xf32, #tpu.memory_space<hbm>>
    %dma_start3A_262 = arith.constant 0 : i32
    %dma_start3A_263 = tpu.memref_slice %arg6[%dma_start3A_262, %multiple_of3A_259] : memref<64x1000000xf32, #tpu.memory_space<hbm>> -> memref<64x128xf32, #tpu.memory_space<hbm>>
    tpu.enqueue_dma source(%dma_start3A_263 : memref<64x128xf32, #tpu.memory_space<hbm>>) target(%arg20 : memref<64x128xf32, #tpu.memory_space<vmem>>) target_semaphore(%arg26 : memref<!tpu.dma_semaphore, #tpu.memory_space<semaphore_mem>>)
    %get3A_264 = arith.constant 6 : i32
    %get3A_265 = arith.index_cast %get3A_264 : i32 to index
    %get3A_266 = memref.load %arg14[%get3A_265] : memref<512xi32, #tpu.memory_space<smem>>
    %shift_right_arithmetic3A_267 = arith.constant 7 : i32
    %shift_right_arithmetic3A_268 = arith.shrsi %get3A_266, %shift_right_arithmetic3A_267 : i32
    %mul3A_269 = arith.constant 128 : i32
    %mul3A_270 = arith.muli %shift_right_arithmetic3A_268, %mul3A_269 : i32
    %multiple_of3A_271 = tpu.assume_multiple %mul3A_270, 128 : i32
    %dma_start3A_272 = arith.constant 0 : i32
    %dma_start3A_273 = tpu.memref_slice %arg6[%dma_start3A_272, %multiple_of3A_271] : memref<64x1000000xf32, #tpu.memory_space<hbm>> -> memref<64x128xf32, #tpu.memory_space<hbm>>
    %dma_start3A_274 = arith.constant 0 : i32
    %dma_start3A_275 = tpu.memref_slice %arg6[%dma_start3A_274, %multiple_of3A_271] : memref<64x1000000xf32, #tpu.memory_space<hbm>> -> memref<64x128xf32, #tpu.memory_space<hbm>>
    tpu.enqueue_dma source(%dma_start3A_275 : memref<64x128xf32, #tpu.memory_space<hbm>>) target(%arg21 : memref<64x128xf32, #tpu.memory_space<vmem>>) target_semaphore(%arg26 : memref<!tpu.dma_semaphore, #tpu.memory_space<semaphore_mem>>)
    %get3A_276 = arith.constant 7 : i32
    %get3A_277 = arith.index_cast %get3A_276 : i32 to index
    %get3A_278 = memref.load %arg14[%get3A_277] : memref<512xi32, #tpu.memory_space<smem>>
    %shift_right_arithmetic3A_279 = arith.constant 7 : i32
    %shift_right_arithmetic3A_280 = arith.shrsi %get3A_278, %shift_right_arithmetic3A_279 : i32
    %mul3A_281 = arith.constant 128 : i32
    %mul3A_282 = arith.muli %shift_right_arithmetic3A_280, %mul3A_281 : i32
    %multiple_of3A_283 = tpu.assume_multiple %mul3A_282, 128 : i32
    %dma_start3A_284 = arith.constant 0 : i32
    %dma_start3A_285 = tpu.memref_slice %arg6[%dma_start3A_284, %multiple_of3A_283] : memref<64x1000000xf32, #tpu.memory_space<hbm>> -> memref<64x128xf32, #tpu.memory_space<hbm>>
    %dma_start3A_286 = arith.constant 0 : i32
    %dma_start3A_287 = tpu.memref_slice %arg6[%dma_start3A_286, %multiple_of3A_283] : memref<64x1000000xf32, #tpu.memory_space<hbm>> -> memref<64x128xf32, #tpu.memory_space<hbm>>
    tpu.enqueue_dma source(%dma_start3A_287 : memref<64x128xf32, #tpu.memory_space<hbm>>) target(%arg22 : memref<64x128xf32, #tpu.memory_space<vmem>>) target_semaphore(%arg26 : memref<!tpu.dma_semaphore, #tpu.memory_space<semaphore_mem>>)
    %scan3A_288 = arith.constant 0 : i32
    %scan3A_289 = arith.constant 0 : i32
    %scan3A_290 = arith.constant 64 : i32
    %scan3A_291 = arith.addi %scan3A_289, %scan3A_290 : i32
    %scan3A_292 = arith.constant 1 : i32
    scf.for %scan3A_341 = %scan3A_289 to %scan3A_291 step %scan3A_292  : i32 {
      %mul3A_342 = arith.constant 8 : i32
      %mul3A_343 = arith.muli %scan3A_341, %mul3A_342 : i32
      %add3A_344 = arith.constant 0 : i32
      %add3A_345 = arith.addi %mul3A_343, %add3A_344 : i32
      %dma_wait3A_346 = arith.constant 0 : i32
      %dma_wait3A_347 = arith.constant 0 : i32
      %dma_wait3A_348 = tpu.memref_slice %arg6[%dma_wait3A_346, %dma_wait3A_347] : memref<64x1000000xf32, #tpu.memory_space<hbm>> -> memref<64x128xf32, #tpu.memory_space<hbm>>
      %dma_wait3A_349 = arith.constant 0 : i32
      %dma_wait3A_350 = arith.constant 0 : i32
      %dma_wait3A_351 = tpu.memref_slice %arg6[%dma_wait3A_349, %dma_wait3A_350] : memref<64x1000000xf32, #tpu.memory_space<hbm>> -> memref<64x128xf32, #tpu.memory_space<hbm>>
      tpu.wait_dma2 semaphore(%arg26 : memref<!tpu.dma_semaphore, #tpu.memory_space<semaphore_mem>>) src(%dma_wait3A_351 : memref<64x128xf32, #tpu.memory_space<hbm>>) dst(%arg15 : memref<64x128xf32, #tpu.memory_space<vmem>>)
      %get3A_352 = arith.index_cast %add3A_345 : i32 to index
      %get3A_353 = memref.load %arg14[%get3A_352] : memref<512xi32, #tpu.memory_space<smem>>
      %and3A = arith.constant 127 : i32
      %and3A_354 = arith.andi %get3A_353, %and3A : i32
      %mul3A_355 = arith.constant 0 : i32
      %mul3A_356 = vector.broadcast %mul3A_355 : i32 to vector<16xi32>
      %mul3A_357 = arith.muli %add3A_173, %mul3A_356 : vector<16xi32>
      %add3A_358 = vector.broadcast %and3A_354 : i32 to vector<16xi32>
      %add3A_359 = arith.addi %mul3A_357, %add3A_358 : vector<16xi32>
      %gather3A = tpu.vector_load_idx %arg15[%add3A_173, %add3A_359] : memref<64x128xf32, #tpu.memory_space<vmem>>[vector<16xi32>, vector<16xi32>], vector<16xf32>,
      %mul3A_360 = arith.constant 0 : i32
      %mul3A_361 = vector.broadcast %mul3A_360 : i32 to vector<16xi32>
      %mul3A_362 = arith.muli %add3A_173, %mul3A_361 : vector<16xi32>
      %add3A_363 = vector.broadcast %add3A_345 : i32 to vector<16xi32>
      %add3A_364 = arith.addi %mul3A_362, %add3A_363 : vector<16xi32>
      tpu.vector_store_idx %arg23[%add3A_173, %add3A_364], %gather3A : memref<64x512xf32, #tpu.memory_space<vmem>>[vector<16xi32>, vector<16xi32>], vector<16xf32>,
      %mul3A_365 = arith.constant 0 : i32
      %mul3A_366 = vector.broadcast %mul3A_365 : i32 to vector<16xi32>
      %mul3A_367 = arith.muli %add3A_177, %mul3A_366 : vector<16xi32>
      %add3A_368 = vector.broadcast %and3A_354 : i32 to vector<16xi32>
      %add3A_369 = arith.addi %mul3A_367, %add3A_368 : vector<16xi32>
      %gather3A_370 = tpu.vector_load_idx %arg15[%add3A_177, %add3A_369] : memref<64x128xf32, #tpu.memory_space<vmem>>[vector<16xi32>, vector<16xi32>], vector<16xf32>,
      %mul3A_371 = arith.constant 0 : i32
      %mul3A_372 = vector.broadcast %mul3A_371 : i32 to vector<16xi32>
      %mul3A_373 = arith.muli %add3A_177, %mul3A_372 : vector<16xi32>
      %add3A_374 = vector.broadcast %add3A_345 : i32 to vector<16xi32>
      %add3A_375 = arith.addi %mul3A_373, %add3A_374 : vector<16xi32>
      tpu.vector_store_idx %arg23[%add3A_177, %add3A_375], %gather3A_370 : memref<64x512xf32, #tpu.memory_space<vmem>>[vector<16xi32>, vector<16xi32>], vector<16xf32>,
      %mul3A_376 = arith.constant 0 : i32
      %mul3A_377 = vector.broadcast %mul3A_376 : i32 to vector<16xi32>
      %mul3A_378 = arith.muli %add3A_181, %mul3A_377 : vector<16xi32>
      %add3A_379 = vector.broadcast %and3A_354 : i32 to vector<16xi32>
      %add3A_380 = arith.addi %mul3A_378, %add3A_379 : vector<16xi32>
      %gather3A_381 = tpu.vector_load_idx %arg15[%add3A_181, %add3A_380] : memref<64x128xf32, #tpu.memory_space<vmem>>[vector<16xi32>, vector<16xi32>], vector<16xf32>,
      %mul3A_382 = arith.constant 0 : i32
      %mul3A_383 = vector.broadcast %mul3A_382 : i32 to vector<16xi32>
      %mul3A_384 = arith.muli %add3A_181, %mul3A_383 : vector<16xi32>
      %add3A_385 = vector.broadcast %add3A_345 : i32 to vector<16xi32>
      %add3A_386 = arith.addi %mul3A_384, %add3A_385 : vector<16xi32>
      tpu.vector_store_idx %arg23[%add3A_181, %add3A_386], %gather3A_381 : memref<64x512xf32, #tpu.memory_space<vmem>>[vector<16xi32>, vector<16xi32>], vector<16xf32>,
      %mul3A_387 = arith.constant 0 : i32
      %mul3A_388 = vector.broadcast %mul3A_387 : i32 to vector<16xi32>
      %mul3A_389 = arith.muli %add3A_185, %mul3A_388 : vector<16xi32>
      %add3A_390 = vector.broadcast %and3A_354 : i32 to vector<16xi32>
      %add3A_391 = arith.addi %mul3A_389, %add3A_390 : vector<16xi32>
      %gather3A_392 = tpu.vector_load_idx %arg15[%add3A_185, %add3A_391] : memref<64x128xf32, #tpu.memory_space<vmem>>[vector<16xi32>, vector<16xi32>], vector<16xf32>,
      %mul3A_393 = arith.constant 0 : i32
      %mul3A_394 = vector.broadcast %mul3A_393 : i32 to vector<16xi32>
      %mul3A_395 = arith.muli %add3A_185, %mul3A_394 : vector<16xi32>
      %add3A_396 = vector.broadcast %add3A_345 : i32 to vector<16xi32>
      %add3A_397 = arith.addi %mul3A_395, %add3A_396 : vector<16xi32>
      tpu.vector_store_idx %arg23[%add3A_185, %add3A_397], %gather3A_392 : memref<64x512xf32, #tpu.memory_space<vmem>>[vector<16xi32>, vector<16xi32>], vector<16xf32>,
      %add3A_398 = arith.constant 8 : i32
      %add3A_399 = arith.addi %add3A_345, %add3A_398 : i32
      %lt3A = arith.constant 512 : i32
      %lt3A_400 = arith.cmpi slt, %add3A_399, %lt3A : i32
      %convert_element_type3A = arith.extui %lt3A_400 : i1 to i32
      %cond3A = arith.constant 0 : i32
      %cond3A_401 = arith.cmpi ne, %convert_element_type3A, %cond3A : i32
      scf.if %cond3A_401 {
        %add3A_857 = arith.constant 8 : i32
        %add3A_858 = arith.addi %add3A_345, %add3A_857 : i32
        %get3A_859 = arith.index_cast %add3A_858 : i32 to index
        %get3A_860 = memref.load %arg14[%get3A_859] : memref<512xi32, #tpu.memory_space<smem>>
        %shift_right_arithmetic3A_861 = arith.constant 7 : i32
        %shift_right_arithmetic3A_862 = arith.shrsi %get3A_860, %shift_right_arithmetic3A_861 : i32
        %mul3A_863 = arith.constant 128 : i32
        %mul3A_864 = arith.muli %shift_right_arithmetic3A_862, %mul3A_863 : i32
        %multiple_of3A_865 = tpu.assume_multiple %mul3A_864, 128 : i32
        %dma_start3A_866 = arith.constant 0 : i32
        %dma_start3A_867 = tpu.memref_slice %arg6[%dma_start3A_866, %multiple_of3A_865] : memref<64x1000000xf32, #tpu.memory_space<hbm>> -> memref<64x128xf32, #tpu.memory_space<hbm>>
        %dma_start3A_868 = arith.constant 0 : i32
        %dma_start3A_869 = tpu.memref_slice %arg6[%dma_start3A_868, %multiple_of3A_865] : memref<64x1000000xf32, #tpu.memory_space<hbm>> -> memref<64x128xf32, #tpu.memory_space<hbm>>
        tpu.enqueue_dma source(%dma_start3A_869 : memref<64x128xf32, #tpu.memory_space<hbm>>) target(%arg15 : memref<64x128xf32, #tpu.memory_space<vmem>>) target_semaphore(%arg26 : memref<!tpu.dma_semaphore, #tpu.memory_space<semaphore_mem>>)
      } else {
      }
      %mul3A_402 = arith.constant 8 : i32
      %mul3A_403 = arith.muli %scan3A_341, %mul3A_402 : i32
      %add3A_404 = arith.constant 1 : i32
      %add3A_405 = arith.addi %mul3A_403, %add3A_404 : i32
      %dma_wait3A_406 = arith.constant 0 : i32
      %dma_wait3A_407 = arith.constant 0 : i32
      %dma_wait3A_408 = tpu.memref_slice %arg6[%dma_wait3A_406, %dma_wait3A_407] : memref<64x1000000xf32, #tpu.memory_space<hbm>> -> memref<64x128xf32, #tpu.memory_space<hbm>>
      %dma_wait3A_409 = arith.constant 0 : i32
      %dma_wait3A_410 = arith.constant 0 : i32
      %dma_wait3A_411 = tpu.memref_slice %arg6[%dma_wait3A_409, %dma_wait3A_410] : memref<64x1000000xf32, #tpu.memory_space<hbm>> -> memref<64x128xf32, #tpu.memory_space<hbm>>
      tpu.wait_dma2 semaphore(%arg26 : memref<!tpu.dma_semaphore, #tpu.memory_space<semaphore_mem>>) src(%dma_wait3A_411 : memref<64x128xf32, #tpu.memory_space<hbm>>) dst(%arg16 : memref<64x128xf32, #tpu.memory_space<vmem>>)
      %get3A_412 = arith.index_cast %add3A_405 : i32 to index
      %get3A_413 = memref.load %arg14[%get3A_412] : memref<512xi32, #tpu.memory_space<smem>>
      %and3A_414 = arith.constant 127 : i32
      %and3A_415 = arith.andi %get3A_413, %and3A_414 : i32
      %mul3A_416 = arith.constant 0 : i32
      %mul3A_417 = vector.broadcast %mul3A_416 : i32 to vector<16xi32>
      %mul3A_418 = arith.muli %add3A_173, %mul3A_417 : vector<16xi32>
      %add3A_419 = vector.broadcast %and3A_415 : i32 to vector<16xi32>
      %add3A_420 = arith.addi %mul3A_418, %add3A_419 : vector<16xi32>
      %gather3A_421 = tpu.vector_load_idx %arg16[%add3A_173, %add3A_420] : memref<64x128xf32, #tpu.memory_space<vmem>>[vector<16xi32>, vector<16xi32>], vector<16xf32>,
      %mul3A_422 = arith.constant 0 : i32
      %mul3A_423 = vector.broadcast %mul3A_422 : i32 to vector<16xi32>
      %mul3A_424 = arith.muli %add3A_173, %mul3A_423 : vector<16xi32>
      %add3A_425 = vector.broadcast %add3A_405 : i32 to vector<16xi32>
      %add3A_426 = arith.addi %mul3A_424, %add3A_425 : vector<16xi32>
      tpu.vector_store_idx %arg23[%add3A_173, %add3A_426], %gather3A_421 : memref<64x512xf32, #tpu.memory_space<vmem>>[vector<16xi32>, vector<16xi32>], vector<16xf32>,
      %mul3A_427 = arith.constant 0 : i32
      %mul3A_428 = vector.broadcast %mul3A_427 : i32 to vector<16xi32>
      %mul3A_429 = arith.muli %add3A_177, %mul3A_428 : vector<16xi32>
      %add3A_430 = vector.broadcast %and3A_415 : i32 to vector<16xi32>
      %add3A_431 = arith.addi %mul3A_429, %add3A_430 : vector<16xi32>
      %gather3A_432 = tpu.vector_load_idx %arg16[%add3A_177, %add3A_431] : memref<64x128xf32, #tpu.memory_space<vmem>>[vector<16xi32>, vector<16xi32>], vector<16xf32>,
      %mul3A_433 = arith.constant 0 : i32
      %mul3A_434 = vector.broadcast %mul3A_433 : i32 to vector<16xi32>
      %mul3A_435 = arith.muli %add3A_177, %mul3A_434 : vector<16xi32>
      %add3A_436 = vector.broadcast %add3A_405 : i32 to vector<16xi32>
      %add3A_437 = arith.addi %mul3A_435, %add3A_436 : vector<16xi32>
      tpu.vector_store_idx %arg23[%add3A_177, %add3A_437], %gather3A_432 : memref<64x512xf32, #tpu.memory_space<vmem>>[vector<16xi32>, vector<16xi32>], vector<16xf32>,
      %mul3A_438 = arith.constant 0 : i32
      %mul3A_439 = vector.broadcast %mul3A_438 : i32 to vector<16xi32>
      %mul3A_440 = arith.muli %add3A_181, %mul3A_439 : vector<16xi32>
      %add3A_441 = vector.broadcast %and3A_415 : i32 to vector<16xi32>
      %add3A_442 = arith.addi %mul3A_440, %add3A_441 : vector<16xi32>
      %gather3A_443 = tpu.vector_load_idx %arg16[%add3A_181, %add3A_442] : memref<64x128xf32, #tpu.memory_space<vmem>>[vector<16xi32>, vector<16xi32>], vector<16xf32>,
      %mul3A_444 = arith.constant 0 : i32
      %mul3A_445 = vector.broadcast %mul3A_444 : i32 to vector<16xi32>
      %mul3A_446 = arith.muli %add3A_181, %mul3A_445 : vector<16xi32>
      %add3A_447 = vector.broadcast %add3A_405 : i32 to vector<16xi32>
      %add3A_448 = arith.addi %mul3A_446, %add3A_447 : vector<16xi32>
      tpu.vector_store_idx %arg23[%add3A_181, %add3A_448], %gather3A_443 : memref<64x512xf32, #tpu.memory_space<vmem>>[vector<16xi32>, vector<16xi32>], vector<16xf32>,
      %mul3A_449 = arith.constant 0 : i32
      %mul3A_450 = vector.broadcast %mul3A_449 : i32 to vector<16xi32>
      %mul3A_451 = arith.muli %add3A_185, %mul3A_450 : vector<16xi32>
      %add3A_452 = vector.broadcast %and3A_415 : i32 to vector<16xi32>
      %add3A_453 = arith.addi %mul3A_451, %add3A_452 : vector<16xi32>
      %gather3A_454 = tpu.vector_load_idx %arg16[%add3A_185, %add3A_453] : memref<64x128xf32, #tpu.memory_space<vmem>>[vector<16xi32>, vector<16xi32>], vector<16xf32>,
      %mul3A_455 = arith.constant 0 : i32
      %mul3A_456 = vector.broadcast %mul3A_455 : i32 to vector<16xi32>
      %mul3A_457 = arith.muli %add3A_185, %mul3A_456 : vector<16xi32>
      %add3A_458 = vector.broadcast %add3A_405 : i32 to vector<16xi32>
      %add3A_459 = arith.addi %mul3A_457, %add3A_458 : vector<16xi32>
      tpu.vector_store_idx %arg23[%add3A_185, %add3A_459], %gather3A_454 : memref<64x512xf32, #tpu.memory_space<vmem>>[vector<16xi32>, vector<16xi32>], vector<16xf32>,
      %add3A_460 = arith.constant 8 : i32
      %add3A_461 = arith.addi %add3A_405, %add3A_460 : i32
      %lt3A_462 = arith.constant 512 : i32
      %lt3A_463 = arith.cmpi slt, %add3A_461, %lt3A_462 : i32
      %convert_element_type3A_464 = arith.extui %lt3A_463 : i1 to i32
      %cond3A_465 = arith.constant 0 : i32
      %cond3A_466 = arith.cmpi ne, %convert_element_type3A_464, %cond3A_465 : i32
      scf.if %cond3A_466 {
        %add3A_857 = arith.constant 8 : i32
        %add3A_858 = arith.addi %add3A_405, %add3A_857 : i32
        %get3A_859 = arith.index_cast %add3A_858 : i32 to index
        %get3A_860 = memref.load %arg14[%get3A_859] : memref<512xi32, #tpu.memory_space<smem>>
        %shift_right_arithmetic3A_861 = arith.constant 7 : i32
        %shift_right_arithmetic3A_862 = arith.shrsi %get3A_860, %shift_right_arithmetic3A_861 : i32
        %mul3A_863 = arith.constant 128 : i32
        %mul3A_864 = arith.muli %shift_right_arithmetic3A_862, %mul3A_863 : i32
        %multiple_of3A_865 = tpu.assume_multiple %mul3A_864, 128 : i32
        %dma_start3A_866 = arith.constant 0 : i32
        %dma_start3A_867 = tpu.memref_slice %arg6[%dma_start3A_866, %multiple_of3A_865] : memref<64x1000000xf32, #tpu.memory_space<hbm>> -> memref<64x128xf32, #tpu.memory_space<hbm>>
        %dma_start3A_868 = arith.constant 0 : i32
        %dma_start3A_869 = tpu.memref_slice %arg6[%dma_start3A_868, %multiple_of3A_865] : memref<64x1000000xf32, #tpu.memory_space<hbm>> -> memref<64x128xf32, #tpu.memory_space<hbm>>
        tpu.enqueue_dma source(%dma_start3A_869 : memref<64x128xf32, #tpu.memory_space<hbm>>) target(%arg16 : memref<64x128xf32, #tpu.memory_space<vmem>>) target_semaphore(%arg26 : memref<!tpu.dma_semaphore, #tpu.memory_space<semaphore_mem>>)
      } else {
      }
      %mul3A_467 = arith.constant 8 : i32
      %mul3A_468 = arith.muli %scan3A_341, %mul3A_467 : i32
      %add3A_469 = arith.constant 2 : i32
      %add3A_470 = arith.addi %mul3A_468, %add3A_469 : i32
      %dma_wait3A_471 = arith.constant 0 : i32
      %dma_wait3A_472 = arith.constant 0 : i32
      %dma_wait3A_473 = tpu.memref_slice %arg6[%dma_wait3A_471, %dma_wait3A_472] : memref<64x1000000xf32, #tpu.memory_space<hbm>> -> memref<64x128xf32, #tpu.memory_space<hbm>>
      %dma_wait3A_474 = arith.constant 0 : i32
      %dma_wait3A_475 = arith.constant 0 : i32
      %dma_wait3A_476 = tpu.memref_slice %arg6[%dma_wait3A_474, %dma_wait3A_475] : memref<64x1000000xf32, #tpu.memory_space<hbm>> -> memref<64x128xf32, #tpu.memory_space<hbm>>
      tpu.wait_dma2 semaphore(%arg26 : memref<!tpu.dma_semaphore, #tpu.memory_space<semaphore_mem>>) src(%dma_wait3A_476 : memref<64x128xf32, #tpu.memory_space<hbm>>) dst(%arg17 : memref<64x128xf32, #tpu.memory_space<vmem>>)
      %get3A_477 = arith.index_cast %add3A_470 : i32 to index
      %get3A_478 = memref.load %arg14[%get3A_477] : memref<512xi32, #tpu.memory_space<smem>>
      %and3A_479 = arith.constant 127 : i32
      %and3A_480 = arith.andi %get3A_478, %and3A_479 : i32
      %mul3A_481 = arith.constant 0 : i32
      %mul3A_482 = vector.broadcast %mul3A_481 : i32 to vector<16xi32>
      %mul3A_483 = arith.muli %add3A_173, %mul3A_482 : vector<16xi32>
      %add3A_484 = vector.broadcast %and3A_480 : i32 to vector<16xi32>
      %add3A_485 = arith.addi %mul3A_483, %add3A_484 : vector<16xi32>
      %gather3A_486 = tpu.vector_load_idx %arg17[%add3A_173, %add3A_485] : memref<64x128xf32, #tpu.memory_space<vmem>>[vector<16xi32>, vector<16xi32>], vector<16xf32>,
      %mul3A_487 = arith.constant 0 : i32
      %mul3A_488 = vector.broadcast %mul3A_487 : i32 to vector<16xi32>
      %mul3A_489 = arith.muli %add3A_173, %mul3A_488 : vector<16xi32>
      %add3A_490 = vector.broadcast %add3A_470 : i32 to vector<16xi32>
      %add3A_491 = arith.addi %mul3A_489, %add3A_490 : vector<16xi32>
      tpu.vector_store_idx %arg23[%add3A_173, %add3A_491], %gather3A_486 : memref<64x512xf32, #tpu.memory_space<vmem>>[vector<16xi32>, vector<16xi32>], vector<16xf32>,
      %mul3A_492 = arith.constant 0 : i32
      %mul3A_493 = vector.broadcast %mul3A_492 : i32 to vector<16xi32>
      %mul3A_494 = arith.muli %add3A_177, %mul3A_493 : vector<16xi32>
      %add3A_495 = vector.broadcast %and3A_480 : i32 to vector<16xi32>
      %add3A_496 = arith.addi %mul3A_494, %add3A_495 : vector<16xi32>
      %gather3A_497 = tpu.vector_load_idx %arg17[%add3A_177, %add3A_496] : memref<64x128xf32, #tpu.memory_space<vmem>>[vector<16xi32>, vector<16xi32>], vector<16xf32>,
      %mul3A_498 = arith.constant 0 : i32
      %mul3A_499 = vector.broadcast %mul3A_498 : i32 to vector<16xi32>
      %mul3A_500 = arith.muli %add3A_177, %mul3A_499 : vector<16xi32>
      %add3A_501 = vector.broadcast %add3A_470 : i32 to vector<16xi32>
      %add3A_502 = arith.addi %mul3A_500, %add3A_501 : vector<16xi32>
      tpu.vector_store_idx %arg23[%add3A_177, %add3A_502], %gather3A_497 : memref<64x512xf32, #tpu.memory_space<vmem>>[vector<16xi32>, vector<16xi32>], vector<16xf32>,
      %mul3A_503 = arith.constant 0 : i32
      %mul3A_504 = vector.broadcast %mul3A_503 : i32 to vector<16xi32>
      %mul3A_505 = arith.muli %add3A_181, %mul3A_504 : vector<16xi32>
      %add3A_506 = vector.broadcast %and3A_480 : i32 to vector<16xi32>
      %add3A_507 = arith.addi %mul3A_505, %add3A_506 : vector<16xi32>
      %gather3A_508 = tpu.vector_load_idx %arg17[%add3A_181, %add3A_507] : memref<64x128xf32, #tpu.memory_space<vmem>>[vector<16xi32>, vector<16xi32>], vector<16xf32>,
      %mul3A_509 = arith.constant 0 : i32
      %mul3A_510 = vector.broadcast %mul3A_509 : i32 to vector<16xi32>
      %mul3A_511 = arith.muli %add3A_181, %mul3A_510 : vector<16xi32>
      %add3A_512 = vector.broadcast %add3A_470 : i32 to vector<16xi32>
      %add3A_513 = arith.addi %mul3A_511, %add3A_512 : vector<16xi32>
      tpu.vector_store_idx %arg23[%add3A_181, %add3A_513], %gather3A_508 : memref<64x512xf32, #tpu.memory_space<vmem>>[vector<16xi32>, vector<16xi32>], vector<16xf32>,
      %mul3A_514 = arith.constant 0 : i32
      %mul3A_515 = vector.broadcast %mul3A_514 : i32 to vector<16xi32>
      %mul3A_516 = arith.muli %add3A_185, %mul3A_515 : vector<16xi32>
      %add3A_517 = vector.broadcast %and3A_480 : i32 to vector<16xi32>
      %add3A_518 = arith.addi %mul3A_516, %add3A_517 : vector<16xi32>
      %gather3A_519 = tpu.vector_load_idx %arg17[%add3A_185, %add3A_518] : memref<64x128xf32, #tpu.memory_space<vmem>>[vector<16xi32>, vector<16xi32>], vector<16xf32>,
      %mul3A_520 = arith.constant 0 : i32
      %mul3A_521 = vector.broadcast %mul3A_520 : i32 to vector<16xi32>
      %mul3A_522 = arith.muli %add3A_185, %mul3A_521 : vector<16xi32>
      %add3A_523 = vector.broadcast %add3A_470 : i32 to vector<16xi32>
      %add3A_524 = arith.addi %mul3A_522, %add3A_523 : vector<16xi32>
      tpu.vector_store_idx %arg23[%add3A_185, %add3A_524], %gather3A_519 : memref<64x512xf32, #tpu.memory_space<vmem>>[vector<16xi32>, vector<16xi32>], vector<16xf32>,
      %add3A_525 = arith.constant 8 : i32
      %add3A_526 = arith.addi %add3A_470, %add3A_525 : i32
      %lt3A_527 = arith.constant 512 : i32
      %lt3A_528 = arith.cmpi slt, %add3A_526, %lt3A_527 : i32
      %convert_element_type3A_529 = arith.extui %lt3A_528 : i1 to i32
      %cond3A_530 = arith.constant 0 : i32
      %cond3A_531 = arith.cmpi ne, %convert_element_type3A_529, %cond3A_530 : i32
      scf.if %cond3A_531 {
        %add3A_857 = arith.constant 8 : i32
        %add3A_858 = arith.addi %add3A_470, %add3A_857 : i32
        %get3A_859 = arith.index_cast %add3A_858 : i32 to index
        %get3A_860 = memref.load %arg14[%get3A_859] : memref<512xi32, #tpu.memory_space<smem>>
        %shift_right_arithmetic3A_861 = arith.constant 7 : i32
        %shift_right_arithmetic3A_862 = arith.shrsi %get3A_860, %shift_right_arithmetic3A_861 : i32
        %mul3A_863 = arith.constant 128 : i32
        %mul3A_864 = arith.muli %shift_right_arithmetic3A_862, %mul3A_863 : i32
        %multiple_of3A_865 = tpu.assume_multiple %mul3A_864, 128 : i32
        %dma_start3A_866 = arith.constant 0 : i32
        %dma_start3A_867 = tpu.memref_slice %arg6[%dma_start3A_866, %multiple_of3A_865] : memref<64x1000000xf32, #tpu.memory_space<hbm>> -> memref<64x128xf32, #tpu.memory_space<hbm>>
        %dma_start3A_868 = arith.constant 0 : i32
        %dma_start3A_869 = tpu.memref_slice %arg6[%dma_start3A_868, %multiple_of3A_865] : memref<64x1000000xf32, #tpu.memory_space<hbm>> -> memref<64x128xf32, #tpu.memory_space<hbm>>
        tpu.enqueue_dma source(%dma_start3A_869 : memref<64x128xf32, #tpu.memory_space<hbm>>) target(%arg17 : memref<64x128xf32, #tpu.memory_space<vmem>>) target_semaphore(%arg26 : memref<!tpu.dma_semaphore, #tpu.memory_space<semaphore_mem>>)
      } else {
      }
      %mul3A_532 = arith.constant 8 : i32
      %mul3A_533 = arith.muli %scan3A_341, %mul3A_532 : i32
      %add3A_534 = arith.constant 3 : i32
      %add3A_535 = arith.addi %mul3A_533, %add3A_534 : i32
      %dma_wait3A_536 = arith.constant 0 : i32
      %dma_wait3A_537 = arith.constant 0 : i32
      %dma_wait3A_538 = tpu.memref_slice %arg6[%dma_wait3A_536, %dma_wait3A_537] : memref<64x1000000xf32, #tpu.memory_space<hbm>> -> memref<64x128xf32, #tpu.memory_space<hbm>>
      %dma_wait3A_539 = arith.constant 0 : i32
      %dma_wait3A_540 = arith.constant 0 : i32
      %dma_wait3A_541 = tpu.memref_slice %arg6[%dma_wait3A_539, %dma_wait3A_540] : memref<64x1000000xf32, #tpu.memory_space<hbm>> -> memref<64x128xf32, #tpu.memory_space<hbm>>
      tpu.wait_dma2 semaphore(%arg26 : memref<!tpu.dma_semaphore, #tpu.memory_space<semaphore_mem>>) src(%dma_wait3A_541 : memref<64x128xf32, #tpu.memory_space<hbm>>) dst(%arg18 : memref<64x128xf32, #tpu.memory_space<vmem>>)
      %get3A_542 = arith.index_cast %add3A_535 : i32 to index
      %get3A_543 = memref.load %arg14[%get3A_542] : memref<512xi32, #tpu.memory_space<smem>>
      %and3A_544 = arith.constant 127 : i32
      %and3A_545 = arith.andi %get3A_543, %and3A_544 : i32
      %mul3A_546 = arith.constant 0 : i32
      %mul3A_547 = vector.broadcast %mul3A_546 : i32 to vector<16xi32>
      %mul3A_548 = arith.muli %add3A_173, %mul3A_547 : vector<16xi32>
      %add3A_549 = vector.broadcast %and3A_545 : i32 to vector<16xi32>
      %add3A_550 = arith.addi %mul3A_548, %add3A_549 : vector<16xi32>
      %gather3A_551 = tpu.vector_load_idx %arg18[%add3A_173, %add3A_550] : memref<64x128xf32, #tpu.memory_space<vmem>>[vector<16xi32>, vector<16xi32>], vector<16xf32>,
      %mul3A_552 = arith.constant 0 : i32
      %mul3A_553 = vector.broadcast %mul3A_552 : i32 to vector<16xi32>
      %mul3A_554 = arith.muli %add3A_173, %mul3A_553 : vector<16xi32>
      %add3A_555 = vector.broadcast %add3A_535 : i32 to vector<16xi32>
      %add3A_556 = arith.addi %mul3A_554, %add3A_555 : vector<16xi32>
      tpu.vector_store_idx %arg23[%add3A_173, %add3A_556], %gather3A_551 : memref<64x512xf32, #tpu.memory_space<vmem>>[vector<16xi32>, vector<16xi32>], vector<16xf32>,
      %mul3A_557 = arith.constant 0 : i32
      %mul3A_558 = vector.broadcast %mul3A_557 : i32 to vector<16xi32>
      %mul3A_559 = arith.muli %add3A_177, %mul3A_558 : vector<16xi32>
      %add3A_560 = vector.broadcast %and3A_545 : i32 to vector<16xi32>
      %add3A_561 = arith.addi %mul3A_559, %add3A_560 : vector<16xi32>
      %gather3A_562 = tpu.vector_load_idx %arg18[%add3A_177, %add3A_561] : memref<64x128xf32, #tpu.memory_space<vmem>>[vector<16xi32>, vector<16xi32>], vector<16xf32>,
      %mul3A_563 = arith.constant 0 : i32
      %mul3A_564 = vector.broadcast %mul3A_563 : i32 to vector<16xi32>
      %mul3A_565 = arith.muli %add3A_177, %mul3A_564 : vector<16xi32>
      %add3A_566 = vector.broadcast %add3A_535 : i32 to vector<16xi32>
      %add3A_567 = arith.addi %mul3A_565, %add3A_566 : vector<16xi32>
      tpu.vector_store_idx %arg23[%add3A_177, %add3A_567], %gather3A_562 : memref<64x512xf32, #tpu.memory_space<vmem>>[vector<16xi32>, vector<16xi32>], vector<16xf32>,
      %mul3A_568 = arith.constant 0 : i32
      %mul3A_569 = vector.broadcast %mul3A_568 : i32 to vector<16xi32>
      %mul3A_570 = arith.muli %add3A_181, %mul3A_569 : vector<16xi32>
      %add3A_571 = vector.broadcast %and3A_545 : i32 to vector<16xi32>
      %add3A_572 = arith.addi %mul3A_570, %add3A_571 : vector<16xi32>
      %gather3A_573 = tpu.vector_load_idx %arg18[%add3A_181, %add3A_572] : memref<64x128xf32, #tpu.memory_space<vmem>>[vector<16xi32>, vector<16xi32>], vector<16xf32>,
      %mul3A_574 = arith.constant 0 : i32
      %mul3A_575 = vector.broadcast %mul3A_574 : i32 to vector<16xi32>
      %mul3A_576 = arith.muli %add3A_181, %mul3A_575 : vector<16xi32>
      %add3A_577 = vector.broadcast %add3A_535 : i32 to vector<16xi32>
      %add3A_578 = arith.addi %mul3A_576, %add3A_577 : vector<16xi32>
      tpu.vector_store_idx %arg23[%add3A_181, %add3A_578], %gather3A_573 : memref<64x512xf32, #tpu.memory_space<vmem>>[vector<16xi32>, vector<16xi32>], vector<16xf32>,
      %mul3A_579 = arith.constant 0 : i32
      %mul3A_580 = vector.broadcast %mul3A_579 : i32 to vector<16xi32>
      %mul3A_581 = arith.muli %add3A_185, %mul3A_580 : vector<16xi32>
      %add3A_582 = vector.broadcast %and3A_545 : i32 to vector<16xi32>
      %add3A_583 = arith.addi %mul3A_581, %add3A_582 : vector<16xi32>
      %gather3A_584 = tpu.vector_load_idx %arg18[%add3A_185, %add3A_583] : memref<64x128xf32, #tpu.memory_space<vmem>>[vector<16xi32>, vector<16xi32>], vector<16xf32>,
      %mul3A_585 = arith.constant 0 : i32
      %mul3A_586 = vector.broadcast %mul3A_585 : i32 to vector<16xi32>
      %mul3A_587 = arith.muli %add3A_185, %mul3A_586 : vector<16xi32>
      %add3A_588 = vector.broadcast %add3A_535 : i32 to vector<16xi32>
      %add3A_589 = arith.addi %mul3A_587, %add3A_588 : vector<16xi32>
      tpu.vector_store_idx %arg23[%add3A_185, %add3A_589], %gather3A_584 : memref<64x512xf32, #tpu.memory_space<vmem>>[vector<16xi32>, vector<16xi32>], vector<16xf32>,
      %add3A_590 = arith.constant 8 : i32
      %add3A_591 = arith.addi %add3A_535, %add3A_590 : i32
      %lt3A_592 = arith.constant 512 : i32
      %lt3A_593 = arith.cmpi slt, %add3A_591, %lt3A_592 : i32
      %convert_element_type3A_594 = arith.extui %lt3A_593 : i1 to i32
      %cond3A_595 = arith.constant 0 : i32
      %cond3A_596 = arith.cmpi ne, %convert_element_type3A_594, %cond3A_595 : i32
      scf.if %cond3A_596 {
        %add3A_857 = arith.constant 8 : i32
        %add3A_858 = arith.addi %add3A_535, %add3A_857 : i32
        %get3A_859 = arith.index_cast %add3A_858 : i32 to index
        %get3A_860 = memref.load %arg14[%get3A_859] : memref<512xi32, #tpu.memory_space<smem>>
        %shift_right_arithmetic3A_861 = arith.constant 7 : i32
        %shift_right_arithmetic3A_862 = arith.shrsi %get3A_860, %shift_right_arithmetic3A_861 : i32
        %mul3A_863 = arith.constant 128 : i32
        %mul3A_864 = arith.muli %shift_right_arithmetic3A_862, %mul3A_863 : i32
        %multiple_of3A_865 = tpu.assume_multiple %mul3A_864, 128 : i32
        %dma_start3A_866 = arith.constant 0 : i32
        %dma_start3A_867 = tpu.memref_slice %arg6[%dma_start3A_866, %multiple_of3A_865] : memref<64x1000000xf32, #tpu.memory_space<hbm>> -> memref<64x128xf32, #tpu.memory_space<hbm>>
        %dma_start3A_868 = arith.constant 0 : i32
        %dma_start3A_869 = tpu.memref_slice %arg6[%dma_start3A_868, %multiple_of3A_865] : memref<64x1000000xf32, #tpu.memory_space<hbm>> -> memref<64x128xf32, #tpu.memory_space<hbm>>
        tpu.enqueue_dma source(%dma_start3A_869 : memref<64x128xf32, #tpu.memory_space<hbm>>) target(%arg18 : memref<64x128xf32, #tpu.memory_space<vmem>>) target_semaphore(%arg26 : memref<!tpu.dma_semaphore, #tpu.memory_space<semaphore_mem>>)
      } else {
      }
      %mul3A_597 = arith.constant 8 : i32
      %mul3A_598 = arith.muli %scan3A_341, %mul3A_597 : i32
      %add3A_599 = arith.constant 4 : i32
      %add3A_600 = arith.addi %mul3A_598, %add3A_599 : i32
      %dma_wait3A_601 = arith.constant 0 : i32
      %dma_wait3A_602 = arith.constant 0 : i32
      %dma_wait3A_603 = tpu.memref_slice %arg6[%dma_wait3A_601, %dma_wait3A_602] : memref<64x1000000xf32, #tpu.memory_space<hbm>> -> memref<64x128xf32, #tpu.memory_space<hbm>>
      %dma_wait3A_604 = arith.constant 0 : i32
      %dma_wait3A_605 = arith.constant 0 : i32
      %dma_wait3A_606 = tpu.memref_slice %arg6[%dma_wait3A_604, %dma_wait3A_605] : memref<64x1000000xf32, #tpu.memory_space<hbm>> -> memref<64x128xf32, #tpu.memory_space<hbm>>
      tpu.wait_dma2 semaphore(%arg26 : memref<!tpu.dma_semaphore, #tpu.memory_space<semaphore_mem>>) src(%dma_wait3A_606 : memref<64x128xf32, #tpu.memory_space<hbm>>) dst(%arg19 : memref<64x128xf32, #tpu.memory_space<vmem>>)
      %get3A_607 = arith.index_cast %add3A_600 : i32 to index
      %get3A_608 = memref.load %arg14[%get3A_607] : memref<512xi32, #tpu.memory_space<smem>>
      %and3A_609 = arith.constant 127 : i32
      %and3A_610 = arith.andi %get3A_608, %and3A_609 : i32
      %mul3A_611 = arith.constant 0 : i32
      %mul3A_612 = vector.broadcast %mul3A_611 : i32 to vector<16xi32>
      %mul3A_613 = arith.muli %add3A_173, %mul3A_612 : vector<16xi32>
      %add3A_614 = vector.broadcast %and3A_610 : i32 to vector<16xi32>
      %add3A_615 = arith.addi %mul3A_613, %add3A_614 : vector<16xi32>
      %gather3A_616 = tpu.vector_load_idx %arg19[%add3A_173, %add3A_615] : memref<64x128xf32, #tpu.memory_space<vmem>>[vector<16xi32>, vector<16xi32>], vector<16xf32>,
      %mul3A_617 = arith.constant 0 : i32
      %mul3A_618 = vector.broadcast %mul3A_617 : i32 to vector<16xi32>
      %mul3A_619 = arith.muli %add3A_173, %mul3A_618 : vector<16xi32>
      %add3A_620 = vector.broadcast %add3A_600 : i32 to vector<16xi32>
      %add3A_621 = arith.addi %mul3A_619, %add3A_620 : vector<16xi32>
      tpu.vector_store_idx %arg23[%add3A_173, %add3A_621], %gather3A_616 : memref<64x512xf32, #tpu.memory_space<vmem>>[vector<16xi32>, vector<16xi32>], vector<16xf32>,
      %mul3A_622 = arith.constant 0 : i32
      %mul3A_623 = vector.broadcast %mul3A_622 : i32 to vector<16xi32>
      %mul3A_624 = arith.muli %add3A_177, %mul3A_623 : vector<16xi32>
      %add3A_625 = vector.broadcast %and3A_610 : i32 to vector<16xi32>
      %add3A_626 = arith.addi %mul3A_624, %add3A_625 : vector<16xi32>
      %gather3A_627 = tpu.vector_load_idx %arg19[%add3A_177, %add3A_626] : memref<64x128xf32, #tpu.memory_space<vmem>>[vector<16xi32>, vector<16xi32>], vector<16xf32>,
      %mul3A_628 = arith.constant 0 : i32
      %mul3A_629 = vector.broadcast %mul3A_628 : i32 to vector<16xi32>
      %mul3A_630 = arith.muli %add3A_177, %mul3A_629 : vector<16xi32>
      %add3A_631 = vector.broadcast %add3A_600 : i32 to vector<16xi32>
      %add3A_632 = arith.addi %mul3A_630, %add3A_631 : vector<16xi32>
      tpu.vector_store_idx %arg23[%add3A_177, %add3A_632], %gather3A_627 : memref<64x512xf32, #tpu.memory_space<vmem>>[vector<16xi32>, vector<16xi32>], vector<16xf32>,
      %mul3A_633 = arith.constant 0 : i32
      %mul3A_634 = vector.broadcast %mul3A_633 : i32 to vector<16xi32>
      %mul3A_635 = arith.muli %add3A_181, %mul3A_634 : vector<16xi32>
      %add3A_636 = vector.broadcast %and3A_610 : i32 to vector<16xi32>
      %add3A_637 = arith.addi %mul3A_635, %add3A_636 : vector<16xi32>
      %gather3A_638 = tpu.vector_load_idx %arg19[%add3A_181, %add3A_637] : memref<64x128xf32, #tpu.memory_space<vmem>>[vector<16xi32>, vector<16xi32>], vector<16xf32>,
      %mul3A_639 = arith.constant 0 : i32
      %mul3A_640 = vector.broadcast %mul3A_639 : i32 to vector<16xi32>
      %mul3A_641 = arith.muli %add3A_181, %mul3A_640 : vector<16xi32>
      %add3A_642 = vector.broadcast %add3A_600 : i32 to vector<16xi32>
      %add3A_643 = arith.addi %mul3A_641, %add3A_642 : vector<16xi32>
      tpu.vector_store_idx %arg23[%add3A_181, %add3A_643], %gather3A_638 : memref<64x512xf32, #tpu.memory_space<vmem>>[vector<16xi32>, vector<16xi32>], vector<16xf32>,
      %mul3A_644 = arith.constant 0 : i32
      %mul3A_645 = vector.broadcast %mul3A_644 : i32 to vector<16xi32>
      %mul3A_646 = arith.muli %add3A_185, %mul3A_645 : vector<16xi32>
      %add3A_647 = vector.broadcast %and3A_610 : i32 to vector<16xi32>
      %add3A_648 = arith.addi %mul3A_646, %add3A_647 : vector<16xi32>
      %gather3A_649 = tpu.vector_load_idx %arg19[%add3A_185, %add3A_648] : memref<64x128xf32, #tpu.memory_space<vmem>>[vector<16xi32>, vector<16xi32>], vector<16xf32>,
      %mul3A_650 = arith.constant 0 : i32
      %mul3A_651 = vector.broadcast %mul3A_650 : i32 to vector<16xi32>
      %mul3A_652 = arith.muli %add3A_185, %mul3A_651 : vector<16xi32>
      %add3A_653 = vector.broadcast %add3A_600 : i32 to vector<16xi32>
      %add3A_654 = arith.addi %mul3A_652, %add3A_653 : vector<16xi32>
      tpu.vector_store_idx %arg23[%add3A_185, %add3A_654], %gather3A_649 : memref<64x512xf32, #tpu.memory_space<vmem>>[vector<16xi32>, vector<16xi32>], vector<16xf32>,
      %add3A_655 = arith.constant 8 : i32
      %add3A_656 = arith.addi %add3A_600, %add3A_655 : i32
      %lt3A_657 = arith.constant 512 : i32
      %lt3A_658 = arith.cmpi slt, %add3A_656, %lt3A_657 : i32
      %convert_element_type3A_659 = arith.extui %lt3A_658 : i1 to i32
      %cond3A_660 = arith.constant 0 : i32
      %cond3A_661 = arith.cmpi ne, %convert_element_type3A_659, %cond3A_660 : i32
      scf.if %cond3A_661 {
        %add3A_857 = arith.constant 8 : i32
        %add3A_858 = arith.addi %add3A_600, %add3A_857 : i32
        %get3A_859 = arith.index_cast %add3A_858 : i32 to index
        %get3A_860 = memref.load %arg14[%get3A_859] : memref<512xi32, #tpu.memory_space<smem>>
        %shift_right_arithmetic3A_861 = arith.constant 7 : i32
        %shift_right_arithmetic3A_862 = arith.shrsi %get3A_860, %shift_right_arithmetic3A_861 : i32
        %mul3A_863 = arith.constant 128 : i32
        %mul3A_864 = arith.muli %shift_right_arithmetic3A_862, %mul3A_863 : i32
        %multiple_of3A_865 = tpu.assume_multiple %mul3A_864, 128 : i32
        %dma_start3A_866 = arith.constant 0 : i32
        %dma_start3A_867 = tpu.memref_slice %arg6[%dma_start3A_866, %multiple_of3A_865] : memref<64x1000000xf32, #tpu.memory_space<hbm>> -> memref<64x128xf32, #tpu.memory_space<hbm>>
        %dma_start3A_868 = arith.constant 0 : i32
        %dma_start3A_869 = tpu.memref_slice %arg6[%dma_start3A_868, %multiple_of3A_865] : memref<64x1000000xf32, #tpu.memory_space<hbm>> -> memref<64x128xf32, #tpu.memory_space<hbm>>
        tpu.enqueue_dma source(%dma_start3A_869 : memref<64x128xf32, #tpu.memory_space<hbm>>) target(%arg19 : memref<64x128xf32, #tpu.memory_space<vmem>>) target_semaphore(%arg26 : memref<!tpu.dma_semaphore, #tpu.memory_space<semaphore_mem>>)
      } else {
      }
      %mul3A_662 = arith.constant 8 : i32
      %mul3A_663 = arith.muli %scan3A_341, %mul3A_662 : i32
      %add3A_664 = arith.constant 5 : i32
      %add3A_665 = arith.addi %mul3A_663, %add3A_664 : i32
      %dma_wait3A_666 = arith.constant 0 : i32
      %dma_wait3A_667 = arith.constant 0 : i32
      %dma_wait3A_668 = tpu.memref_slice %arg6[%dma_wait3A_666, %dma_wait3A_667] : memref<64x1000000xf32, #tpu.memory_space<hbm>> -> memref<64x128xf32, #tpu.memory_space<hbm>>
      %dma_wait3A_669 = arith.constant 0 : i32
      %dma_wait3A_670 = arith.constant 0 : i32
      %dma_wait3A_671 = tpu.memref_slice %arg6[%dma_wait3A_669, %dma_wait3A_670] : memref<64x1000000xf32, #tpu.memory_space<hbm>> -> memref<64x128xf32, #tpu.memory_space<hbm>>
      tpu.wait_dma2 semaphore(%arg26 : memref<!tpu.dma_semaphore, #tpu.memory_space<semaphore_mem>>) src(%dma_wait3A_671 : memref<64x128xf32, #tpu.memory_space<hbm>>) dst(%arg20 : memref<64x128xf32, #tpu.memory_space<vmem>>)
      %get3A_672 = arith.index_cast %add3A_665 : i32 to index
      %get3A_673 = memref.load %arg14[%get3A_672] : memref<512xi32, #tpu.memory_space<smem>>
      %and3A_674 = arith.constant 127 : i32
      %and3A_675 = arith.andi %get3A_673, %and3A_674 : i32
      %mul3A_676 = arith.constant 0 : i32
      %mul3A_677 = vector.broadcast %mul3A_676 : i32 to vector<16xi32>
      %mul3A_678 = arith.muli %add3A_173, %mul3A_677 : vector<16xi32>
      %add3A_679 = vector.broadcast %and3A_675 : i32 to vector<16xi32>
      %add3A_680 = arith.addi %mul3A_678, %add3A_679 : vector<16xi32>
      %gather3A_681 = tpu.vector_load_idx %arg20[%add3A_173, %add3A_680] : memref<64x128xf32, #tpu.memory_space<vmem>>[vector<16xi32>, vector<16xi32>], vector<16xf32>,
      %mul3A_682 = arith.constant 0 : i32
      %mul3A_683 = vector.broadcast %mul3A_682 : i32 to vector<16xi32>
      %mul3A_684 = arith.muli %add3A_173, %mul3A_683 : vector<16xi32>
      %add3A_685 = vector.broadcast %add3A_665 : i32 to vector<16xi32>
      %add3A_686 = arith.addi %mul3A_684, %add3A_685 : vector<16xi32>
      tpu.vector_store_idx %arg23[%add3A_173, %add3A_686], %gather3A_681 : memref<64x512xf32, #tpu.memory_space<vmem>>[vector<16xi32>, vector<16xi32>], vector<16xf32>,
      %mul3A_687 = arith.constant 0 : i32
      %mul3A_688 = vector.broadcast %mul3A_687 : i32 to vector<16xi32>
      %mul3A_689 = arith.muli %add3A_177, %mul3A_688 : vector<16xi32>
      %add3A_690 = vector.broadcast %and3A_675 : i32 to vector<16xi32>
      %add3A_691 = arith.addi %mul3A_689, %add3A_690 : vector<16xi32>
      %gather3A_692 = tpu.vector_load_idx %arg20[%add3A_177, %add3A_691] : memref<64x128xf32, #tpu.memory_space<vmem>>[vector<16xi32>, vector<16xi32>], vector<16xf32>,
      %mul3A_693 = arith.constant 0 : i32
      %mul3A_694 = vector.broadcast %mul3A_693 : i32 to vector<16xi32>
      %mul3A_695 = arith.muli %add3A_177, %mul3A_694 : vector<16xi32>
      %add3A_696 = vector.broadcast %add3A_665 : i32 to vector<16xi32>
      %add3A_697 = arith.addi %mul3A_695, %add3A_696 : vector<16xi32>
      tpu.vector_store_idx %arg23[%add3A_177, %add3A_697], %gather3A_692 : memref<64x512xf32, #tpu.memory_space<vmem>>[vector<16xi32>, vector<16xi32>], vector<16xf32>,
      %mul3A_698 = arith.constant 0 : i32
      %mul3A_699 = vector.broadcast %mul3A_698 : i32 to vector<16xi32>
      %mul3A_700 = arith.muli %add3A_181, %mul3A_699 : vector<16xi32>
      %add3A_701 = vector.broadcast %and3A_675 : i32 to vector<16xi32>
      %add3A_702 = arith.addi %mul3A_700, %add3A_701 : vector<16xi32>
      %gather3A_703 = tpu.vector_load_idx %arg20[%add3A_181, %add3A_702] : memref<64x128xf32, #tpu.memory_space<vmem>>[vector<16xi32>, vector<16xi32>], vector<16xf32>,
      %mul3A_704 = arith.constant 0 : i32
      %mul3A_705 = vector.broadcast %mul3A_704 : i32 to vector<16xi32>
      %mul3A_706 = arith.muli %add3A_181, %mul3A_705 : vector<16xi32>
      %add3A_707 = vector.broadcast %add3A_665 : i32 to vector<16xi32>
      %add3A_708 = arith.addi %mul3A_706, %add3A_707 : vector<16xi32>
      tpu.vector_store_idx %arg23[%add3A_181, %add3A_708], %gather3A_703 : memref<64x512xf32, #tpu.memory_space<vmem>>[vector<16xi32>, vector<16xi32>], vector<16xf32>,
      %mul3A_709 = arith.constant 0 : i32
      %mul3A_710 = vector.broadcast %mul3A_709 : i32 to vector<16xi32>
      %mul3A_711 = arith.muli %add3A_185, %mul3A_710 : vector<16xi32>
      %add3A_712 = vector.broadcast %and3A_675 : i32 to vector<16xi32>
      %add3A_713 = arith.addi %mul3A_711, %add3A_712 : vector<16xi32>
      %gather3A_714 = tpu.vector_load_idx %arg20[%add3A_185, %add3A_713] : memref<64x128xf32, #tpu.memory_space<vmem>>[vector<16xi32>, vector<16xi32>], vector<16xf32>,
      %mul3A_715 = arith.constant 0 : i32
      %mul3A_716 = vector.broadcast %mul3A_715 : i32 to vector<16xi32>
      %mul3A_717 = arith.muli %add3A_185, %mul3A_716 : vector<16xi32>
      %add3A_718 = vector.broadcast %add3A_665 : i32 to vector<16xi32>
      %add3A_719 = arith.addi %mul3A_717, %add3A_718 : vector<16xi32>
      tpu.vector_store_idx %arg23[%add3A_185, %add3A_719], %gather3A_714 : memref<64x512xf32, #tpu.memory_space<vmem>>[vector<16xi32>, vector<16xi32>], vector<16xf32>,
      %add3A_720 = arith.constant 8 : i32
      %add3A_721 = arith.addi %add3A_665, %add3A_720 : i32
      %lt3A_722 = arith.constant 512 : i32
      %lt3A_723 = arith.cmpi slt, %add3A_721, %lt3A_722 : i32
      %convert_element_type3A_724 = arith.extui %lt3A_723 : i1 to i32
      %cond3A_725 = arith.constant 0 : i32
      %cond3A_726 = arith.cmpi ne, %convert_element_type3A_724, %cond3A_725 : i32
      scf.if %cond3A_726 {
        %add3A_857 = arith.constant 8 : i32
        %add3A_858 = arith.addi %add3A_665, %add3A_857 : i32
        %get3A_859 = arith.index_cast %add3A_858 : i32 to index
        %get3A_860 = memref.load %arg14[%get3A_859] : memref<512xi32, #tpu.memory_space<smem>>
        %shift_right_arithmetic3A_861 = arith.constant 7 : i32
        %shift_right_arithmetic3A_862 = arith.shrsi %get3A_860, %shift_right_arithmetic3A_861 : i32
        %mul3A_863 = arith.constant 128 : i32
        %mul3A_864 = arith.muli %shift_right_arithmetic3A_862, %mul3A_863 : i32
        %multiple_of3A_865 = tpu.assume_multiple %mul3A_864, 128 : i32
        %dma_start3A_866 = arith.constant 0 : i32
        %dma_start3A_867 = tpu.memref_slice %arg6[%dma_start3A_866, %multiple_of3A_865] : memref<64x1000000xf32, #tpu.memory_space<hbm>> -> memref<64x128xf32, #tpu.memory_space<hbm>>
        %dma_start3A_868 = arith.constant 0 : i32
        %dma_start3A_869 = tpu.memref_slice %arg6[%dma_start3A_868, %multiple_of3A_865] : memref<64x1000000xf32, #tpu.memory_space<hbm>> -> memref<64x128xf32, #tpu.memory_space<hbm>>
        tpu.enqueue_dma source(%dma_start3A_869 : memref<64x128xf32, #tpu.memory_space<hbm>>) target(%arg20 : memref<64x128xf32, #tpu.memory_space<vmem>>) target_semaphore(%arg26 : memref<!tpu.dma_semaphore, #tpu.memory_space<semaphore_mem>>)
      } else {
      }
      %mul3A_727 = arith.constant 8 : i32
      %mul3A_728 = arith.muli %scan3A_341, %mul3A_727 : i32
      %add3A_729 = arith.constant 6 : i32
      %add3A_730 = arith.addi %mul3A_728, %add3A_729 : i32
      %dma_wait3A_731 = arith.constant 0 : i32
      %dma_wait3A_732 = arith.constant 0 : i32
      %dma_wait3A_733 = tpu.memref_slice %arg6[%dma_wait3A_731, %dma_wait3A_732] : memref<64x1000000xf32, #tpu.memory_space<hbm>> -> memref<64x128xf32, #tpu.memory_space<hbm>>
      %dma_wait3A_734 = arith.constant 0 : i32
      %dma_wait3A_735 = arith.constant 0 : i32
      %dma_wait3A_736 = tpu.memref_slice %arg6[%dma_wait3A_734, %dma_wait3A_735] : memref<64x1000000xf32, #tpu.memory_space<hbm>> -> memref<64x128xf32, #tpu.memory_space<hbm>>
      tpu.wait_dma2 semaphore(%arg26 : memref<!tpu.dma_semaphore, #tpu.memory_space<semaphore_mem>>) src(%dma_wait3A_736 : memref<64x128xf32, #tpu.memory_space<hbm>>) dst(%arg21 : memref<64x128xf32, #tpu.memory_space<vmem>>)
      %get3A_737 = arith.index_cast %add3A_730 : i32 to index
      %get3A_738 = memref.load %arg14[%get3A_737] : memref<512xi32, #tpu.memory_space<smem>>
      %and3A_739 = arith.constant 127 : i32
      %and3A_740 = arith.andi %get3A_738, %and3A_739 : i32
      %mul3A_741 = arith.constant 0 : i32
      %mul3A_742 = vector.broadcast %mul3A_741 : i32 to vector<16xi32>
      %mul3A_743 = arith.muli %add3A_173, %mul3A_742 : vector<16xi32>
      %add3A_744 = vector.broadcast %and3A_740 : i32 to vector<16xi32>
      %add3A_745 = arith.addi %mul3A_743, %add3A_744 : vector<16xi32>
      %gather3A_746 = tpu.vector_load_idx %arg21[%add3A_173, %add3A_745] : memref<64x128xf32, #tpu.memory_space<vmem>>[vector<16xi32>, vector<16xi32>], vector<16xf32>,
      %mul3A_747 = arith.constant 0 : i32
      %mul3A_748 = vector.broadcast %mul3A_747 : i32 to vector<16xi32>
      %mul3A_749 = arith.muli %add3A_173, %mul3A_748 : vector<16xi32>
      %add3A_750 = vector.broadcast %add3A_730 : i32 to vector<16xi32>
      %add3A_751 = arith.addi %mul3A_749, %add3A_750 : vector<16xi32>
      tpu.vector_store_idx %arg23[%add3A_173, %add3A_751], %gather3A_746 : memref<64x512xf32, #tpu.memory_space<vmem>>[vector<16xi32>, vector<16xi32>], vector<16xf32>,
      %mul3A_752 = arith.constant 0 : i32
      %mul3A_753 = vector.broadcast %mul3A_752 : i32 to vector<16xi32>
      %mul3A_754 = arith.muli %add3A_177, %mul3A_753 : vector<16xi32>
      %add3A_755 = vector.broadcast %and3A_740 : i32 to vector<16xi32>
      %add3A_756 = arith.addi %mul3A_754, %add3A_755 : vector<16xi32>
      %gather3A_757 = tpu.vector_load_idx %arg21[%add3A_177, %add3A_756] : memref<64x128xf32, #tpu.memory_space<vmem>>[vector<16xi32>, vector<16xi32>], vector<16xf32>,
      %mul3A_758 = arith.constant 0 : i32
      %mul3A_759 = vector.broadcast %mul3A_758 : i32 to vector<16xi32>
      %mul3A_760 = arith.muli %add3A_177, %mul3A_759 : vector<16xi32>
      %add3A_761 = vector.broadcast %add3A_730 : i32 to vector<16xi32>
      %add3A_762 = arith.addi %mul3A_760, %add3A_761 : vector<16xi32>
      tpu.vector_store_idx %arg23[%add3A_177, %add3A_762], %gather3A_757 : memref<64x512xf32, #tpu.memory_space<vmem>>[vector<16xi32>, vector<16xi32>], vector<16xf32>,
      %mul3A_763 = arith.constant 0 : i32
      %mul3A_764 = vector.broadcast %mul3A_763 : i32 to vector<16xi32>
      %mul3A_765 = arith.muli %add3A_181, %mul3A_764 : vector<16xi32>
      %add3A_766 = vector.broadcast %and3A_740 : i32 to vector<16xi32>
      %add3A_767 = arith.addi %mul3A_765, %add3A_766 : vector<16xi32>
      %gather3A_768 = tpu.vector_load_idx %arg21[%add3A_181, %add3A_767] : memref<64x128xf32, #tpu.memory_space<vmem>>[vector<16xi32>, vector<16xi32>], vector<16xf32>,
      %mul3A_769 = arith.constant 0 : i32
      %mul3A_770 = vector.broadcast %mul3A_769 : i32 to vector<16xi32>
      %mul3A_771 = arith.muli %add3A_181, %mul3A_770 : vector<16xi32>
      %add3A_772 = vector.broadcast %add3A_730 : i32 to vector<16xi32>
      %add3A_773 = arith.addi %mul3A_771, %add3A_772 : vector<16xi32>
      tpu.vector_store_idx %arg23[%add3A_181, %add3A_773], %gather3A_768 : memref<64x512xf32, #tpu.memory_space<vmem>>[vector<16xi32>, vector<16xi32>], vector<16xf32>,
      %mul3A_774 = arith.constant 0 : i32
      %mul3A_775 = vector.broadcast %mul3A_774 : i32 to vector<16xi32>
      %mul3A_776 = arith.muli %add3A_185, %mul3A_775 : vector<16xi32>
      %add3A_777 = vector.broadcast %and3A_740 : i32 to vector<16xi32>
      %add3A_778 = arith.addi %mul3A_776, %add3A_777 : vector<16xi32>
      %gather3A_779 = tpu.vector_load_idx %arg21[%add3A_185, %add3A_778] : memref<64x128xf32, #tpu.memory_space<vmem>>[vector<16xi32>, vector<16xi32>], vector<16xf32>,
      %mul3A_780 = arith.constant 0 : i32
      %mul3A_781 = vector.broadcast %mul3A_780 : i32 to vector<16xi32>
      %mul3A_782 = arith.muli %add3A_185, %mul3A_781 : vector<16xi32>
      %add3A_783 = vector.broadcast %add3A_730 : i32 to vector<16xi32>
      %add3A_784 = arith.addi %mul3A_782, %add3A_783 : vector<16xi32>
      tpu.vector_store_idx %arg23[%add3A_185, %add3A_784], %gather3A_779 : memref<64x512xf32, #tpu.memory_space<vmem>>[vector<16xi32>, vector<16xi32>], vector<16xf32>,
      %add3A_785 = arith.constant 8 : i32
      %add3A_786 = arith.addi %add3A_730, %add3A_785 : i32
      %lt3A_787 = arith.constant 512 : i32
      %lt3A_788 = arith.cmpi slt, %add3A_786, %lt3A_787 : i32
      %convert_element_type3A_789 = arith.extui %lt3A_788 : i1 to i32
      %cond3A_790 = arith.constant 0 : i32
      %cond3A_791 = arith.cmpi ne, %convert_element_type3A_789, %cond3A_790 : i32
      scf.if %cond3A_791 {
        %add3A_857 = arith.constant 8 : i32
        %add3A_858 = arith.addi %add3A_730, %add3A_857 : i32
        %get3A_859 = arith.index_cast %add3A_858 : i32 to index
        %get3A_860 = memref.load %arg14[%get3A_859] : memref<512xi32, #tpu.memory_space<smem>>
        %shift_right_arithmetic3A_861 = arith.constant 7 : i32
        %shift_right_arithmetic3A_862 = arith.shrsi %get3A_860, %shift_right_arithmetic3A_861 : i32
        %mul3A_863 = arith.constant 128 : i32
        %mul3A_864 = arith.muli %shift_right_arithmetic3A_862, %mul3A_863 : i32
        %multiple_of3A_865 = tpu.assume_multiple %mul3A_864, 128 : i32
        %dma_start3A_866 = arith.constant 0 : i32
        %dma_start3A_867 = tpu.memref_slice %arg6[%dma_start3A_866, %multiple_of3A_865] : memref<64x1000000xf32, #tpu.memory_space<hbm>> -> memref<64x128xf32, #tpu.memory_space<hbm>>
        %dma_start3A_868 = arith.constant 0 : i32
        %dma_start3A_869 = tpu.memref_slice %arg6[%dma_start3A_868, %multiple_of3A_865] : memref<64x1000000xf32, #tpu.memory_space<hbm>> -> memref<64x128xf32, #tpu.memory_space<hbm>>
        tpu.enqueue_dma source(%dma_start3A_869 : memref<64x128xf32, #tpu.memory_space<hbm>>) target(%arg21 : memref<64x128xf32, #tpu.memory_space<vmem>>) target_semaphore(%arg26 : memref<!tpu.dma_semaphore, #tpu.memory_space<semaphore_mem>>)
      } else {
      }
      %mul3A_792 = arith.constant 8 : i32
      %mul3A_793 = arith.muli %scan3A_341, %mul3A_792 : i32
      %add3A_794 = arith.constant 7 : i32
      %add3A_795 = arith.addi %mul3A_793, %add3A_794 : i32
      %dma_wait3A_796 = arith.constant 0 : i32
      %dma_wait3A_797 = arith.constant 0 : i32
      %dma_wait3A_798 = tpu.memref_slice %arg6[%dma_wait3A_796, %dma_wait3A_797] : memref<64x1000000xf32, #tpu.memory_space<hbm>> -> memref<64x128xf32, #tpu.memory_space<hbm>>
      %dma_wait3A_799 = arith.constant 0 : i32
      %dma_wait3A_800 = arith.constant 0 : i32
      %dma_wait3A_801 = tpu.memref_slice %arg6[%dma_wait3A_799, %dma_wait3A_800] : memref<64x1000000xf32, #tpu.memory_space<hbm>> -> memref<64x128xf32, #tpu.memory_space<hbm>>
      tpu.wait_dma2 semaphore(%arg26 : memref<!tpu.dma_semaphore, #tpu.memory_space<semaphore_mem>>) src(%dma_wait3A_801 : memref<64x128xf32, #tpu.memory_space<hbm>>) dst(%arg22 : memref<64x128xf32, #tpu.memory_space<vmem>>)
      %get3A_802 = arith.index_cast %add3A_795 : i32 to index
      %get3A_803 = memref.load %arg14[%get3A_802] : memref<512xi32, #tpu.memory_space<smem>>
      %and3A_804 = arith.constant 127 : i32
      %and3A_805 = arith.andi %get3A_803, %and3A_804 : i32
      %mul3A_806 = arith.constant 0 : i32
      %mul3A_807 = vector.broadcast %mul3A_806 : i32 to vector<16xi32>
      %mul3A_808 = arith.muli %add3A_173, %mul3A_807 : vector<16xi32>
      %add3A_809 = vector.broadcast %and3A_805 : i32 to vector<16xi32>
      %add3A_810 = arith.addi %mul3A_808, %add3A_809 : vector<16xi32>
      %gather3A_811 = tpu.vector_load_idx %arg22[%add3A_173, %add3A_810] : memref<64x128xf32, #tpu.memory_space<vmem>>[vector<16xi32>, vector<16xi32>], vector<16xf32>,
      %mul3A_812 = arith.constant 0 : i32
      %mul3A_813 = vector.broadcast %mul3A_812 : i32 to vector<16xi32>
      %mul3A_814 = arith.muli %add3A_173, %mul3A_813 : vector<16xi32>
      %add3A_815 = vector.broadcast %add3A_795 : i32 to vector<16xi32>
      %add3A_816 = arith.addi %mul3A_814, %add3A_815 : vector<16xi32>
      tpu.vector_store_idx %arg23[%add3A_173, %add3A_816], %gather3A_811 : memref<64x512xf32, #tpu.memory_space<vmem>>[vector<16xi32>, vector<16xi32>], vector<16xf32>,
      %mul3A_817 = arith.constant 0 : i32
      %mul3A_818 = vector.broadcast %mul3A_817 : i32 to vector<16xi32>
      %mul3A_819 = arith.muli %add3A_177, %mul3A_818 : vector<16xi32>
      %add3A_820 = vector.broadcast %and3A_805 : i32 to vector<16xi32>
      %add3A_821 = arith.addi %mul3A_819, %add3A_820 : vector<16xi32>
      %gather3A_822 = tpu.vector_load_idx %arg22[%add3A_177, %add3A_821] : memref<64x128xf32, #tpu.memory_space<vmem>>[vector<16xi32>, vector<16xi32>], vector<16xf32>,
      %mul3A_823 = arith.constant 0 : i32
      %mul3A_824 = vector.broadcast %mul3A_823 : i32 to vector<16xi32>
      %mul3A_825 = arith.muli %add3A_177, %mul3A_824 : vector<16xi32>
      %add3A_826 = vector.broadcast %add3A_795 : i32 to vector<16xi32>
      %add3A_827 = arith.addi %mul3A_825, %add3A_826 : vector<16xi32>
      tpu.vector_store_idx %arg23[%add3A_177, %add3A_827], %gather3A_822 : memref<64x512xf32, #tpu.memory_space<vmem>>[vector<16xi32>, vector<16xi32>], vector<16xf32>,
      %mul3A_828 = arith.constant 0 : i32
      %mul3A_829 = vector.broadcast %mul3A_828 : i32 to vector<16xi32>
      %mul3A_830 = arith.muli %add3A_181, %mul3A_829 : vector<16xi32>
      %add3A_831 = vector.broadcast %and3A_805 : i32 to vector<16xi32>
      %add3A_832 = arith.addi %mul3A_830, %add3A_831 : vector<16xi32>
      %gather3A_833 = tpu.vector_load_idx %arg22[%add3A_181, %add3A_832] : memref<64x128xf32, #tpu.memory_space<vmem>>[vector<16xi32>, vector<16xi32>], vector<16xf32>,
      %mul3A_834 = arith.constant 0 : i32
      %mul3A_835 = vector.broadcast %mul3A_834 : i32 to vector<16xi32>
      %mul3A_836 = arith.muli %add3A_181, %mul3A_835 : vector<16xi32>
      %add3A_837 = vector.broadcast %add3A_795 : i32 to vector<16xi32>
      %add3A_838 = arith.addi %mul3A_836, %add3A_837 : vector<16xi32>
      tpu.vector_store_idx %arg23[%add3A_181, %add3A_838], %gather3A_833 : memref<64x512xf32, #tpu.memory_space<vmem>>[vector<16xi32>, vector<16xi32>], vector<16xf32>,
      %mul3A_839 = arith.constant 0 : i32
      %mul3A_840 = vector.broadcast %mul3A_839 : i32 to vector<16xi32>
      %mul3A_841 = arith.muli %add3A_185, %mul3A_840 : vector<16xi32>
      %add3A_842 = vector.broadcast %and3A_805 : i32 to vector<16xi32>
      %add3A_843 = arith.addi %mul3A_841, %add3A_842 : vector<16xi32>
      %gather3A_844 = tpu.vector_load_idx %arg22[%add3A_185, %add3A_843] : memref<64x128xf32, #tpu.memory_space<vmem>>[vector<16xi32>, vector<16xi32>], vector<16xf32>,
      %mul3A_845 = arith.constant 0 : i32
      %mul3A_846 = vector.broadcast %mul3A_845 : i32 to vector<16xi32>
      %mul3A_847 = arith.muli %add3A_185, %mul3A_846 : vector<16xi32>
      %add3A_848 = vector.broadcast %add3A_795 : i32 to vector<16xi32>
      %add3A_849 = arith.addi %mul3A_847, %add3A_848 : vector<16xi32>
      tpu.vector_store_idx %arg23[%add3A_185, %add3A_849], %gather3A_844 : memref<64x512xf32, #tpu.memory_space<vmem>>[vector<16xi32>, vector<16xi32>], vector<16xf32>,
      %add3A_850 = arith.constant 8 : i32
      %add3A_851 = arith.addi %add3A_795, %add3A_850 : i32
      %lt3A_852 = arith.constant 512 : i32
      %lt3A_853 = arith.cmpi slt, %add3A_851, %lt3A_852 : i32
      %convert_element_type3A_854 = arith.extui %lt3A_853 : i1 to i32
      %cond3A_855 = arith.constant 0 : i32
      %cond3A_856 = arith.cmpi ne, %convert_element_type3A_854, %cond3A_855 : i32
      scf.if %cond3A_856 {
        %add3A_857 = arith.constant 8 : i32
        %add3A_858 = arith.addi %add3A_795, %add3A_857 : i32
        %get3A_859 = arith.index_cast %add3A_858 : i32 to index
        %get3A_860 = memref.load %arg14[%get3A_859] : memref<512xi32, #tpu.memory_space<smem>>
        %shift_right_arithmetic3A_861 = arith.constant 7 : i32
        %shift_right_arithmetic3A_862 = arith.shrsi %get3A_860, %shift_right_arithmetic3A_861 : i32
        %mul3A_863 = arith.constant 128 : i32
        %mul3A_864 = arith.muli %shift_right_arithmetic3A_862, %mul3A_863 : i32
        %multiple_of3A_865 = tpu.assume_multiple %mul3A_864, 128 : i32
        %dma_start3A_866 = arith.constant 0 : i32
        %dma_start3A_867 = tpu.memref_slice %arg6[%dma_start3A_866, %multiple_of3A_865] : memref<64x1000000xf32, #tpu.memory_space<hbm>> -> memref<64x128xf32, #tpu.memory_space<hbm>>
        %dma_start3A_868 = arith.constant 0 : i32
        %dma_start3A_869 = tpu.memref_slice %arg6[%dma_start3A_868, %multiple_of3A_865] : memref<64x1000000xf32, #tpu.memory_space<hbm>> -> memref<64x128xf32, #tpu.memory_space<hbm>>
        tpu.enqueue_dma source(%dma_start3A_869 : memref<64x128xf32, #tpu.memory_space<hbm>>) target(%arg22 : memref<64x128xf32, #tpu.memory_space<vmem>>) target_semaphore(%arg26 : memref<!tpu.dma_semaphore, #tpu.memory_space<semaphore_mem>>)
      } else {
      }
    }
    %scan3A_293 = arith.constant 64 : i32
    "tpu.region"() ({
      %run_scoped3A = tpu.sem_alloc : memref<!tpu.dma_semaphore, #tpu.memory_space<semaphore_mem>>
      %dma_start3A_341 = arith.constant 0 : i32
      %dma_start3A_342 = tpu.memref_slice %arg10[%dma_start3A_341, %multiple_of3A] : memref<64x16384xf32, #tpu.memory_space<hbm>> -> memref<64x512xf32, #tpu.memory_space<hbm>>
      %dma_start3A_343 = arith.constant 0 : i32
      %dma_start3A_344 = tpu.memref_slice %arg10[%dma_start3A_343, %multiple_of3A] : memref<64x16384xf32, #tpu.memory_space<hbm>> -> memref<64x512xf32, #tpu.memory_space<hbm>>
      tpu.enqueue_dma source(%arg23 : memref<64x512xf32, #tpu.memory_space<vmem>>) target(%dma_start3A_344 : memref<64x512xf32, #tpu.memory_space<hbm>>) target_semaphore(%run_scoped3A : memref<!tpu.dma_semaphore, #tpu.memory_space<semaphore_mem>>)
      %dma_wait3A_345 = arith.constant 0 : i32
      %dma_wait3A_346 = tpu.memref_slice %arg10[%dma_wait3A_345, %multiple_of3A] : memref<64x16384xf32, #tpu.memory_space<hbm>> -> memref<64x512xf32, #tpu.memory_space<hbm>>
      %dma_wait3A_347 = arith.constant 0 : i32
      %dma_wait3A_348 = tpu.memref_slice %arg10[%dma_wait3A_347, %multiple_of3A] : memref<64x16384xf32, #tpu.memory_space<hbm>> -> memref<64x512xf32, #tpu.memory_space<hbm>>
      tpu.wait_dma2 semaphore(%run_scoped3A : memref<!tpu.dma_semaphore, #tpu.memory_space<semaphore_mem>>) src(%arg23 : memref<64x512xf32, #tpu.memory_space<vmem>>) dst(%dma_wait3A_348 : memref<64x512xf32, #tpu.memory_space<hbm>>)
      tpu.yield
    }) : () -> ()
    %dma_wait3A = arith.constant 0 : i32
    %dma_wait3A_294 = tpu.memref_slice %arg24[%dma_wait3A] : memref<512xf32, #tpu.memory_space<vmem>> -> memref<128xf32, #tpu.memory_space<vmem>>
    %dma_wait3A_295 = arith.constant 0 : i32
    %dma_wait3A_296 = tpu.memref_slice %arg12[%dma_wait3A_295] : memref<512xi32, #tpu.memory_space<vmem>> -> memref<128xi32, #tpu.memory_space<vmem>>
    %dma_wait3A_297 = arith.constant 0 : i32
    %dma_wait3A_298 = tpu.memref_slice %arg5[%dma_wait3A_297] : memref<1000000xf32, #tpu.memory_space<hbm>> -> memref<1000000xf32, #tpu.memory_space<hbm>>
    tpu.wait_indirect_dma semaphore(%arg27 : memref<!tpu.dma_semaphore, #tpu.memory_space<semaphore_mem>>) src(%dma_wait3A_298 : memref<1000000xf32, #tpu.memory_space<hbm>>) dst(%dma_wait3A_294 : memref<128xf32, #tpu.memory_space<vmem>>)
    %dma_wait3A_299 = arith.constant 0 : i32
    %dma_wait3A_300 = tpu.memref_slice %arg25[%dma_wait3A_299] : memref<512xf32, #tpu.memory_space<vmem>> -> memref<128xf32, #tpu.memory_space<vmem>>
    %dma_wait3A_301 = arith.constant 0 : i32
    %dma_wait3A_302 = tpu.memref_slice %arg13[%dma_wait3A_301] : memref<512xi32, #tpu.memory_space<vmem>> -> memref<128xi32, #tpu.memory_space<vmem>>
    %dma_wait3A_303 = arith.constant 0 : i32
    %dma_wait3A_304 = tpu.memref_slice %arg7[%dma_wait3A_303] : memref<1000000xf32, #tpu.memory_space<hbm>> -> memref<1000000xf32, #tpu.memory_space<hbm>>
    tpu.wait_indirect_dma semaphore(%arg27 : memref<!tpu.dma_semaphore, #tpu.memory_space<semaphore_mem>>) src(%dma_wait3A_304 : memref<1000000xf32, #tpu.memory_space<hbm>>) dst(%dma_wait3A_300 : memref<128xf32, #tpu.memory_space<vmem>>)
    %dma_wait3A_305 = arith.constant 128 : i32
    %dma_wait3A_306 = tpu.memref_slice %arg24[%dma_wait3A_305] : memref<512xf32, #tpu.memory_space<vmem>> -> memref<128xf32, #tpu.memory_space<vmem>>
    %dma_wait3A_307 = arith.constant 128 : i32
    %dma_wait3A_308 = tpu.memref_slice %arg12[%dma_wait3A_307] : memref<512xi32, #tpu.memory_space<vmem>> -> memref<128xi32, #tpu.memory_space<vmem>>
    %dma_wait3A_309 = arith.constant 0 : i32
    %dma_wait3A_310 = tpu.memref_slice %arg5[%dma_wait3A_309] : memref<1000000xf32, #tpu.memory_space<hbm>> -> memref<1000000xf32, #tpu.memory_space<hbm>>
    tpu.wait_indirect_dma semaphore(%arg27 : memref<!tpu.dma_semaphore, #tpu.memory_space<semaphore_mem>>) src(%dma_wait3A_310 : memref<1000000xf32, #tpu.memory_space<hbm>>) dst(%dma_wait3A_306 : memref<128xf32, #tpu.memory_space<vmem>>)
    %dma_wait3A_311 = arith.constant 128 : i32
    %dma_wait3A_312 = tpu.memref_slice %arg25[%dma_wait3A_311] : memref<512xf32, #tpu.memory_space<vmem>> -> memref<128xf32, #tpu.memory_space<vmem>>
    %dma_wait3A_313 = arith.constant 128 : i32
    %dma_wait3A_314 = tpu.memref_slice %arg13[%dma_wait3A_313] : memref<512xi32, #tpu.memory_space<vmem>> -> memref<128xi32, #tpu.memory_space<vmem>>
    %dma_wait3A_315 = arith.constant 0 : i32
    %dma_wait3A_316 = tpu.memref_slice %arg7[%dma_wait3A_315] : memref<1000000xf32, #tpu.memory_space<hbm>> -> memref<1000000xf32, #tpu.memory_space<hbm>>
    tpu.wait_indirect_dma semaphore(%arg27 : memref<!tpu.dma_semaphore, #tpu.memory_space<semaphore_mem>>) src(%dma_wait3A_316 : memref<1000000xf32, #tpu.memory_space<hbm>>) dst(%dma_wait3A_312 : memref<128xf32, #tpu.memory_space<vmem>>)
    %dma_wait3A_317 = arith.constant 256 : i32
    %dma_wait3A_318 = tpu.memref_slice %arg24[%dma_wait3A_317] : memref<512xf32, #tpu.memory_space<vmem>> -> memref<128xf32, #tpu.memory_space<vmem>>
    %dma_wait3A_319 = arith.constant 256 : i32
    %dma_wait3A_320 = tpu.memref_slice %arg12[%dma_wait3A_319] : memref<512xi32, #tpu.memory_space<vmem>> -> memref<128xi32, #tpu.memory_space<vmem>>
    %dma_wait3A_321 = arith.constant 0 : i32
    %dma_wait3A_322 = tpu.memref_slice %arg5[%dma_wait3A_321] : memref<1000000xf32, #tpu.memory_space<hbm>> -> memref<1000000xf32, #tpu.memory_space<hbm>>
    tpu.wait_indirect_dma semaphore(%arg27 : memref<!tpu.dma_semaphore, #tpu.memory_space<semaphore_mem>>) src(%dma_wait3A_322 : memref<1000000xf32, #tpu.memory_space<hbm>>) dst(%dma_wait3A_318 : memref<128xf32, #tpu.memory_space<vmem>>)
    %dma_wait3A_323 = arith.constant 256 : i32
    %dma_wait3A_324 = tpu.memref_slice %arg25[%dma_wait3A_323] : memref<512xf32, #tpu.memory_space<vmem>> -> memref<128xf32, #tpu.memory_space<vmem>>
    %dma_wait3A_325 = arith.constant 256 : i32
    %dma_wait3A_326 = tpu.memref_slice %arg13[%dma_wait3A_325] : memref<512xi32, #tpu.memory_space<vmem>> -> memref<128xi32, #tpu.memory_space<vmem>>
    %dma_wait3A_327 = arith.constant 0 : i32
    %dma_wait3A_328 = tpu.memref_slice %arg7[%dma_wait3A_327] : memref<1000000xf32, #tpu.memory_space<hbm>> -> memref<1000000xf32, #tpu.memory_space<hbm>>
    tpu.wait_indirect_dma semaphore(%arg27 : memref<!tpu.dma_semaphore, #tpu.memory_space<semaphore_mem>>) src(%dma_wait3A_328 : memref<1000000xf32, #tpu.memory_space<hbm>>) dst(%dma_wait3A_324 : memref<128xf32, #tpu.memory_space<vmem>>)
    %dma_wait3A_329 = arith.constant 384 : i32
    %dma_wait3A_330 = tpu.memref_slice %arg24[%dma_wait3A_329] : memref<512xf32, #tpu.memory_space<vmem>> -> memref<128xf32, #tpu.memory_space<vmem>>
    %dma_wait3A_331 = arith.constant 384 : i32
    %dma_wait3A_332 = tpu.memref_slice %arg12[%dma_wait3A_331] : memref<512xi32, #tpu.memory_space<vmem>> -> memref<128xi32, #tpu.memory_space<vmem>>
    %dma_wait3A_333 = arith.constant 0 : i32
    %dma_wait3A_334 = tpu.memref_slice %arg5[%dma_wait3A_333] : memref<1000000xf32, #tpu.memory_space<hbm>> -> memref<1000000xf32, #tpu.memory_space<hbm>>
    tpu.wait_indirect_dma semaphore(%arg27 : memref<!tpu.dma_semaphore, #tpu.memory_space<semaphore_mem>>) src(%dma_wait3A_334 : memref<1000000xf32, #tpu.memory_space<hbm>>) dst(%dma_wait3A_330 : memref<128xf32, #tpu.memory_space<vmem>>)
    %dma_wait3A_335 = arith.constant 384 : i32
    %dma_wait3A_336 = tpu.memref_slice %arg25[%dma_wait3A_335] : memref<512xf32, #tpu.memory_space<vmem>> -> memref<128xf32, #tpu.memory_space<vmem>>
    %dma_wait3A_337 = arith.constant 384 : i32
    %dma_wait3A_338 = tpu.memref_slice %arg13[%dma_wait3A_337] : memref<512xi32, #tpu.memory_space<vmem>> -> memref<128xi32, #tpu.memory_space<vmem>>
    %dma_wait3A_339 = arith.constant 0 : i32
    %dma_wait3A_340 = tpu.memref_slice %arg7[%dma_wait3A_339] : memref<1000000xf32, #tpu.memory_space<hbm>> -> memref<1000000xf32, #tpu.memory_space<hbm>>
    tpu.wait_indirect_dma semaphore(%arg27 : memref<!tpu.dma_semaphore, #tpu.memory_space<semaphore_mem>>) src(%dma_wait3A_340 : memref<1000000xf32, #tpu.memory_space<hbm>>) dst(%dma_wait3A_336 : memref<128xf32, #tpu.memory_space<vmem>>)
    "tpu.region"() ({
      %run_scoped3A = tpu.sem_alloc : memref<!tpu.dma_semaphore, #tpu.memory_space<semaphore_mem>>
      %dma_start3A_341 = tpu.memref_slice %arg9[%multiple_of3A] : memref<16384xf32, #tpu.memory_space<hbm>> -> memref<512xf32, #tpu.memory_space<hbm>>
      %dma_start3A_342 = tpu.memref_slice %arg9[%multiple_of3A] : memref<16384xf32, #tpu.memory_space<hbm>> -> memref<512xf32, #tpu.memory_space<hbm>>
      tpu.enqueue_dma source(%arg24 : memref<512xf32, #tpu.memory_space<vmem>>) target(%dma_start3A_342 : memref<512xf32, #tpu.memory_space<hbm>>) target_semaphore(%run_scoped3A : memref<!tpu.dma_semaphore, #tpu.memory_space<semaphore_mem>>)
      %dma_wait3A_343 = tpu.memref_slice %arg9[%multiple_of3A] : memref<16384xf32, #tpu.memory_space<hbm>> -> memref<512xf32, #tpu.memory_space<hbm>>
      %dma_wait3A_344 = tpu.memref_slice %arg9[%multiple_of3A] : memref<16384xf32, #tpu.memory_space<hbm>> -> memref<512xf32, #tpu.memory_space<hbm>>
      tpu.wait_dma2 semaphore(%run_scoped3A : memref<!tpu.dma_semaphore, #tpu.memory_space<semaphore_mem>>) src(%arg24 : memref<512xf32, #tpu.memory_space<vmem>>) dst(%dma_wait3A_344 : memref<512xf32, #tpu.memory_space<hbm>>)
      tpu.yield
    }) : () -> ()
    "tpu.region"() ({
      %run_scoped3A = tpu.sem_alloc : memref<!tpu.dma_semaphore, #tpu.memory_space<semaphore_mem>>
      %dma_start3A_341 = tpu.memref_slice %arg11[%multiple_of3A] : memref<16384xf32, #tpu.memory_space<hbm>> -> memref<512xf32, #tpu.memory_space<hbm>>
      %dma_start3A_342 = tpu.memref_slice %arg11[%multiple_of3A] : memref<16384xf32, #tpu.memory_space<hbm>> -> memref<512xf32, #tpu.memory_space<hbm>>
      tpu.enqueue_dma source(%arg25 : memref<512xf32, #tpu.memory_space<vmem>>) target(%dma_start3A_342 : memref<512xf32, #tpu.memory_space<hbm>>) target_semaphore(%run_scoped3A : memref<!tpu.dma_semaphore, #tpu.memory_space<semaphore_mem>>)
      %dma_wait3A_343 = tpu.memref_slice %arg11[%multiple_of3A] : memref<16384xf32, #tpu.memory_space<hbm>> -> memref<512xf32, #tpu.memory_space<hbm>>
      %dma_wait3A_344 = tpu.memref_slice %arg11[%multiple_of3A] : memref<16384xf32, #tpu.memory_space<hbm>> -> memref<512xf32, #tpu.memory_space<hbm>>
      tpu.wait_dma2 semaphore(%run_scoped3A : memref<!tpu.dma_semaphore, #tpu.memory_space<semaphore_mem>>) src(%arg25 : memref<512xf32, #tpu.memory_space<vmem>>) dst(%dma_wait3A_344 : memref<512xf32, #tpu.memory_space<hbm>>)
      tpu.yield
    }) : () -> ()
    return
  }
}

</mosaic_0001>

<sc_bundles>
// kernel: kernel.3.cloned.1.call-start
scs
__scs_entry_jumppad:
0x0: {  	(pc) =	sbr.rel $0x88, $3  }
0x1: {  	(tag) =	ssettag $0x0;
	lr =	simm.s32 $0x1  }
0x2: {  	[smem:$0x3F9B] =	sst lr;
	_ =	strace $0xD0000000  }
0x3: {  	_ = 	snop  }
0x4: {  	_ = 	snop  }
0x5: {  	_ = 	snop  }
0x6: {  	_ = 	snop  }
0x7: {  	_ = 	snop  }
__scs_overlays_trampoline_lowered:
0x8: {  	[smem:$0x3FAA] =	sst s0  }
0x9: {  	[smem:$0x3FAB] =	sst s1  }
0xa: {  	[smem:$0x3FAC] =	sst s2  }
0xb: {  	[smem:$0x3FAD] =	sst s3  }
0xc: {  	[smem:$0x3FAE] =	sst s4  }
0xd: {  	[smem:$0x3FAF] =	sst s5  }
0xe: {  	[smem:$0x3FB0] =	sst s6  }
0xf: {  	[smem:$0x3FB1] =	sst s7  }
0x10: {  	[smem:$0x3FB2] =	sst s8  }
0x11: {  	[smem:$0x3FB3] =	sst s9;
	s0 =	simm.s32 @!p0 $0x0  }
0x12: {  	s1 =	sld [smem:$0x3F99];
	s0 =	simm.s32 @p0 $0x1  }
0x13: {  	[smem:$0x3FB4] =	sst s0;
	s0 =	simm.s32 @!p1 $0x0  }
0x14: {  	s2 =	sld [smem:$0x3F98];
	s0 =	simm.s32 @p1 $0x1  }
0x15: {  	[smem:$0x3FB5] =	sst s0;
	s0 =	simm.s32 @!p2 $0x0  }
0x16: {  	s3 =	sld [smem:$0x3FDB];
	s0 =	simm.s32 @p2 $0x1  }
0x17: {  	s4 =	simm.s32 $0x1BF5;
	[smem:$0x3FB7] =	sst s0  }
0x18: {  	s0 =	sld [smem:$0x3F9A];
	_ =	swait.ge [sflag:s4], $0x0  }
0x19: {  	s7 =	sld [smem:$0x3F9B]  }
0x1a: {  	s8 =	sadd.s32 $0xFFFFE003, lr  }
0x1b: {  	s9 =	sadd.s32 $0xFFFFFEF7, lr;
	s5 =	simm.s32 $0xFFFFFFFF;
	p2 =	slt.u32 s8, $0xFFFFF086  }
0x1c: {  	p1 =	slt.u32 s9, $0xF7A;
	s5 =	simm.s32 @!p2 $0x0  }
0x1d: {  	s5 =	simm.s32 @p1 $0x1;
	p0 =	seq.s32 s7, s2  }
0x1e: {  	s7 =	smul.u32 @!p0 $0xF7A, s2;
	p2 =	seq.s32 @!p0 s5, $0x0  }
0x1f: {  	s9 =	smul.u32 $0xF7A, s1;
	s8 =	simm.s32 @!p0 $0x1BF5;
	p2 =	por !p2, p0  }
0x20: {  	[sflag:s8] =	ssyncset.s32 @!p0 $0xFFFFF086;
	s6 =	sadd.s32 @!p0 s3, s7;
	s7 =	simm.s32 @!p0 $0x108  }
0x21: {  	s3 =	sadd.s32 s3, s9;
	s6 =	sadd.s32 @!p0 $0x88, s6;
	s7 =	simm.s32 @p2 $0x1082  }
0x22: {  	[simem:s7], [sflag:s8] =	dma.local @!p0 [hbm:s6], $0xF7A  }
0x23: {  	s9 =	sor.u32 $0xD0000000, s2;
	s6 =	simm.s32 $0x108;
	_ =	swait.ge @!p0 [sflag:s8], $0x0  }
0x24: {  	s3 =	sadd.s32 $0x88, s3;
	s6 =	simm.s32 @!p1 $0x1082;
	[sflag:s4] =	ssyncset.s32 $0xFFFFF086  }
0x25: {  	[simem:s6], [sflag:s4] =	dma.local [hbm:s3], $0xF7A  }
0x26: {  	[smem:$0x3F9B] =	sst s1;
	(tag) =	ssettag s2;
	_ =	strace s9  }
0x27: {  	s1 =	sld [smem:$0x3FAB]  }
0x28: {  	s2 =	sld [smem:$0x3FAC]  }
0x29: {  	s4 =	sld [smem:$0x3FAE]  }
0x2a: {  	p0 =	seq.s32 s5, $0x0;
	s5 =	sld [smem:$0x3FAF]  }
0x2b: {  	s6 =	sld [smem:$0x3FB0]  }
0x2c: {  	s7 =	sld [smem:$0x3FB1]  }
0x2d: {  	s3 =	simm.s32 $0x108;
	s8 =	sld [smem:$0x3FB2]  }
0x2e: {  	s3 =	simm.s32 @!p0 $0x1082;
	s9 =	sld [smem:$0x3FB3]  }
0x2f: {  	lr =	sadd.s32 s0, s3;
	s0 =	sld [smem:$0x3FAA]  }
0x30: {  	s3 =	sld [smem:$0x3FAD]  }
0x31: {  	[smem:$0x3FB6] =	sst s10  }
0x32: {  	s10 =	sld [smem:$0x3FB4];
	_ =	sdelay $0x3  }
0x33: {  	p0 =	seq.s32 s10, $0x1;
	s10 =	sld [smem:$0x3FB6];
	_ =	sdelay $0x3  }
0x34: {  	[smem:$0x3FB6] =	sst s10  }
0x35: {  	s10 =	sld [smem:$0x3FB5];
	_ =	sdelay $0x3  }
0x36: {  	p1 =	seq.s32 s10, $0x1;
	s10 =	sld [smem:$0x3FB6];
	_ =	sdelay $0x3  }
0x37: {  	[smem:$0x3FB6] =	sst s10  }
0x38: {  	s10 =	sld [smem:$0x3FB7]  }
0x39: {  	_ = 	snop;
	(pc) =	sbr.ind lr, $3  }
0x3a: {  	_ = 	snop  }
0x3b: {  	_ = 	snop  }
0x3c: {  	p2 =	seq.s32 s10, $0x1;
	s10 =	sld [smem:$0x3FB6]  }
0x3d: {  	_ =	shalt  }
0x3e: {  	_ =	shalt  }
0x3f: {  	_ =	shalt  }
0x40: {  	_ =	shalt  }
0x41: {  	_ =	shalt  }
0x42: {  	_ =	shalt  }
0x43: {  	_ =	shalt  }
0x44: {  	_ =	shalt  }
0x45: {  	_ =	shalt  }
0x46: {  	_ =	shalt  }
0x47: {  	_ =	shalt  }
0x48: {  	_ =	shalt  }
0x49: {  	_ =	shalt  }
0x4a: {  	_ =	shalt  }
0x4b: {  	_ =	shalt  }
0x4c: {  	_ =	shalt  }
0x4d: {  	_ =	shalt  }
0x4e: {  	_ =	shalt  }
0x4f: {  	_ =	shalt  }
0x50: {  	_ =	shalt  }
0x51: {  	_ =	shalt  }
0x52: {  	_ =	shalt  }
0x53: {  	_ =	shalt  }
0x54: {  	_ =	shalt  }
0x55: {  	_ =	shalt  }
0x56: {  	_ =	shalt  }
0x57: {  	_ =	shalt  }
0x58: {  	_ =	shalt  }
0x59: {  	_ =	shalt  }
0x5a: {  	_ =	shalt  }
0x5b: {  	_ =	shalt  }
0x5c: {  	_ =	shalt  }
0x5d: {  	_ =	shalt  }
0x5e: {  	_ =	shalt  }
0x5f: {  	_ =	shalt  }
0x60: {  	_ =	shalt  }
0x61: {  	_ =	shalt  }
0x62: {  	_ =	shalt  }
0x63: {  	_ =	shalt  }
0x64: {  	_ =	shalt  }
0x65: {  	_ =	shalt  }
0x66: {  	_ =	shalt  }
0x67: {  	_ =	shalt  }
0x68: {  	_ =	shalt  }
0x69: {  	_ =	shalt  }
0x6a: {  	_ =	shalt  }
0x6b: {  	_ =	shalt  }
0x6c: {  	_ =	shalt  }
0x6d: {  	_ =	shalt  }
0x6e: {  	_ =	shalt  }
0x6f: {  	_ =	shalt  }
0x70: {  	_ =	shalt  }
0x71: {  	_ =	shalt  }
0x72: {  	_ =	shalt  }
0x73: {  	_ =	shalt  }
0x74: {  	_ =	shalt  }
0x75: {  	_ =	shalt  }
0x76: {  	_ =	shalt  }
0x77: {  	_ =	shalt  }
0x78: {  	_ =	shalt  }
0x79: {  	_ =	shalt  }
0x7a: {  	_ =	shalt  }
0x7b: {  	_ =	shalt  }
0x7c: {  	_ =	shalt  }
0x7d: {  	_ =	shalt  }
0x7e: {  	_ =	shalt  }
0x7f: {  	_ =	shalt  }
0x80: {  	_ =	shalt  }
0x81: {  	_ =	shalt  }
0x82: {  	_ =	shalt  }
0x83: {  	_ =	shalt  }
0x84: {  	_ =	shalt  }
0x85: {  	_ =	shalt  }
0x86: {  	_ =	shalt  }
0x87: {  	_ =	shalt  }
.Lfunc_end0:
.L_simem_size_0:
called_computation_lowered:
.L_overlay_start_0:
0x88: {  	s2 =	sld [smem:$0x3FD9]  }
0x89: {  	s3 =	sld [smem:$0x3FFE];
	_ =	sdelay $0x1  }
0x8a: {  	s1 =	srdreg.scid  }
0x8b: {  	s0 =	sand.u32 $0x1, s1  }
0x8c: {  	s14 =	sshll.u32 s0, $0xA;
	s2 =	sadd.s32 s3, s2  }
0x8d: {  	s2 =	sadd.s32 s2, s14  }
0x8e: {  	[smem:$0x3FC2] =	sst s2  }
0x8f: {  	_ = 	snop  }
0x90: {  	s2 =	sld [smem:$0x3FC9]  }
0x91: {  	s15 =	sld [smem:$0x3FD0]  }
0x92: {  	s4 =	sld [smem:$0x3FC8]  }
0x93: {  	s5 =	sld [smem:$0x3FC7]  }
0x94: {  	s7 =	simm.s32 $0xA;
	s8 =	simm.s32 $0x10;
	s6 =	sld [smem:$0x3FC5]  }
0x95: {  	[smem:s8], [sflag:s7] =	dma.local [hbm:s15], $0x1  }
0x96: {  	_ =	swait.eq [sflag:s7], $0x1  }
0x97: {  	s16 =	sld [smem:$0x10]  }
0x98: {  	s17 =	sld [smem:$0x11];
	[sflag:s7] =	ssyncset.done $0x0  }
0x99: {  	s9 =	sld [smem:$0x12];
	[sflag:s7] =	ssyncadd.s32 $0xFFFFFFFF  }
0x9a: {  	s18 =	sld [smem:$0x13];
	(tm) =	ssettm $0x1  }
0x9b: {  	s10 =	sld [smem:$0x3FFB];
	_ =	sdelay $0x3  }
0x9c: {  	_ =	strace s10  }
0x9d: {  	s10 =	sld [smem:$0x3FFC];
	_ =	sdelay $0x3  }
0x9e: {  	_ =	strace s10  }
0x9f: {  	s10 =	sld [smem:$0x3FFD];
	_ =	sdelay $0x3  }
0xa0: {  	_ =	strace s10  }
0xa1: {  	_ =	strace $0x8FFFFFFF  }
0xa2: {  	s19 =	sld [smem:$0x3FDB];
	_ =	sdelay $0x1  }
0xa3: {  	s11 =	simm.s32 $_scs_section_size  }
0xa4: {  	s12 =	simm.s32 $_size__tile_overlayer_lowered;
	s13 =	simm.s32 $_tile_overlayer_lowered  }
0xa5: {  	s22 =	simm.s32 $0x1BFF;
	s21 =	sshll.u32 s13, $0x1;
	s10 =	sadd.s32 s11, s19  }
0xa6: {  	s20 =	sshll.u32 s12, $0x1;
	s14 =	simm.s32 $0x0;
	s12 =	sadd.s32 s21, s10  }
0xa7: {  	[timem:s14], [sflag:s22] =	dma.local [hbm:s12], s20  }
0xa8: {  	_ =	swait.ge [sflag:s22], s20  }
0xa9: {  	s11 =	ssub.s32 $0x0, s20;
	[sflag:s22] =	ssyncset.done $0x0  }
0xaa: {  	[sflag:s22] =	ssyncadd.s32 s11;
	_ =	sdelay $0x1  }
0xab: {  	s23 =	simm.s32 $0x1B8B  }
0xac: {  	_ =	swait.ge [sflag:s23], $0x1  }
0xad: {  	[sflag:s23] =	ssyncset.done $0x0  }
0xae: {  	s25 =	simm.s32 $0x1B8E;
	s24 =	sld [smem:$0x3FFE];
	[sflag:s23] =	ssyncadd.s32 $0xFFFFFFFF  }
0xaf: {  	s26 =	simm.s32 $execute0_lowered;
	[smem:$0x3FD2] =	sst s25  }
0xb0: {  	s12 =	sshll.u32 s26, $0x1;
	_ =	strace $0x80000046;
	[dreg:$0x1] =	wrdreg $0xFFFFFFFF  }
0xb1: {  	s28 =	simm.s32 $_size_execute0_lowered;
	s10 =	sadd.s32 s10, s12;
	[dreg:$0x0] =	wrdreg $0x0  }
0xb2: {  	s12 =	sshll.u32 s28, $0x1;
	[dreg:$0x2] =	wrdreg s10  }
0xb3: {  	[dreg:$0x3] =	wrdreg s12  }
0xb4: {  	[dreg:$0x4] =	wrdreg $0xC0  }
0xb5: {  	_ =	task [dreg:s14], $0x5FFFF  }
0xb6: {  	[dreg:$0x1] =	wrdreg $0xFFFFFFFF  }
0xb7: {  	[dreg:$0x0] =	wrdreg $0x60  }
0xb8: {  	[dreg:$0x2] =	wrdreg s2  }
0xb9: {  	[dreg:$0x3] =	wrdreg s4  }
0xba: {  	[dreg:$0x4] =	wrdreg s5  }
0xbb: {  	[dreg:$0x5] =	wrdreg s24  }
0xbc: {  	[dreg:$0x6] =	wrdreg s6  }
0xbd: {  	[dreg:$0x7] =	wrdreg s16  }
0xbe: {  	[dreg:$0x8] =	wrdreg s17  }
0xbf: {  	[dreg:$0x9] =	wrdreg s9  }
0xc0: {  	[dreg:$0xa] =	wrdreg s18  }
0xc1: {  	[dreg:$0xb] =	wrdreg $0x9  }
0xc2: {  	_ =	task.clear_ibuf [dreg:s14], $0xCFFFF;
	_ =	strace $0x90000046  }
0xc3: {  	s29 =	simm.s32 $0x9;
	_ =	strace $0x80000048  }
0xc4: {  	_ =	swait.ge [sflag:s29], $0x1  }
0xc5: {  	[sflag:s29] =	ssyncadd.s32 $0xFFFFFFFF  }
0xc6: {  	_ =	strace $0x90000048  }
0xc7: {  	_ =	sfence  }
0xc8: {  	s30 =	sld [smem:$0x0];
	_ =	sdelay $0x2  }
0xc9: {  	s31 =	sshll.u32 s1, $0xD;
	s1 =	sshrl.u32 s1, $0x2  }
0xca: {  	s3 =	sand.u32 $0x4000, s31;
	s1 =	sadd.s32 s1, s30  }
0xcb: {  	s0 =	sor.u32 s3, s0;
	s1 =	sshll.u32 s1, $0x11  }
0xcc: {  	s0 =	sor.u32 s1, s0  }
0xcd: {  	s0 =	sadd.s32 $0x8F2B, s0  }
0xce: {  	[sflag:s0] =	ssyncadd.remote.s32 $0x1  }
0xcf: {  	_ =	sfence.sel $0xFFFF  }
0xd0: {  	[dreg:$0x0] =	wrdreg $0xFFFFFFFF;
	(pc) =	sbr.abs _section_cstart, $3  }
0xd1: {  	[dreg:$0x1] =	wrdreg $0xFFFFFFFF  }
0xd2: {  	_ =	task.clear_ibuf [dreg:s14], $0x2FFFF;
	_ =	strace $0x9FFFFFFF  }
0xd3: {  	(tm) =	ssettm $0x7FFFFFFF  }
tec
execute0_lowered:
.L_overlay_start_1:
0x0: {  	(tag) =	ssettag $0x1  }
0x1: {  	v0 =	vimm.s32 $0x1380;
	vm14 =	vcmask $0x300;
	vm13 =	vcmask $0x704  }
0x2: {  	vm12 =	vcmask $0xB08;
	vm11 =	vcmask $0xF0C;
	v0 =	vsel vm14, $0x0, v0  }
0x3: {  	vm10 =	vcmask $0x1310;
	vm9 =	vcmask $0x1714;
	v0 =	vsel vm13, $0x80, v0  }
0x4: {  	vm8 =	vcmask $0x1B18;
	vm7 =	vcmask $0x1F1C;
	v0 =	vsel vm12, $0x100, v0  }
0x5: {  	s3 =	rddreg [dreg:$0x0];
	vm6 =	vcmask $0x2320;
	vm5 =	vcmask $0x2724;
	v0 =	vsel vm11, $0x180, v0  }
0x6: {  	s4 =	rddreg [dreg:$0x1];
	vm4 =	vcmask $0x2B28;
	v1 =	vlaneseq.u32;
	v0 =	vsel vm10, $0x200, v0  }
0x7: {  	s0 =	rddreg [dreg:$0x2];
	vm3 =	vcmask $0x2F2C;
	vm2 =	vcmask $0x3330;
	v0 =	vsel vm9, $0x280, v0  }
0x8: {  	s1 =	rddreg [dreg:$0x3];
	vm1 =	vcmask $0x3734;
	vm0 =	vcmask $0x3B38;
	v0 =	vsel vm8, $0x300, v0  }
0x9: {  	s2 =	rddreg [dreg:$0x4];
	v4 =	vimm.s32 $0x5380;
	v5 =	vimm.s32 $0x7380;
	v0 =	vsel vm7, $0x380, v0  }
0xa: {  	s7 =	rddreg [dreg:$0x5];
	v4 =	vsel vm14, $0x4000, v4;
	v5 =	vsel vm14, $0x6000, v5;
	v0 =	vsel vm6, $0x1000, v0  }
0xb: {  	s8 =	rddreg [dreg:$0x6];
	v4 =	vsel vm13, $0x4080, v4;
	v5 =	vsel vm13, $0x6080, v5;
	v0 =	vsel vm5, $0x1080, v0  }
0xc: {  	s9 =	rddreg [dreg:$0x7];
	v4 =	vsel vm12, $0x4100, v4;
	v5 =	vsel vm12, $0x6100, v5;
	v2 =	vsel vm4, $0x1100, v0  }
0xd: {  	s12 =	rddreg [dreg:$0x8];
	v0 =	vmul.u32 $0x80, v1;
	v1 =	vsel vm3, $0x1180, v2;
	v2 =	vimm.s32 $0x3380  }
0xe: {  	s6 =	srdreg.scid;
	s5 =	simm.s32 $0x0;
	s10 =	stileid.u32;
	v4 =	vsel vm11, $0x4180, v4;
	v5 =	vsel vm11, $0x6180, v5;
	v3 =	vsel vm14, $0x2000, v2  }
0xf: {  	s16 =	simm.s32 $0x80;
	s31 =	simm.s32 $0x7A1400;
	s19 =	simm.s32 $0x4400;
	v4 =	vsel vm10, $0x4200, v4;
	v5 =	vsel vm10, $0x6200, v5;
	v3 =	vsel vm13, $0x2080, v3  }
0x10: {  	s20 =	simm.s32 $0x6400;
	s21 =	simm.s32 $0x8400;
	s22 =	simm.s32 $0xA400;
	v4 =	vsel vm9, $0x4280, v4;
	v5 =	vsel vm9, $0x6280, v5;
	v3 =	vsel vm12, $0x2100, v3  }
0x11: {  	s28 =	simm.s32 $0x1000;
	s29 =	simm.s32 $0x20000;
	s30 =	simm.s32 $0x2;
	v4 =	vsel vm8, $0x4300, v4;
	v5 =	vsel vm8, $0x6300, v5;
	v3 =	vsel vm11, $0x2180, v3  }
0x12: {  	s15 =	simm.s32 $0x0;
	s6 =	sand.u32 $0x1, s6;
	[smem:$0x7FF] =	sst s5;
	v4 =	vsel vm7, $0x4380, v4;
	v5 =	vsel vm7, $0x6380, v5;
	v3 =	vsel vm10, $0x2200, v3  }
0x13: {  	s10 =	sshll.u32 s10, $0xA;
	s11 =	sshll.u32 s6, $0x9;
	s13 =	ssub.s32 $0x2, s6;
	v4 =	vsel vm6, $0x5000, v4;
	v5 =	vsel vm6, $0x7000, v5;
	v3 =	vsel vm9, $0x2280, v3  }
0x14: {  	_ =	strace $0x80000047;
	s10 =	sor.u32 s11, s10;
	s23 =	sshrl.u32 s13, $0x1;
	v4 =	vsel vm5, $0x5080, v4;
	v5 =	vsel vm5, $0x7080, v5;
	v3 =	vsel vm8, $0x2300, v3  }
0x15: {  	s6 =	sadd.s32 $0x1EA00, s1;
	s14 =	sshrl.u32 s10, $0x3;
	s13 =	ssub.s32 s13, s23;
	v4 =	vsel vm4, $0x5100, v4;
	v5 =	vsel vm4, $0x7100, v5;
	v3 =	vsel vm7, $0x2380, v3  }
0x16: {  	s25 =	sadd.s32 s7, s10;
	s26 =	sadd.s32 s9, s10;
	s9 =	simm.s32 $0x18400;
	v4 =	vsel vm3, $0x5180, v4;
	v5 =	vsel vm3, $0x7180, v5;
	v3 =	vsel vm6, $0x3000, v3  }
0x17: {  	s10 =	simm.s32 $0x18600;
	s23 =	simm.s32 $0xC400;
	s3 =	sadd.s32 s3, s14;
	v1 =	vsel vm2, $0x1200, v1;
	v2 =	vor.u32 $0x800, v0;
	v3 =	vsel vm5, $0x3080, v3  }
.Ltmp0:
0x18: {  	s24 =	sadd.s32 s4, s14;
	[dreg:$0xc] =	wrdreg s25;
	v6 =	vsel vm2, $0x5200, v4;
	v5 =	vsel vm2, $0x7200, v5;
	v3 =	vsel vm4, $0x3100, v3;
	(pc) =	sbr.rel .LBB2_1-.Ltmp0, $4  }
0x19: {  	[dreg:$0xd] =	wrdreg s26;
	s11 =	sadd.s32 s8, s14;
	s12 =	sadd.s32 s12, s14;
	v4 =	vor.u32 $0x1000, v0;
	v1 =	vsel vm1, $0x1280, v1;
	v3 =	vsel vm3, $0x3180, v3  }
0x1a: {  	s13 =	smax.u32 s13, $0x1;
	s14 =	simm.s32 $0x3;
	s4 =	simm.s32 $0x2400;
	v6 =	vsel vm1, $0x5280, v6;
	v7 =	vsel vm1, $0x7280, v5;
	v3 =	vsel vm2, $0x3200, v3  }
0x1b: {  	s25 =	simm.s32 $0x1;
	s26 =	simm.s32 $0x10400;
	[dreg:$0xa] =	wrdreg s3;
	v1 =	vsel vm0, $0x1300, v1;
	v5 =	vsel vm0, $0x5300, v6;
	v3 =	vsel vm1, $0x3280, v3  }
0x1c: {  	[dreg:$0xb] =	wrdreg s24;
	s3 =	simm.s32 $0x400;
	s24 =	simm.s32 $0xE400;
	v6 =	vor.u32 $0x1800, v0;
	v7 =	vsel vm0, $0x7300, v7;
	v3 =	vsel vm0, $0x3300, v3  }
.LBB2_11:
0x1d: {  	s7 =	rddreg [dreg:$0xd]  }
0x1e: {  	[hbm4b:s7+s28] =	stream.strided.scatter [tilespmem:s26], [sflag:$0x3], $0x8000, s29, s28, $0x38;
	[tilespmem:$0x18800] =	vst v63  }
0x1f: {  	_ =	swait.ge [sflag:s14], $0x8000  }
0x20: {  	[sflag:s14] =	ssyncset.done $0x0  }
0x21: {  	[sflag:s14] =	ssyncadd.s32 $0xFFFF8000  }
0x22: {  	_ =	swait.ge [sflag:s30], $0x80  }
0x23: {  	[sflag:s30] =	ssyncset.done $0x0  }
0x24: {  	[sflag:s30] =	ssyncadd.s32 $0xFFFFFF80  }
0x25: {  	_ =	swait.ge [sflag:s30], $0x80  }
0x26: {  	[sflag:s30] =	ssyncset.done $0x0  }
0x27: {  	[sflag:s30] =	ssyncadd.s32 $0xFFFFFF80  }
0x28: {  	_ =	swait.ge [sflag:s30], $0x80  }
0x29: {  	[sflag:s30] =	ssyncset.done $0x0  }
0x2a: {  	[sflag:s30] =	ssyncadd.s32 $0xFFFFFF80  }
0x2b: {  	_ =	swait.ge [sflag:s30], $0x80  }
0x2c: {  	[sflag:s30] =	ssyncset.done $0x0  }
0x2d: {  	[sflag:s30] =	ssyncadd.s32 $0xFFFFFF80  }
0x2e: {  	_ =	swait.ge [sflag:s30], $0x80  }
0x2f: {  	[sflag:s30] =	ssyncset.done $0x0  }
0x30: {  	[sflag:s30] =	ssyncadd.s32 $0xFFFFFF80  }
0x31: {  	_ =	swait.ge [sflag:s30], $0x80  }
0x32: {  	[sflag:s30] =	ssyncset.done $0x0  }
0x33: {  	[sflag:s30] =	ssyncadd.s32 $0xFFFFFF80  }
0x34: {  	_ =	swait.ge [sflag:s30], $0x80  }
0x35: {  	[sflag:s30] =	ssyncset.done $0x0  }
0x36: {  	[sflag:s30] =	ssyncadd.s32 $0xFFFFFF80  }
0x37: {  	_ =	swait.ge [sflag:s30], $0x80  }
0x38: {  	[sflag:s30] =	ssyncset.done $0x0  }
0x39: {  	s9 =	simm.s32 $0x18400;
	[sflag:s30] =	ssyncadd.s32 $0xFFFFFF80  }
0x3a: {  	[hbm4b:s11+s5] =	stream.linear.scatter [tilespmem:s9], [sflag:$0x3], $0x200, $0x38;
	[tilespmem:$0x18800] =	vst v63  }
0x3b: {  	s15 =	sadd.s32 $0x1, s15;
	_ =	swait.ge [sflag:s14], $0x200  }
0x3c: {  	p0 =	sne.s32 s15, s13;
	[sflag:s14] =	ssyncset.done $0x0  }
.Ltmp1:
0x3d: {  	s10 =	simm.s32 $0x18600;
	[sflag:s14] =	ssyncadd.s32 $0xFFFFFE00;
	(pc) =	sbr.rel @!p0 .LBB2_12-.Ltmp1, $4  }
0x3e: {  	[hbm4b:s12+s5] =	stream.linear.scatter [tilespmem:s10], [sflag:$0x3], $0x200, $0x38;
	[tilespmem:$0x18800] =	vst v63  }
0x3f: {  	_ =	swait.ge [sflag:s14], $0x200  }
0x40: {  	[sflag:s14] =	ssyncset.done $0x0  }
0x41: {  	[sflag:s14] =	ssyncadd.s32 $0xFFFFFE00  }
.LBB2_1:
0x42: {  	s7 =	rddreg [dreg:$0xa]  }
0x43: {  	[tilespmem:s5], [sflag:$0x3] =	stream.linear.gather [hbm4b:s7+s5], $0x200, $0x38;
	[tilespmem:$0x18800] =	vst v63  }
0x44: {  	_ =	swait.ge [sflag:s14], $0x200  }
0x45: {  	[sflag:s14] =	ssyncset.done $0x0  }
0x46: {  	s8 =	simm.s32 $0x200;
	s18 =	rddreg [dreg:$0xb];
	[sflag:s14] =	ssyncadd.s32 $0xFFFFFE00  }
0x47: {  	[tilespmem:s8], [sflag:$0x3] =	stream.linear.gather [hbm4b:s18+s5], $0x200, $0x38;
	[tilespmem:$0x18800] =	vst v63  }
0x48: {  	_ =	swait.ge [sflag:s14], $0x200  }
0x49: {  	[sflag:s14] =	ssyncset.done $0x0  }
0x4a: {  	[sflag:s14] =	ssyncadd.s32 $0xFFFFFE00  }
0x4b: {  	[tilespmem:s9], [sflag:$0x2] =	stream.indirect.gather [hbm4b:s1+s16], $0x1, s5, s16, $0xb8;
	[tilespmem:$0x18800] =	vst v63  }
0x4c: {  	_ = 	snop  }
0x4d: {  	[tilespmem:s10], [sflag:$0x2] =	stream.indirect.gather [hbm4b:s6+s16], $0x1, s8, s16, $0xb8;
	[tilespmem:$0x18800] =	vst v63  }
0x4e: {  	s8 =	simm.s32 $0x18480  }
0x4f: {  	[tilespmem:s8], [sflag:$0x2] =	stream.indirect.gather [hbm4b:s1+s16], $0x1, s16, s16, $0xb8;
	[tilespmem:$0x18800] =	vst v63  }
0x50: {  	s9 =	simm.s32 $0x280;
	s10 =	simm.s32 $0x18680  }
0x51: {  	[tilespmem:s10], [sflag:$0x2] =	stream.indirect.gather [hbm4b:s6+s16], $0x1, s9, s16, $0xb8;
	[tilespmem:$0x18800] =	vst v63  }
0x52: {  	s17 =	simm.s32 $0x100;
	s18 =	simm.s32 $0x18500  }
0x53: {  	[tilespmem:s18], [sflag:$0x2] =	stream.indirect.gather [hbm4b:s1+s16], $0x1, s17, s16, $0xb8;
	[tilespmem:$0x18800] =	vst v63  }
0x54: {  	s9 =	simm.s32 $0x300;
	s10 =	simm.s32 $0x18700  }
0x55: {  	[tilespmem:s10], [sflag:$0x2] =	stream.indirect.gather [hbm4b:s6+s16], $0x1, s9, s16, $0xb8;
	[tilespmem:$0x18800] =	vst v63  }
0x56: {  	s17 =	simm.s32 $0x180;
	s18 =	simm.s32 $0x18580  }
0x57: {  	[tilespmem:s18], [sflag:$0x2] =	stream.indirect.gather [hbm4b:s1+s16], $0x1, s17, s16, $0xb8;
	[tilespmem:$0x18800] =	vst v63  }
0x58: {  	s8 =	simm.s32 $0x0;
	s9 =	simm.s32 $0x380;
	s10 =	simm.s32 $0x18780  }
0x59: {  	[tilespmem:s10], [sflag:$0x2] =	stream.indirect.gather [hbm4b:s6+s16], $0x1, s9, s16, $0xb8;
	[tilespmem:$0x18800] =	vst v63  }
0x5a: {  	v9 =	vld [tilespmem:s8+$0x0];
	_ =	sdelay $0x4  }
0x5b: {  	(v2sf) =	vpush v9, $0x0  }
0x5c: {  	(v2sf) =	vpush v9, $0x1;
	_ =	sdelay $0x1  }
0x5d: {  	(v2sf) =	vpush v9, $0x2  }
0x5e: {  	(v2sf) =	vpush v9, $0x3  }
0x5f: {  	(v2sf) =	vpush v9, $0x4  }
0x60: {  	(v2sf) =	vpush v9, $0x5  }
0x61: {  	(v2sf) =	vpush v9, $0x6  }
0x62: {  	(v2sf) =	vpush v9, $0x7  }
0x63: {  	(v2sf) =	vpush v9, $0x8  }
0x64: {  	(v2sf) =	vpush v9, $0x9  }
0x65: {  	s7 =	simm.s32 $0x10;
	(v2sf) =	vpush v9, $0xA  }
0x66: {  	v8 =	vld [tilespmem:s7+$0x0];
	(v2sf) =	vpush v9, $0xB  }
0x67: {  	(v2sf) =	vpush v9, $0xC  }
0x68: {  	(v2sf) =	vpush v9, $0xD  }
0x69: {  	(v2sf) =	vpush v9, $0xE;
	s17 =	spop (v2sf)  }
0x6a: {  	(v2sf) =	vpush v9, $0xF;
	[smem:s8] =	sst s17;
	s18 =	spop (v2sf)  }
0x6b: {  	(v2sf) =	vpush v8, $0x0;
	[smem:$0x1] =	sst s18  }
0x6c: {  	s9 =	spop (v2sf)  }
0x6d: {  	(v2sf) =	vpush v8, $0x1;
	[smem:$0x2] =	sst s9  }
0x6e: {  	s9 =	spop (v2sf)  }
0x6f: {  	(v2sf) =	vpush v8, $0x2;
	[smem:$0x3] =	sst s9  }
0x70: {  	s9 =	spop (v2sf)  }
0x71: {  	(v2sf) =	vpush v8, $0x3;
	[smem:$0x4] =	sst s9  }
0x72: {  	s9 =	spop (v2sf)  }
0x73: {  	(v2sf) =	vpush v8, $0x4;
	[smem:$0x5] =	sst s9  }
0x74: {  	s9 =	spop (v2sf)  }
0x75: {  	(v2sf) =	vpush v8, $0x5;
	[smem:$0x6] =	sst s9  }
0x76: {  	s9 =	spop (v2sf)  }
0x77: {  	(v2sf) =	vpush v8, $0x6;
	[smem:$0x7] =	sst s9  }
0x78: {  	s9 =	spop (v2sf)  }
0x79: {  	(v2sf) =	vpush v8, $0x7;
	[smem:$0x8] =	sst s9  }
0x7a: {  	s9 =	spop (v2sf)  }
0x7b: {  	(v2sf) =	vpush v8, $0x8;
	[smem:$0x9] =	sst s9  }
0x7c: {  	s9 =	spop (v2sf)  }
0x7d: {  	(v2sf) =	vpush v8, $0x9;
	[smem:$0xA] =	sst s9  }
0x7e: {  	s9 =	spop (v2sf)  }
0x7f: {  	(v2sf) =	vpush v8, $0xA;
	[smem:$0xB] =	sst s9  }
0x80: {  	s9 =	spop (v2sf)  }
0x81: {  	(v2sf) =	vpush v8, $0xB;
	[smem:$0xC] =	sst s9  }
0x82: {  	s17 =	simm.s32 $0x20;
	s9 =	spop (v2sf)  }
0x83: {  	v9 =	vld [tilespmem:s17+$0x0];
	(v2sf) =	vpush v8, $0xC;
	[smem:$0xD] =	sst s9  }
0x84: {  	s9 =	spop (v2sf)  }
0x85: {  	(v2sf) =	vpush v8, $0xD;
	[smem:$0xE] =	sst s9  }
0x86: {  	s18 =	simm.s32 $0xC0;
	s9 =	spop (v2sf)  }
.LBB2_2:
0x87: {  	p0 =	sne.s32 s18, $0x7C0;
	[smem:s8+$0xF] =	sst s9;
	s9 =	smov.u32 s18  }
0x88: {  	(v2sf) =	vpush v8, $0xE;
	s18 =	sadd.s32 $0x40, s18;
	s8 =	smov.u32 s7;
	s7 =	smov.u32 s17  }
0x89: {  	s17 =	spop (v2sf);
	(v2sf) =	vpush v8, $0xF  }
0x8a: {  	[smem:s8] =	sst s17;
	s17 =	spop (v2sf)  }
0x8b: {  	(v2sf) =	vpush v9, $0x0;
	[smem:s8+$0x1] =	sst s17;
	s17 =	spop (v2sf);
	v8 =	vmov v9  }
0x8c: {  	(v2sf) =	vpush v8, $0x1;
	[smem:s8+$0x2] =	sst s17;
	s17 =	spop (v2sf)  }
0x8d: {  	(v2sf) =	vpush v8, $0x2;
	[smem:s8+$0x3] =	sst s17;
	s17 =	spop (v2sf)  }
0x8e: {  	(v2sf) =	vpush v8, $0x3;
	[smem:s8+$0x4] =	sst s17;
	s17 =	spop (v2sf)  }
0x8f: {  	(v2sf) =	vpush v8, $0x4;
	[smem:s8+$0x5] =	sst s17;
	s17 =	spop (v2sf)  }
0x90: {  	(v2sf) =	vpush v8, $0x5;
	[smem:s8+$0x6] =	sst s17;
	s17 =	spop (v2sf)  }
0x91: {  	(v2sf) =	vpush v8, $0x6;
	[smem:s8+$0x7] =	sst s17;
	s17 =	spop (v2sf)  }
0x92: {  	(v2sf) =	vpush v8, $0x7;
	[smem:s8+$0x8] =	sst s17;
	s17 =	spop (v2sf)  }
0x93: {  	(v2sf) =	vpush v8, $0x8;
	[smem:s8+$0x9] =	sst s17;
	s17 =	spop (v2sf)  }
0x94: {  	[smem:s8+$0xA] =	sst s17  }
.Ltmp2:
0x95: {  	(v2sf) =	vpush v8, $0x9;
	s17 =	spop (v2sf);
	(pc) =	sbr.rel @p0 .LBB2_2-.Ltmp2, $4  }
0x96: {  	(v2sf) =	vpush v8, $0xA;
	[smem:s8+$0xB] =	sst s17;
	s10 =	spop (v2sf)  }
0x97: {  	s17 =	sshra.s32 s9, $0x2;
	(v2sf) =	vpush v8, $0xB;
	[smem:s8+$0xC] =	sst s10;
	s9 =	spop (v2sf)  }
0x98: {  	v9 =	vld [tilespmem:s17+$0x0];
	(v2sf) =	vpush v8, $0xC;
	[smem:s8+$0xD] =	sst s9;
	s9 =	spop (v2sf)  }
0x99: {  	(v2sf) =	vpush v8, $0xD;
	[smem:s8+$0xE] =	sst s9;
	s9 =	spop (v2sf)  }
0x9a: {  	_ = 	snop  }
0x9b: {  	(v2sf) =	vpush v8, $0xE  }
0x9c: {  	[smem:s8+$0xF] =	sst s9;
	s18 =	spop (v2sf);
	(v2sf) =	vpush v8, $0xF  }
0x9d: {  	[smem:s7] =	sst s18;
	s9 =	spop (v2sf);
	(v2sf) =	vpush v9, $0x0  }
0x9e: {  	[smem:s7+$0x1] =	sst s9;
	s10 =	spop (v2sf);
	(v2sf) =	vpush v9, $0x1  }
0x9f: {  	[smem:s7+$0x2] =	sst s10;
	s18 =	spop (v2sf);
	(v2sf) =	vpush v9, $0x2  }
0xa0: {  	[smem:s7+$0x3] =	sst s18;
	s9 =	spop (v2sf);
	(v2sf) =	vpush v9, $0x3  }
0xa1: {  	[smem:s7+$0x4] =	sst s9;
	s10 =	spop (v2sf);
	(v2sf) =	vpush v9, $0x4  }
0xa2: {  	[smem:s7+$0x5] =	sst s10;
	s18 =	spop (v2sf);
	(v2sf) =	vpush v9, $0x5  }
0xa3: {  	[smem:s7+$0x6] =	sst s18;
	s9 =	spop (v2sf);
	(v2sf) =	vpush v9, $0x6  }
0xa4: {  	[smem:s7+$0x7] =	sst s9;
	s10 =	spop (v2sf);
	(v2sf) =	vpush v9, $0x7  }
0xa5: {  	[smem:s7+$0x8] =	sst s10;
	s18 =	spop (v2sf);
	(v2sf) =	vpush v9, $0x8  }
0xa6: {  	[smem:s7+$0x9] =	sst s18;
	s9 =	spop (v2sf);
	(v2sf) =	vpush v9, $0x9  }
0xa7: {  	[smem:s7+$0xA] =	sst s9;
	s10 =	spop (v2sf);
	(v2sf) =	vpush v9, $0xA  }
0xa8: {  	[smem:s7+$0xB] =	sst s10;
	s18 =	spop (v2sf);
	(v2sf) =	vpush v9, $0xB  }
0xa9: {  	[smem:s7+$0xC] =	sst s18;
	s9 =	spop (v2sf);
	(v2sf) =	vpush v9, $0xC  }
0xaa: {  	[smem:s7+$0xD] =	sst s9;
	s10 =	spop (v2sf);
	(v2sf) =	vpush v9, $0xD  }
0xab: {  	[smem:s7+$0xE] =	sst s10;
	s18 =	spop (v2sf);
	(v2sf) =	vpush v9, $0xE  }
0xac: {  	[smem:s7+$0xF] =	sst s18;
	s9 =	spop (v2sf);
	(v2sf) =	vpush v9, $0xF  }
0xad: {  	[smem:s17] =	sst s9;
	s10 =	spop (v2sf)  }
0xae: {  	[smem:s17+$0x1] =	sst s10;
	s18 =	spop (v2sf)  }
0xaf: {  	[smem:s17+$0x2] =	sst s18;
	s8 =	spop (v2sf)  }
0xb0: {  	[smem:s17+$0x3] =	sst s8;
	s9 =	spop (v2sf)  }
0xb1: {  	[smem:s17+$0x4] =	sst s9;
	s10 =	spop (v2sf)  }
0xb2: {  	[smem:s17+$0x5] =	sst s10;
	s18 =	spop (v2sf)  }
0xb3: {  	[smem:s17+$0x6] =	sst s18;
	s8 =	spop (v2sf)  }
0xb4: {  	[smem:s17+$0x7] =	sst s8;
	s9 =	spop (v2sf)  }
0xb5: {  	[smem:s17+$0x8] =	sst s9;
	s10 =	spop (v2sf)  }
0xb6: {  	[smem:s17+$0x9] =	sst s10;
	s18 =	spop (v2sf)  }
0xb7: {  	[smem:s17+$0xA] =	sst s18;
	s8 =	spop (v2sf)  }
0xb8: {  	[smem:s17+$0xB] =	sst s8;
	s9 =	spop (v2sf)  }
0xb9: {  	[smem:s17+$0xC] =	sst s9;
	s10 =	spop (v2sf)  }
0xba: {  	[smem:s17+$0xD] =	sst s10;
	s18 =	spop (v2sf)  }
0xbb: {  	[smem:s17+$0xE] =	sst s18;
	s8 =	spop (v2sf)  }
0xbc: {  	[smem:s17+$0xF] =	sst s8  }
0xbd: {  	s7 =	sld [smem:$0x0]  }
0xbe: {  	s8 =	sld [smem:$0x1];
	_ =	sdelay $0x1  }
0xbf: {  	s10 =	sld [smem:$0x2];
	s7 =	sand.u32 $0xFFFFF80, s7  }
0xc0: {  	s18 =	sld [smem:$0x3];
	s9 =	sand.u32 $0xFFFFF80, s8;
	s7 =	sadd.s32 s0, s7  }
0xc1: {  	[tilespmem:s3], [sflag:$0x1] =	stream.strided.gather [hbm4b:s7+s3], $0x2000, s31, s3, $0x38;
	[tilespmem:$0x18800] =	vst v63  }
0xc2: {  	s17 =	sand.u32 $0xFFFFF80, s10;
	s10 =	sld [smem:$0x4];
	s7 =	sadd.s32 s0, s9  }
0xc3: {  	[tilespmem:s4], [sflag:$0x1] =	stream.strided.gather [hbm4b:s7+s3], $0x2000, s31, s3, $0x38;
	[tilespmem:$0x18800] =	vst v63  }
0xc4: {  	s9 =	sand.u32 $0xFFFFF80, s18;
	s18 =	sld [smem:$0x5];
	s7 =	sadd.s32 s0, s17  }
0xc5: {  	[tilespmem:s19], [sflag:$0x1] =	stream.strided.gather [hbm4b:s7+s3], $0x2000, s31, s3, $0x38;
	[tilespmem:$0x18800] =	vst v63  }
0xc6: {  	s17 =	sand.u32 $0xFFFFF80, s10;
	s7 =	sadd.s32 s0, s9;
	s9 =	sld [smem:$0x6]  }
0xc7: {  	[tilespmem:s20], [sflag:$0x1] =	stream.strided.gather [hbm4b:s7+s3], $0x2000, s31, s3, $0x38;
	[tilespmem:$0x18800] =	vst v63  }
0xc8: {  	s8 =	sand.u32 $0xFFFFF80, s18;
	s7 =	sadd.s32 s0, s17;
	s17 =	sld [smem:$0x7]  }
0xc9: {  	[tilespmem:s21], [sflag:$0x1] =	stream.strided.gather [hbm4b:s7+s3], $0x2000, s31, s3, $0x38;
	[tilespmem:$0x18800] =	vst v63  }
0xca: {  	s10 =	sand.u32 $0xFFFFF80, s9;
	s7 =	sadd.s32 s0, s8  }
0xcb: {  	[tilespmem:s22], [sflag:$0x1] =	stream.strided.gather [hbm4b:s7+s3], $0x2000, s31, s3, $0x38;
	[tilespmem:$0x18800] =	vst v63  }
0xcc: {  	s18 =	sand.u32 $0xFFFFF80, s17;
	s7 =	sadd.s32 s0, s10  }
0xcd: {  	[tilespmem:s23], [sflag:$0x1] =	stream.strided.gather [hbm4b:s7+s3], $0x2000, s31, s3, $0x38;
	[tilespmem:$0x18800] =	vst v63  }
0xce: {  	s7 =	sadd.s32 s0, s18  }
0xcf: {  	[tilespmem:s24], [sflag:$0x1] =	stream.strided.gather [hbm4b:s7+s3], $0x2000, s31, s3, $0x38;
	[tilespmem:$0x18800] =	vst v63  }
0xd0: {  	s17 =	simm.s32 $0x8;
	s7 =	simm.s32 $0x7  }
.LBB2_4:
0xd1: {  	_ =	swait.ge [sflag:s25], $0x2000  }
0xd2: {  	[sflag:s25] =	ssyncset.done $0x0  }
0xd3: {  	[sflag:s25] =	ssyncadd.s32 $0xFFFFE000  }
0xd4: {  	s8 =	sld [smem:s17+$0xFFFFFFF8];
	_ =	sdelay $0x2  }
0xd5: {  	s8 =	sand.u32 $0x7F, s8  }
0xd6: {  	s9 =	sadd.s32 $0xFFFFFFF9, s7;
	v8 =	vor.u32 s8, v0  }
0xd7: {  	v9 =	vmov s9  }
0xd8: {  	v10 =	vshll.u32 v9, $0x3  }
0xd9: {  	v9 =	vand.u32 $0x78, v9;
	v10 =	vand.u32 $0xC00, v10  }
0xda: {  	v9 =	vor.u32 v9, v10  }
0xdb: {  	v10 =	vor.u32 v1, v9;
	v8 =	vld.idx.msk [tilespmem:v8+s3+$0x0], $0xffff  }
0xdc: {  	v11 =	vor.u32 s8, v2;
	_ =	sdelay $0x3  }
0xdd: {  	[tilespmem:v10+s26+$0x0] =	vst.idx.msk $0xffff, v8  }
0xde: {  	v63 =	vor.u32 v3, v9;
	v8 =	vld.idx.msk [tilespmem:v11+s3+$0x0], $0xffff  }
0xdf: {  	v12 =	vor.u32 s8, v4;
	_ =	sdelay $0x3  }
0xe0: {  	[tilespmem:v63+s26+$0x0] =	vst.idx.msk $0xffff, v8  }
0xe1: {  	v13 =	vor.u32 v5, v9;
	v8 =	vld.idx.msk [tilespmem:v12+s3+$0x0], $0xffff  }
0xe2: {  	v14 =	vor.u32 s8, v6;
	_ =	sdelay $0x3  }
0xe3: {  	[tilespmem:v13+s26+$0x0] =	vst.idx.msk $0xffff, v8  }
0xe4: {  	p0 =	seq.s32 s7, $0x1FF;
	v9 =	vor.u32 v7, v9;
	v8 =	vld.idx.msk [tilespmem:v14+s3+$0x0], $0xffff  }
0xe5: {  	s8 =	sld @!p0 [smem:s17+$0x0];
	_ =	sdelay $0x2  }
0xe6: {  	s8 =	sand.u32 @!p0 $0xFFFFF80, s8  }
0xe7: {  	s18 =	simm.s32 @!p0 $0x400;
	s9 =	sadd.s32 @!p0 s0, s8;
	s8 =	simm.s32 @!p0 $0x7A1400;
	[tilespmem:v9+s26+$0x0] =	vst.idx.msk $0xffff, v8  }
0xe8: {  	[tilespmem:s18], [sflag:$0x1] =	stream.strided.gather @!p0 [hbm4b:s9+s18], $0x2000, s8, s18, $0x38;
	[tilespmem:$0x18800] =	vst v63  }
0xe9: {  	_ =	swait.ge [sflag:s25], $0x2000  }
0xea: {  	[sflag:s25] =	ssyncset.done $0x0  }
0xeb: {  	[sflag:s25] =	ssyncadd.s32 $0xFFFFE000  }
0xec: {  	s10 =	sld [smem:s17+$0xFFFFFFF9];
	_ =	sdelay $0x2  }
0xed: {  	s9 =	sand.u32 $0x7F, s10  }
0xee: {  	s10 =	sadd.s32 $0xFFFFFFFA, s7;
	v8 =	vor.u32 s9, v0  }
0xef: {  	v15 =	vmov s10  }
0xf0: {  	v16 =	vshll.u32 v15, $0x3  }
0xf1: {  	v9 =	vand.u32 $0x79, v15;
	v10 =	vand.u32 $0xC00, v16  }
0xf2: {  	v9 =	vor.u32 v9, v10  }
0xf3: {  	v10 =	vor.u32 v1, v9;
	v8 =	vld.idx.msk [tilespmem:v8+s4+$0x0], $0xffff  }
0xf4: {  	v17 =	vor.u32 s9, v2;
	_ =	sdelay $0x3  }
0xf5: {  	[tilespmem:v10+s26+$0x0] =	vst.idx.msk $0xffff, v8  }
0xf6: {  	v18 =	vor.u32 v3, v9;
	v8 =	vld.idx.msk [tilespmem:v17+s4+$0x0], $0xffff  }
0xf7: {  	v19 =	vor.u32 s9, v4;
	_ =	sdelay $0x3  }
0xf8: {  	[tilespmem:v18+s26+$0x0] =	vst.idx.msk $0xffff, v8  }
0xf9: {  	v20 =	vor.u32 v5, v9;
	v8 =	vld.idx.msk [tilespmem:v19+s4+$0x0], $0xffff  }
0xfa: {  	v21 =	vor.u32 s9, v6;
	_ =	sdelay $0x3  }
0xfb: {  	[tilespmem:v20+s26+$0x0] =	vst.idx.msk $0xffff, v8  }
0xfc: {  	v9 =	vor.u32 v7, v9;
	v8 =	vld.idx.msk [tilespmem:v21+s4+$0x0], $0xffff  }
0xfd: {  	s9 =	sld @!p0 [smem:s17+$0x1];
	_ =	sdelay $0x2  }
0xfe: {  	s9 =	sand.u32 @!p0 $0xFFFFF80, s9  }
0xff: {  	s10 =	simm.s32 @!p0 $0x2400;
	s9 =	sadd.s32 @!p0 s0, s9;
	[tilespmem:v9+s26+$0x0] =	vst.idx.msk $0xffff, v8  }
0x100: {  	[tilespmem:s10], [sflag:$0x1] =	stream.strided.gather @!p0 [hbm4b:s9+s18], $0x2000, s8, s18, $0x38;
	[tilespmem:$0x18800] =	vst v63  }
0x101: {  	_ =	swait.ge [sflag:s25], $0x2000  }
0x102: {  	[sflag:s25] =	ssyncset.done $0x0  }
0x103: {  	[sflag:s25] =	ssyncadd.s32 $0xFFFFE000  }
0x104: {  	s10 =	sld [smem:s17+$0xFFFFFFFA];
	_ =	sdelay $0x2  }
0x105: {  	s9 =	sand.u32 $0x7F, s10  }
0x106: {  	s10 =	sadd.s32 $0xFFFFFFFB, s7;
	v8 =	vor.u32 s9, v0  }
0x107: {  	v22 =	vmov s10  }
0x108: {  	v23 =	vshll.u32 v22, $0x3  }
0x109: {  	v9 =	vand.u32 $0x7A, v22;
	v10 =	vand.u32 $0xC00, v23  }
0x10a: {  	v9 =	vor.u32 v9, v10  }
0x10b: {  	v10 =	vor.u32 v1, v9;
	v8 =	vld.idx.msk [tilespmem:v8+s19+$0x0], $0xffff  }
0x10c: {  	v24 =	vor.u32 s9, v2;
	_ =	sdelay $0x3  }
0x10d: {  	[tilespmem:v10+s26+$0x0] =	vst.idx.msk $0xffff, v8  }
0x10e: {  	v25 =	vor.u32 v3, v9;
	v8 =	vld.idx.msk [tilespmem:v24+s19+$0x0], $0xffff  }
0x10f: {  	v26 =	vor.u32 s9, v4;
	_ =	sdelay $0x3  }
0x110: {  	[tilespmem:v25+s26+$0x0] =	vst.idx.msk $0xffff, v8  }
0x111: {  	v27 =	vor.u32 v5, v9;
	v8 =	vld.idx.msk [tilespmem:v26+s19+$0x0], $0xffff  }
0x112: {  	v28 =	vor.u32 s9, v6;
	_ =	sdelay $0x3  }
0x113: {  	[tilespmem:v27+s26+$0x0] =	vst.idx.msk $0xffff, v8  }
0x114: {  	v9 =	vor.u32 v7, v9;
	v8 =	vld.idx.msk [tilespmem:v28+s19+$0x0], $0xffff  }
0x115: {  	s9 =	sld @!p0 [smem:s17+$0x2];
	_ =	sdelay $0x2  }
0x116: {  	s9 =	sand.u32 @!p0 $0xFFFFF80, s9  }
0x117: {  	s10 =	simm.s32 @!p0 $0x4400;
	s9 =	sadd.s32 @!p0 s0, s9;
	[tilespmem:v9+s26+$0x0] =	vst.idx.msk $0xffff, v8  }
0x118: {  	[tilespmem:s10], [sflag:$0x1] =	stream.strided.gather @!p0 [hbm4b:s9+s18], $0x2000, s8, s18, $0x38;
	[tilespmem:$0x18800] =	vst v63  }
0x119: {  	_ =	swait.ge [sflag:s25], $0x2000  }
0x11a: {  	[sflag:s25] =	ssyncset.done $0x0  }
0x11b: {  	[sflag:s25] =	ssyncadd.s32 $0xFFFFE000  }
0x11c: {  	s10 =	sld [smem:s17+$0xFFFFFFFB];
	_ =	sdelay $0x2  }
0x11d: {  	s9 =	sand.u32 $0x7F, s10  }
0x11e: {  	s10 =	sadd.s32 $0xFFFFFFFC, s7;
	v8 =	vor.u32 s9, v0  }
0x11f: {  	v29 =	vmov s10  }
0x120: {  	v30 =	vshll.u32 v29, $0x3  }
0x121: {  	v9 =	vand.u32 $0x7B, v29;
	v10 =	vand.u32 $0xC00, v30  }
0x122: {  	v9 =	vor.u32 v9, v10  }
0x123: {  	v10 =	vor.u32 v1, v9;
	v8 =	vld.idx.msk [tilespmem:v8+s20+$0x0], $0xffff  }
0x124: {  	v31 =	vor.u32 s9, v2;
	_ =	sdelay $0x3  }
0x125: {  	[tilespmem:v10+s26+$0x0] =	vst.idx.msk $0xffff, v8  }
0x126: {  	v32 =	vor.u32 v3, v9;
	v8 =	vld.idx.msk [tilespmem:v31+s20+$0x0], $0xffff  }
0x127: {  	v33 =	vor.u32 s9, v4;
	_ =	sdelay $0x3  }
0x128: {  	[tilespmem:v32+s26+$0x0] =	vst.idx.msk $0xffff, v8  }
0x129: {  	v34 =	vor.u32 v5, v9;
	v8 =	vld.idx.msk [tilespmem:v33+s20+$0x0], $0xffff  }
0x12a: {  	v35 =	vor.u32 s9, v6;
	_ =	sdelay $0x3  }
0x12b: {  	[tilespmem:v34+s26+$0x0] =	vst.idx.msk $0xffff, v8  }
0x12c: {  	v9 =	vor.u32 v7, v9;
	v8 =	vld.idx.msk [tilespmem:v35+s20+$0x0], $0xffff  }
0x12d: {  	s9 =	sld @!p0 [smem:s17+$0x3];
	_ =	sdelay $0x2  }
0x12e: {  	s9 =	sand.u32 @!p0 $0xFFFFF80, s9  }
0x12f: {  	s10 =	simm.s32 @!p0 $0x6400;
	s9 =	sadd.s32 @!p0 s0, s9;
	[tilespmem:v9+s26+$0x0] =	vst.idx.msk $0xffff, v8  }
0x130: {  	[tilespmem:s10], [sflag:$0x1] =	stream.strided.gather @!p0 [hbm4b:s9+s18], $0x2000, s8, s18, $0x38;
	[tilespmem:$0x18800] =	vst v63  }
0x131: {  	_ =	swait.ge [sflag:s25], $0x2000  }
0x132: {  	[sflag:s25] =	ssyncset.done $0x0  }
0x133: {  	[sflag:s25] =	ssyncadd.s32 $0xFFFFE000  }
0x134: {  	s10 =	sld [smem:s17+$0xFFFFFFFC];
	_ =	sdelay $0x2  }
0x135: {  	s9 =	sand.u32 $0x7F, s10  }
0x136: {  	s10 =	sadd.s32 $0xFFFFFFFD, s7;
	v8 =	vor.u32 s9, v0  }
0x137: {  	v36 =	vmov s10  }
0x138: {  	v37 =	vshll.u32 v36, $0x3  }
0x139: {  	v9 =	vand.u32 $0x7C, v36;
	v10 =	vand.u32 $0xC00, v37  }
0x13a: {  	v9 =	vor.u32 v9, v10  }
0x13b: {  	v10 =	vor.u32 v1, v9;
	v8 =	vld.idx.msk [tilespmem:v8+s21+$0x0], $0xffff  }
0x13c: {  	v38 =	vor.u32 s9, v2;
	_ =	sdelay $0x3  }
0x13d: {  	[tilespmem:v10+s26+$0x0] =	vst.idx.msk $0xffff, v8  }
0x13e: {  	v39 =	vor.u32 v3, v9;
	v8 =	vld.idx.msk [tilespmem:v38+s21+$0x0], $0xffff  }
0x13f: {  	v40 =	vor.u32 s9, v4;
	_ =	sdelay $0x3  }
0x140: {  	[tilespmem:v39+s26+$0x0] =	vst.idx.msk $0xffff, v8  }
0x141: {  	v41 =	vor.u32 v5, v9;
	v8 =	vld.idx.msk [tilespmem:v40+s21+$0x0], $0xffff  }
0x142: {  	v42 =	vor.u32 s9, v6;
	_ =	sdelay $0x3  }
0x143: {  	[tilespmem:v41+s26+$0x0] =	vst.idx.msk $0xffff, v8  }
0x144: {  	v9 =	vor.u32 v7, v9;
	v8 =	vld.idx.msk [tilespmem:v42+s21+$0x0], $0xffff  }
0x145: {  	s9 =	sld @!p0 [smem:s17+$0x4];
	_ =	sdelay $0x2  }
0x146: {  	s9 =	sand.u32 @!p0 $0xFFFFF80, s9  }
0x147: {  	s10 =	simm.s32 @!p0 $0x8400;
	s9 =	sadd.s32 @!p0 s0, s9;
	[tilespmem:v9+s26+$0x0] =	vst.idx.msk $0xffff, v8  }
0x148: {  	[tilespmem:s10], [sflag:$0x1] =	stream.strided.gather @!p0 [hbm4b:s9+s18], $0x2000, s8, s18, $0x38;
	[tilespmem:$0x18800] =	vst v63  }
0x149: {  	_ =	swait.ge [sflag:s25], $0x2000  }
0x14a: {  	[sflag:s25] =	ssyncset.done $0x0  }
0x14b: {  	[sflag:s25] =	ssyncadd.s32 $0xFFFFE000  }
0x14c: {  	s10 =	sld [smem:s17+$0xFFFFFFFD];
	_ =	sdelay $0x2  }
0x14d: {  	s9 =	sand.u32 $0x7F, s10  }
0x14e: {  	s10 =	sadd.s32 $0xFFFFFFFE, s7;
	v8 =	vor.u32 s9, v0  }
0x14f: {  	v43 =	vmov s10  }
0x150: {  	v44 =	vshll.u32 v43, $0x3  }
0x151: {  	v9 =	vand.u32 $0x7D, v43;
	v10 =	vand.u32 $0xC00, v44  }
0x152: {  	v9 =	vor.u32 v9, v10  }
0x153: {  	v10 =	vor.u32 v1, v9;
	v8 =	vld.idx.msk [tilespmem:v8+s22+$0x0], $0xffff  }
0x154: {  	v45 =	vor.u32 s9, v2;
	_ =	sdelay $0x3  }
0x155: {  	[tilespmem:v10+s26+$0x0] =	vst.idx.msk $0xffff, v8  }
0x156: {  	v46 =	vor.u32 v3, v9;
	v8 =	vld.idx.msk [tilespmem:v45+s22+$0x0], $0xffff  }
0x157: {  	v47 =	vor.u32 s9, v4;
	_ =	sdelay $0x3  }
0x158: {  	[tilespmem:v46+s26+$0x0] =	vst.idx.msk $0xffff, v8  }
0x159: {  	v48 =	vor.u32 v5, v9;
	v8 =	vld.idx.msk [tilespmem:v47+s22+$0x0], $0xffff  }
0x15a: {  	v49 =	vor.u32 s9, v6;
	_ =	sdelay $0x3  }
0x15b: {  	[tilespmem:v48+s26+$0x0] =	vst.idx.msk $0xffff, v8  }
0x15c: {  	v9 =	vor.u32 v7, v9;
	v8 =	vld.idx.msk [tilespmem:v49+s22+$0x0], $0xffff  }
0x15d: {  	s9 =	sld @!p0 [smem:s17+$0x5];
	_ =	sdelay $0x2  }
0x15e: {  	s9 =	sand.u32 @!p0 $0xFFFFF80, s9  }
0x15f: {  	s10 =	simm.s32 @!p0 $0xA400;
	s9 =	sadd.s32 @!p0 s0, s9;
	[tilespmem:v9+s26+$0x0] =	vst.idx.msk $0xffff, v8  }
0x160: {  	[tilespmem:s10], [sflag:$0x1] =	stream.strided.gather @!p0 [hbm4b:s9+s18], $0x2000, s8, s18, $0x38;
	[tilespmem:$0x18800] =	vst v63  }
0x161: {  	_ =	swait.ge [sflag:s25], $0x2000  }
0x162: {  	[sflag:s25] =	ssyncset.done $0x0  }
0x163: {  	[sflag:s25] =	ssyncadd.s32 $0xFFFFE000  }
0x164: {  	s10 =	sld [smem:s17+$0xFFFFFFFE];
	_ =	sdelay $0x2  }
0x165: {  	s9 =	sand.u32 $0x7F, s10  }
0x166: {  	s10 =	sadd.s32 $0xFFFFFFFF, s7;
	v8 =	vor.u32 s9, v0  }
0x167: {  	v50 =	vmov s10  }
0x168: {  	v51 =	vshll.u32 v50, $0x3  }
0x169: {  	v9 =	vand.u32 $0x7E, v50;
	v10 =	vand.u32 $0xC00, v51  }
0x16a: {  	v9 =	vor.u32 v9, v10  }
0x16b: {  	v10 =	vor.u32 v1, v9;
	v8 =	vld.idx.msk [tilespmem:v8+s23+$0x0], $0xffff  }
0x16c: {  	v52 =	vor.u32 s9, v2;
	_ =	sdelay $0x3  }
0x16d: {  	[tilespmem:v10+s26+$0x0] =	vst.idx.msk $0xffff, v8  }
0x16e: {  	v53 =	vor.u32 v3, v9;
	v8 =	vld.idx.msk [tilespmem:v52+s23+$0x0], $0xffff  }
0x16f: {  	v54 =	vor.u32 s9, v4;
	_ =	sdelay $0x3  }
0x170: {  	[tilespmem:v53+s26+$0x0] =	vst.idx.msk $0xffff, v8  }
0x171: {  	v55 =	vor.u32 v5, v9;
	v8 =	vld.idx.msk [tilespmem:v54+s23+$0x0], $0xffff  }
0x172: {  	v56 =	vor.u32 s9, v6;
	_ =	sdelay $0x3  }
0x173: {  	[tilespmem:v55+s26+$0x0] =	vst.idx.msk $0xffff, v8  }
0x174: {  	v9 =	vor.u32 v7, v9;
	v8 =	vld.idx.msk [tilespmem:v56+s23+$0x0], $0xffff  }
0x175: {  	s9 =	sld @!p0 [smem:s17+$0x6];
	_ =	sdelay $0x2  }
0x176: {  	s9 =	sand.u32 @!p0 $0xFFFFF80, s9  }
0x177: {  	s10 =	simm.s32 @!p0 $0xC400;
	s9 =	sadd.s32 @!p0 s0, s9;
	[tilespmem:v9+s26+$0x0] =	vst.idx.msk $0xffff, v8  }
0x178: {  	[tilespmem:s10], [sflag:$0x1] =	stream.strided.gather @!p0 [hbm4b:s9+s18], $0x2000, s8, s18, $0x38;
	[tilespmem:$0x18800] =	vst v63  }
0x179: {  	_ =	swait.ge [sflag:s25], $0x2000  }
0x17a: {  	[sflag:s25] =	ssyncset.done $0x0  }
0x17b: {  	[sflag:s25] =	ssyncadd.s32 $0xFFFFE000  }
0x17c: {  	s18 =	sld [smem:s17+$0xFFFFFFFF];
	_ =	sdelay $0x2  }
0x17d: {  	s8 =	sand.u32 $0x7F, s18  }
0x17e: {  	v8 =	vor.u32 s8, v0  }
0x17f: {  	v57 =	vmov s7  }
0x180: {  	v58 =	vshll.u32 v57, $0x3  }
0x181: {  	v10 =	vand.u32 $0xC00, v58;
	v9 =	vand.u32 $0x7F, v57  }
0x182: {  	v9 =	vor.u32 v9, v10  }
0x183: {  	v10 =	vor.u32 v1, v9;
	v8 =	vld.idx.msk [tilespmem:v8+s24+$0x0], $0xffff  }
0x184: {  	v59 =	vor.u32 s8, v2;
	_ =	sdelay $0x3  }
0x185: {  	[tilespmem:v10+s26+$0x0] =	vst.idx.msk $0xffff, v8  }
0x186: {  	v60 =	vor.u32 v3, v9;
	v8 =	vld.idx.msk [tilespmem:v59+s24+$0x0], $0xffff  }
0x187: {  	v61 =	vor.u32 s8, v4;
	_ =	sdelay $0x3  }
0x188: {  	[tilespmem:v60+s26+$0x0] =	vst.idx.msk $0xffff, v8  }
0x189: {  	v62 =	vor.u32 v5, v9;
	v8 =	vld.idx.msk [tilespmem:v61+s24+$0x0], $0xffff  }
0x18a: {  	v63 =	vor.u32 s8, v6;
	_ =	sdelay $0x3  }
0x18b: {  	[tilespmem:v62+s26+$0x0] =	vst.idx.msk $0xffff, v8  }
0x18c: {  	v9 =	vor.u32 v7, v9;
	v8 =	vld.idx.msk [tilespmem:v63+s24+$0x0], $0xffff  }
.Ltmp3:
0x18d: {  	_ = 	snop;
	(pc) =	sbr.rel @p0 .LBB2_6-.Ltmp3, $2  }
0x18e: {  	_ =	sdelay $0x2  }
0x18f: {  	[tilespmem:v9+s26+$0x0] =	vst.idx.msk $0xffff, v8  }
0x190: {  	s8 =	sld [smem:s17+$0x7]  }
.Ltmp4:
0x191: {  	_ = 	snop;
	(pc) =	sbr.rel .LBB2_4-.Ltmp4, $4  }
0x192: {  	_ = 	snop  }
0x193: {  	s8 =	sand.u32 $0xFFFFF80, s8  }
0x194: {  	s7 =	sadd.s32 $0x8, s7;
	s17 =	sadd.s32 $0x8, s17;
	s8 =	sadd.s32 s0, s8  }
0x195: {  	[tilespmem:s24], [sflag:$0x1] =	stream.strided.gather [hbm4b:s8+s3], $0x2000, s31, s3, $0x38;
	[tilespmem:$0x18800] =	vst v63  }
.LBB2_6:
0x196: {  	s7 =	rddreg [dreg:$0xc]  }
0x197: {  	[hbm4b:s7+s28] =	stream.strided.scatter [tilespmem:s26], [sflag:$0x3], $0x8000, s29, s28, $0x38;
	[tilespmem:$0x18800] =	vst v63  }
0x198: {  	_ =	swait.ge [sflag:s14], $0x8000  }
0x199: {  	[sflag:s14] =	ssyncset.done $0x0  }
0x19a: {  	s8 =	simm.s32 $0x0;
	[sflag:s14] =	ssyncadd.s32 $0xFFFF8000  }
0x19b: {  	v9 =	vld [tilespmem:s8+$0x200];
	_ =	sdelay $0x4  }
0x19c: {  	(v2sf) =	vpush v9, $0x0  }
0x19d: {  	(v2sf) =	vpush v9, $0x1;
	_ =	sdelay $0x1  }
0x19e: {  	(v2sf) =	vpush v9, $0x2  }
0x19f: {  	(v2sf) =	vpush v9, $0x3  }
0x1a0: {  	(v2sf) =	vpush v9, $0x4  }
0x1a1: {  	(v2sf) =	vpush v9, $0x5  }
0x1a2: {  	(v2sf) =	vpush v9, $0x6  }
0x1a3: {  	(v2sf) =	vpush v9, $0x7  }
0x1a4: {  	(v2sf) =	vpush v9, $0x8  }
0x1a5: {  	(v2sf) =	vpush v9, $0x9  }
0x1a6: {  	s7 =	simm.s32 $0x10;
	(v2sf) =	vpush v9, $0xA  }
0x1a7: {  	v8 =	vld [tilespmem:s7+$0x200];
	(v2sf) =	vpush v9, $0xB  }
0x1a8: {  	(v2sf) =	vpush v9, $0xC  }
0x1a9: {  	(v2sf) =	vpush v9, $0xD  }
0x1aa: {  	(v2sf) =	vpush v9, $0xE;
	s9 =	spop (v2sf)  }
0x1ab: {  	(v2sf) =	vpush v9, $0xF;
	[smem:s8] =	sst s9;
	s18 =	spop (v2sf)  }
0x1ac: {  	(v2sf) =	vpush v8, $0x0;
	[smem:$0x1] =	sst s18  }
0x1ad: {  	s9 =	spop (v2sf)  }
0x1ae: {  	(v2sf) =	vpush v8, $0x1;
	[smem:$0x2] =	sst s9  }
0x1af: {  	s9 =	spop (v2sf)  }
0x1b0: {  	(v2sf) =	vpush v8, $0x2;
	[smem:$0x3] =	sst s9  }
0x1b1: {  	s9 =	spop (v2sf)  }
0x1b2: {  	(v2sf) =	vpush v8, $0x3;
	[smem:$0x4] =	sst s9  }
0x1b3: {  	s9 =	spop (v2sf)  }
0x1b4: {  	(v2sf) =	vpush v8, $0x4;
	[smem:$0x5] =	sst s9  }
0x1b5: {  	s9 =	spop (v2sf)  }
0x1b6: {  	(v2sf) =	vpush v8, $0x5;
	[smem:$0x6] =	sst s9  }
0x1b7: {  	s9 =	spop (v2sf)  }
0x1b8: {  	(v2sf) =	vpush v8, $0x6;
	[smem:$0x7] =	sst s9  }
0x1b9: {  	s9 =	spop (v2sf)  }
0x1ba: {  	(v2sf) =	vpush v8, $0x7;
	[smem:$0x8] =	sst s9  }
0x1bb: {  	s9 =	spop (v2sf)  }
0x1bc: {  	(v2sf) =	vpush v8, $0x8;
	[smem:$0x9] =	sst s9  }
0x1bd: {  	s9 =	spop (v2sf)  }
0x1be: {  	(v2sf) =	vpush v8, $0x9;
	[smem:$0xA] =	sst s9  }
0x1bf: {  	s9 =	spop (v2sf)  }
0x1c0: {  	(v2sf) =	vpush v8, $0xA;
	[smem:$0xB] =	sst s9  }
0x1c1: {  	s9 =	spop (v2sf)  }
0x1c2: {  	(v2sf) =	vpush v8, $0xB;
	[smem:$0xC] =	sst s9  }
0x1c3: {  	s17 =	simm.s32 $0x20;
	s9 =	spop (v2sf)  }
0x1c4: {  	v9 =	vld [tilespmem:s17+$0x200];
	(v2sf) =	vpush v8, $0xC;
	[smem:$0xD] =	sst s9  }
0x1c5: {  	s9 =	spop (v2sf)  }
0x1c6: {  	(v2sf) =	vpush v8, $0xD;
	[smem:$0xE] =	sst s9  }
0x1c7: {  	s18 =	simm.s32 $0xC0;
	s9 =	spop (v2sf)  }
.LBB2_7:
0x1c8: {  	p0 =	sne.s32 s18, $0x7C0;
	[smem:s8+$0xF] =	sst s9;
	s9 =	smov.u32 s18  }
0x1c9: {  	(v2sf) =	vpush v8, $0xE;
	s18 =	sadd.s32 $0x40, s18;
	s8 =	smov.u32 s7;
	s7 =	smov.u32 s17  }
0x1ca: {  	s10 =	spop (v2sf);
	(v2sf) =	vpush v8, $0xF  }
0x1cb: {  	[smem:s8] =	sst s10;
	s10 =	spop (v2sf)  }
0x1cc: {  	(v2sf) =	vpush v9, $0x0;
	[smem:s8+$0x1] =	sst s10;
	s10 =	spop (v2sf);
	v8 =	vmov v9  }
0x1cd: {  	(v2sf) =	vpush v8, $0x1;
	[smem:s8+$0x2] =	sst s10;
	s10 =	spop (v2sf)  }
0x1ce: {  	(v2sf) =	vpush v8, $0x2;
	[smem:s8+$0x3] =	sst s10;
	s10 =	spop (v2sf)  }
0x1cf: {  	(v2sf) =	vpush v8, $0x3;
	[smem:s8+$0x4] =	sst s10;
	s10 =	spop (v2sf)  }
0x1d0: {  	(v2sf) =	vpush v8, $0x4;
	[smem:s8+$0x5] =	sst s10;
	s10 =	spop (v2sf)  }
0x1d1: {  	(v2sf) =	vpush v8, $0x5;
	[smem:s8+$0x6] =	sst s10;
	s10 =	spop (v2sf)  }
0x1d2: {  	(v2sf) =	vpush v8, $0x6;
	[smem:s8+$0x7] =	sst s10;
	s10 =	spop (v2sf)  }
0x1d3: {  	(v2sf) =	vpush v8, $0x7;
	[smem:s8+$0x8] =	sst s10;
	s10 =	spop (v2sf)  }
0x1d4: {  	(v2sf) =	vpush v8, $0x8;
	[smem:s8+$0x9] =	sst s10;
	s10 =	spop (v2sf)  }
0x1d5: {  	[smem:s8+$0xA] =	sst s10  }
.Ltmp5:
0x1d6: {  	(v2sf) =	vpush v8, $0x9;
	s10 =	spop (v2sf);
	(pc) =	sbr.rel @p0 .LBB2_7-.Ltmp5, $4  }
0x1d7: {  	(v2sf) =	vpush v8, $0xA;
	[smem:s8+$0xB] =	sst s10;
	s10 =	spop (v2sf)  }
0x1d8: {  	s17 =	sshra.s32 s9, $0x2;
	(v2sf) =	vpush v8, $0xB;
	[smem:s8+$0xC] =	sst s10;
	s9 =	spop (v2sf)  }
0x1d9: {  	v9 =	vld [tilespmem:s17+$0x200];
	(v2sf) =	vpush v8, $0xC;
	[smem:s8+$0xD] =	sst s9;
	s9 =	spop (v2sf)  }
0x1da: {  	(v2sf) =	vpush v8, $0xD;
	[smem:s8+$0xE] =	sst s9;
	s9 =	spop (v2sf)  }
0x1db: {  	_ = 	snop  }
0x1dc: {  	(v2sf) =	vpush v8, $0xE  }
0x1dd: {  	[smem:s8+$0xF] =	sst s9;
	s18 =	spop (v2sf);
	(v2sf) =	vpush v8, $0xF  }
0x1de: {  	[smem:s7] =	sst s18;
	s9 =	spop (v2sf);
	(v2sf) =	vpush v9, $0x0  }
0x1df: {  	[smem:s7+$0x1] =	sst s9;
	s10 =	spop (v2sf);
	(v2sf) =	vpush v9, $0x1  }
0x1e0: {  	[smem:s7+$0x2] =	sst s10;
	s18 =	spop (v2sf);
	(v2sf) =	vpush v9, $0x2  }
0x1e1: {  	[smem:s7+$0x3] =	sst s18;
	s9 =	spop (v2sf);
	(v2sf) =	vpush v9, $0x3  }
0x1e2: {  	[smem:s7+$0x4] =	sst s9;
	s10 =	spop (v2sf);
	(v2sf) =	vpush v9, $0x4  }
0x1e3: {  	[smem:s7+$0x5] =	sst s10;
	s18 =	spop (v2sf);
	(v2sf) =	vpush v9, $0x5  }
0x1e4: {  	[smem:s7+$0x6] =	sst s18;
	s9 =	spop (v2sf);
	(v2sf) =	vpush v9, $0x6  }
0x1e5: {  	[smem:s7+$0x7] =	sst s9;
	s10 =	spop (v2sf);
	(v2sf) =	vpush v9, $0x7  }
0x1e6: {  	[smem:s7+$0x8] =	sst s10;
	s18 =	spop (v2sf);
	(v2sf) =	vpush v9, $0x8  }
0x1e7: {  	[smem:s7+$0x9] =	sst s18;
	s9 =	spop (v2sf);
	(v2sf) =	vpush v9, $0x9  }
0x1e8: {  	[smem:s7+$0xA] =	sst s9;
	s10 =	spop (v2sf);
	(v2sf) =	vpush v9, $0xA  }
0x1e9: {  	[smem:s7+$0xB] =	sst s10;
	s18 =	spop (v2sf);
	(v2sf) =	vpush v9, $0xB  }
0x1ea: {  	[smem:s7+$0xC] =	sst s18;
	s9 =	spop (v2sf);
	(v2sf) =	vpush v9, $0xC  }
0x1eb: {  	[smem:s7+$0xD] =	sst s9;
	s10 =	spop (v2sf);
	(v2sf) =	vpush v9, $0xD  }
0x1ec: {  	[smem:s7+$0xE] =	sst s10;
	s18 =	spop (v2sf);
	(v2sf) =	vpush v9, $0xE  }
0x1ed: {  	[smem:s7+$0xF] =	sst s18;
	s9 =	spop (v2sf);
	(v2sf) =	vpush v9, $0xF  }
0x1ee: {  	[smem:s17] =	sst s9;
	s10 =	spop (v2sf)  }
0x1ef: {  	[smem:s17+$0x1] =	sst s10;
	s18 =	spop (v2sf)  }
0x1f0: {  	[smem:s17+$0x2] =	sst s18;
	s8 =	spop (v2sf)  }
0x1f1: {  	[smem:s17+$0x3] =	sst s8;
	s9 =	spop (v2sf)  }
0x1f2: {  	[smem:s17+$0x4] =	sst s9;
	s10 =	spop (v2sf)  }
0x1f3: {  	[smem:s17+$0x5] =	sst s10;
	s18 =	spop (v2sf)  }
0x1f4: {  	[smem:s17+$0x6] =	sst s18;
	s8 =	spop (v2sf)  }
0x1f5: {  	[smem:s17+$0x7] =	sst s8;
	s9 =	spop (v2sf)  }
0x1f6: {  	[smem:s17+$0x8] =	sst s9;
	s10 =	spop (v2sf)  }
0x1f7: {  	[smem:s17+$0x9] =	sst s10;
	s18 =	spop (v2sf)  }
0x1f8: {  	[smem:s17+$0xA] =	sst s18;
	s8 =	spop (v2sf)  }
0x1f9: {  	[smem:s17+$0xB] =	sst s8;
	s9 =	spop (v2sf)  }
0x1fa: {  	[smem:s17+$0xC] =	sst s9;
	s10 =	spop (v2sf)  }
0x1fb: {  	[smem:s17+$0xD] =	sst s10;
	s18 =	spop (v2sf)  }
0x1fc: {  	[smem:s17+$0xE] =	sst s18;
	s8 =	spop (v2sf)  }
0x1fd: {  	[smem:s17+$0xF] =	sst s8  }
0x1fe: {  	s7 =	sld [smem:$0x0]  }
0x1ff: {  	s8 =	sld [smem:$0x1];
	_ =	sdelay $0x1  }
0x200: {  	s10 =	sld [smem:$0x2];
	s7 =	sand.u32 $0xFFFFF80, s7  }
0x201: {  	s18 =	sld [smem:$0x3];
	s9 =	sand.u32 $0xFFFFF80, s8;
	s7 =	sadd.s32 s2, s7  }
0x202: {  	[tilespmem:s3], [sflag:$0x1] =	stream.strided.gather [hbm4b:s7+s3], $0x2000, s31, s3, $0x38;
	[tilespmem:$0x18800] =	vst v63  }
0x203: {  	s17 =	sand.u32 $0xFFFFF80, s10;
	s10 =	sld [smem:$0x4];
	s7 =	sadd.s32 s2, s9  }
0x204: {  	[tilespmem:s4], [sflag:$0x1] =	stream.strided.gather [hbm4b:s7+s3], $0x2000, s31, s3, $0x38;
	[tilespmem:$0x18800] =	vst v63  }
0x205: {  	s9 =	sand.u32 $0xFFFFF80, s18;
	s18 =	sld [smem:$0x5];
	s7 =	sadd.s32 s2, s17  }
0x206: {  	[tilespmem:s19], [sflag:$0x1] =	stream.strided.gather [hbm4b:s7+s3], $0x2000, s31, s3, $0x38;
	[tilespmem:$0x18800] =	vst v63  }
0x207: {  	s17 =	sand.u32 $0xFFFFF80, s10;
	s7 =	sadd.s32 s2, s9;
	s9 =	sld [smem:$0x6]  }
0x208: {  	[tilespmem:s20], [sflag:$0x1] =	stream.strided.gather [hbm4b:s7+s3], $0x2000, s31, s3, $0x38;
	[tilespmem:$0x18800] =	vst v63  }
0x209: {  	s8 =	sand.u32 $0xFFFFF80, s18;
	s7 =	sadd.s32 s2, s17;
	s17 =	sld [smem:$0x7]  }
0x20a: {  	[tilespmem:s21], [sflag:$0x1] =	stream.strided.gather [hbm4b:s7+s3], $0x2000, s31, s3, $0x38;
	[tilespmem:$0x18800] =	vst v63  }
0x20b: {  	s10 =	sand.u32 $0xFFFFF80, s9;
	s7 =	sadd.s32 s2, s8  }
0x20c: {  	[tilespmem:s22], [sflag:$0x1] =	stream.strided.gather [hbm4b:s7+s3], $0x2000, s31, s3, $0x38;
	[tilespmem:$0x18800] =	vst v63  }
0x20d: {  	s18 =	sand.u32 $0xFFFFF80, s17;
	s7 =	sadd.s32 s2, s10  }
0x20e: {  	[tilespmem:s23], [sflag:$0x1] =	stream.strided.gather [hbm4b:s7+s3], $0x2000, s31, s3, $0x38;
	[tilespmem:$0x18800] =	vst v63  }
0x20f: {  	s7 =	sadd.s32 s2, s18  }
0x210: {  	[tilespmem:s24], [sflag:$0x1] =	stream.strided.gather [hbm4b:s7+s3], $0x2000, s31, s3, $0x38;
	[tilespmem:$0x18800] =	vst v63  }
0x211: {  	s17 =	simm.s32 $0x8;
	s7 =	simm.s32 $0x7  }
.LBB2_9:
0x212: {  	_ =	swait.ge [sflag:s25], $0x2000  }
0x213: {  	[sflag:s25] =	ssyncset.done $0x0  }
0x214: {  	[sflag:s25] =	ssyncadd.s32 $0xFFFFE000  }
0x215: {  	s8 =	sld [smem:s17+$0xFFFFFFF8];
	_ =	sdelay $0x2  }
0x216: {  	s8 =	sand.u32 $0x7F, s8  }
0x217: {  	s9 =	sadd.s32 $0xFFFFFFF9, s7;
	v8 =	vor.u32 s8, v0  }
0x218: {  	v9 =	vmov s9  }
0x219: {  	v10 =	vshll.u32 v9, $0x3  }
0x21a: {  	v9 =	vand.u32 $0x78, v9;
	v10 =	vand.u32 $0xC00, v10  }
0x21b: {  	v9 =	vor.u32 v9, v10  }
0x21c: {  	v10 =	vor.u32 v1, v9;
	v8 =	vld.idx.msk [tilespmem:v8+s3+$0x0], $0xffff  }
0x21d: {  	v11 =	vor.u32 s8, v2;
	_ =	sdelay $0x3  }
0x21e: {  	[tilespmem:v10+s26+$0x0] =	vst.idx.msk $0xffff, v8  }
0x21f: {  	v63 =	vor.u32 v3, v9;
	v8 =	vld.idx.msk [tilespmem:v11+s3+$0x0], $0xffff  }
0x220: {  	v12 =	vor.u32 s8, v4;
	_ =	sdelay $0x3  }
0x221: {  	[tilespmem:v63+s26+$0x0] =	vst.idx.msk $0xffff, v8  }
0x222: {  	v13 =	vor.u32 v5, v9;
	v8 =	vld.idx.msk [tilespmem:v12+s3+$0x0], $0xffff  }
0x223: {  	v14 =	vor.u32 s8, v6;
	_ =	sdelay $0x3  }
0x224: {  	[tilespmem:v13+s26+$0x0] =	vst.idx.msk $0xffff, v8  }
0x225: {  	p0 =	seq.s32 s7, $0x1FF;
	v9 =	vor.u32 v7, v9;
	v8 =	vld.idx.msk [tilespmem:v14+s3+$0x0], $0xffff  }
0x226: {  	s8 =	sld @!p0 [smem:s17+$0x0];
	_ =	sdelay $0x2  }
0x227: {  	s8 =	sand.u32 @!p0 $0xFFFFF80, s8  }
0x228: {  	s18 =	simm.s32 @!p0 $0x400;
	s9 =	sadd.s32 @!p0 s2, s8;
	s8 =	simm.s32 @!p0 $0x7A1400;
	[tilespmem:v9+s26+$0x0] =	vst.idx.msk $0xffff, v8  }
0x229: {  	[tilespmem:s18], [sflag:$0x1] =	stream.strided.gather @!p0 [hbm4b:s9+s18], $0x2000, s8, s18, $0x38;
	[tilespmem:$0x18800] =	vst v63  }
0x22a: {  	_ =	swait.ge [sflag:s25], $0x2000  }
0x22b: {  	[sflag:s25] =	ssyncset.done $0x0  }
0x22c: {  	[sflag:s25] =	ssyncadd.s32 $0xFFFFE000  }
0x22d: {  	s10 =	sld [smem:s17+$0xFFFFFFF9];
	_ =	sdelay $0x2  }
0x22e: {  	s9 =	sand.u32 $0x7F, s10  }
0x22f: {  	s10 =	sadd.s32 $0xFFFFFFFA, s7;
	v8 =	vor.u32 s9, v0  }
0x230: {  	v15 =	vmov s10  }
0x231: {  	v16 =	vshll.u32 v15, $0x3  }
0x232: {  	v9 =	vand.u32 $0x79, v15;
	v10 =	vand.u32 $0xC00, v16  }
0x233: {  	v9 =	vor.u32 v9, v10  }
0x234: {  	v10 =	vor.u32 v1, v9;
	v8 =	vld.idx.msk [tilespmem:v8+s4+$0x0], $0xffff  }
0x235: {  	v17 =	vor.u32 s9, v2;
	_ =	sdelay $0x3  }
0x236: {  	[tilespmem:v10+s26+$0x0] =	vst.idx.msk $0xffff, v8  }
0x237: {  	v18 =	vor.u32 v3, v9;
	v8 =	vld.idx.msk [tilespmem:v17+s4+$0x0], $0xffff  }
0x238: {  	v19 =	vor.u32 s9, v4;
	_ =	sdelay $0x3  }
0x239: {  	[tilespmem:v18+s26+$0x0] =	vst.idx.msk $0xffff, v8  }
0x23a: {  	v20 =	vor.u32 v5, v9;
	v8 =	vld.idx.msk [tilespmem:v19+s4+$0x0], $0xffff  }
0x23b: {  	v21 =	vor.u32 s9, v6;
	_ =	sdelay $0x3  }
0x23c: {  	[tilespmem:v20+s26+$0x0] =	vst.idx.msk $0xffff, v8  }
0x23d: {  	v9 =	vor.u32 v7, v9;
	v8 =	vld.idx.msk [tilespmem:v21+s4+$0x0], $0xffff  }
0x23e: {  	s9 =	sld @!p0 [smem:s17+$0x1];
	_ =	sdelay $0x2  }
0x23f: {  	s9 =	sand.u32 @!p0 $0xFFFFF80, s9  }
0x240: {  	s10 =	simm.s32 @!p0 $0x2400;
	s9 =	sadd.s32 @!p0 s2, s9;
	[tilespmem:v9+s26+$0x0] =	vst.idx.msk $0xffff, v8  }
0x241: {  	[tilespmem:s10], [sflag:$0x1] =	stream.strided.gather @!p0 [hbm4b:s9+s18], $0x2000, s8, s18, $0x38;
	[tilespmem:$0x18800] =	vst v63  }
0x242: {  	_ =	swait.ge [sflag:s25], $0x2000  }
0x243: {  	[sflag:s25] =	ssyncset.done $0x0  }
0x244: {  	[sflag:s25] =	ssyncadd.s32 $0xFFFFE000  }
0x245: {  	s10 =	sld [smem:s17+$0xFFFFFFFA];
	_ =	sdelay $0x2  }
0x246: {  	s9 =	sand.u32 $0x7F, s10  }
0x247: {  	s10 =	sadd.s32 $0xFFFFFFFB, s7;
	v8 =	vor.u32 s9, v0  }
0x248: {  	v22 =	vmov s10  }
0x249: {  	v23 =	vshll.u32 v22, $0x3  }
0x24a: {  	v9 =	vand.u32 $0x7A, v22;
	v10 =	vand.u32 $0xC00, v23  }
0x24b: {  	v9 =	vor.u32 v9, v10  }
0x24c: {  	v10 =	vor.u32 v1, v9;
	v8 =	vld.idx.msk [tilespmem:v8+s19+$0x0], $0xffff  }
0x24d: {  	v24 =	vor.u32 s9, v2;
	_ =	sdelay $0x3  }
0x24e: {  	[tilespmem:v10+s26+$0x0] =	vst.idx.msk $0xffff, v8  }
0x24f: {  	v25 =	vor.u32 v3, v9;
	v8 =	vld.idx.msk [tilespmem:v24+s19+$0x0], $0xffff  }
0x250: {  	v26 =	vor.u32 s9, v4;
	_ =	sdelay $0x3  }
0x251: {  	[tilespmem:v25+s26+$0x0] =	vst.idx.msk $0xffff, v8  }
0x252: {  	v27 =	vor.u32 v5, v9;
	v8 =	vld.idx.msk [tilespmem:v26+s19+$0x0], $0xffff  }
0x253: {  	v28 =	vor.u32 s9, v6;
	_ =	sdelay $0x3  }
0x254: {  	[tilespmem:v27+s26+$0x0] =	vst.idx.msk $0xffff, v8  }
0x255: {  	v9 =	vor.u32 v7, v9;
	v8 =	vld.idx.msk [tilespmem:v28+s19+$0x0], $0xffff  }
0x256: {  	s9 =	sld @!p0 [smem:s17+$0x2];
	_ =	sdelay $0x2  }
0x257: {  	s9 =	sand.u32 @!p0 $0xFFFFF80, s9  }
0x258: {  	s10 =	simm.s32 @!p0 $0x4400;
	s9 =	sadd.s32 @!p0 s2, s9;
	[tilespmem:v9+s26+$0x0] =	vst.idx.msk $0xffff, v8  }
0x259: {  	[tilespmem:s10], [sflag:$0x1] =	stream.strided.gather @!p0 [hbm4b:s9+s18], $0x2000, s8, s18, $0x38;
	[tilespmem:$0x18800] =	vst v63  }
0x25a: {  	_ =	swait.ge [sflag:s25], $0x2000  }
0x25b: {  	[sflag:s25] =	ssyncset.done $0x0  }
0x25c: {  	[sflag:s25] =	ssyncadd.s32 $0xFFFFE000  }
0x25d: {  	s10 =	sld [smem:s17+$0xFFFFFFFB];
	_ =	sdelay $0x2  }
0x25e: {  	s9 =	sand.u32 $0x7F, s10  }
0x25f: {  	s10 =	sadd.s32 $0xFFFFFFFC, s7;
	v8 =	vor.u32 s9, v0  }
0x260: {  	v29 =	vmov s10  }
0x261: {  	v30 =	vshll.u32 v29, $0x3  }
0x262: {  	v9 =	vand.u32 $0x7B, v29;
	v10 =	vand.u32 $0xC00, v30  }
0x263: {  	v9 =	vor.u32 v9, v10  }
0x264: {  	v10 =	vor.u32 v1, v9;
	v8 =	vld.idx.msk [tilespmem:v8+s20+$0x0], $0xffff  }
0x265: {  	v31 =	vor.u32 s9, v2;
	_ =	sdelay $0x3  }
0x266: {  	[tilespmem:v10+s26+$0x0] =	vst.idx.msk $0xffff, v8  }
0x267: {  	v32 =	vor.u32 v3, v9;
	v8 =	vld.idx.msk [tilespmem:v31+s20+$0x0], $0xffff  }
0x268: {  	v33 =	vor.u32 s9, v4;
	_ =	sdelay $0x3  }
0x269: {  	[tilespmem:v32+s26+$0x0] =	vst.idx.msk $0xffff, v8  }
0x26a: {  	v34 =	vor.u32 v5, v9;
	v8 =	vld.idx.msk [tilespmem:v33+s20+$0x0], $0xffff  }
0x26b: {  	v35 =	vor.u32 s9, v6;
	_ =	sdelay $0x3  }
0x26c: {  	[tilespmem:v34+s26+$0x0] =	vst.idx.msk $0xffff, v8  }
0x26d: {  	v9 =	vor.u32 v7, v9;
	v8 =	vld.idx.msk [tilespmem:v35+s20+$0x0], $0xffff  }
0x26e: {  	s9 =	sld @!p0 [smem:s17+$0x3];
	_ =	sdelay $0x2  }
0x26f: {  	s9 =	sand.u32 @!p0 $0xFFFFF80, s9  }
0x270: {  	s10 =	simm.s32 @!p0 $0x6400;
	s9 =	sadd.s32 @!p0 s2, s9;
	[tilespmem:v9+s26+$0x0] =	vst.idx.msk $0xffff, v8  }
0x271: {  	[tilespmem:s10], [sflag:$0x1] =	stream.strided.gather @!p0 [hbm4b:s9+s18], $0x2000, s8, s18, $0x38;
	[tilespmem:$0x18800] =	vst v63  }
0x272: {  	_ =	swait.ge [sflag:s25], $0x2000  }
0x273: {  	[sflag:s25] =	ssyncset.done $0x0  }
0x274: {  	[sflag:s25] =	ssyncadd.s32 $0xFFFFE000  }
0x275: {  	s10 =	sld [smem:s17+$0xFFFFFFFC];
	_ =	sdelay $0x2  }
0x276: {  	s9 =	sand.u32 $0x7F, s10  }
0x277: {  	s10 =	sadd.s32 $0xFFFFFFFD, s7;
	v8 =	vor.u32 s9, v0  }
0x278: {  	v36 =	vmov s10  }
0x279: {  	v37 =	vshll.u32 v36, $0x3  }
0x27a: {  	v9 =	vand.u32 $0x7C, v36;
	v10 =	vand.u32 $0xC00, v37  }
0x27b: {  	v9 =	vor.u32 v9, v10  }
0x27c: {  	v10 =	vor.u32 v1, v9;
	v8 =	vld.idx.msk [tilespmem:v8+s21+$0x0], $0xffff  }
0x27d: {  	v38 =	vor.u32 s9, v2;
	_ =	sdelay $0x3  }
0x27e: {  	[tilespmem:v10+s26+$0x0] =	vst.idx.msk $0xffff, v8  }
0x27f: {  	v39 =	vor.u32 v3, v9;
	v8 =	vld.idx.msk [tilespmem:v38+s21+$0x0], $0xffff  }
0x280: {  	v40 =	vor.u32 s9, v4;
	_ =	sdelay $0x3  }
0x281: {  	[tilespmem:v39+s26+$0x0] =	vst.idx.msk $0xffff, v8  }
0x282: {  	v41 =	vor.u32 v5, v9;
	v8 =	vld.idx.msk [tilespmem:v40+s21+$0x0], $0xffff  }
0x283: {  	v42 =	vor.u32 s9, v6;
	_ =	sdelay $0x3  }
0x284: {  	[tilespmem:v41+s26+$0x0] =	vst.idx.msk $0xffff, v8  }
0x285: {  	v9 =	vor.u32 v7, v9;
	v8 =	vld.idx.msk [tilespmem:v42+s21+$0x0], $0xffff  }
0x286: {  	s9 =	sld @!p0 [smem:s17+$0x4];
	_ =	sdelay $0x2  }
0x287: {  	s9 =	sand.u32 @!p0 $0xFFFFF80, s9  }
0x288: {  	s10 =	simm.s32 @!p0 $0x8400;
	s9 =	sadd.s32 @!p0 s2, s9;
	[tilespmem:v9+s26+$0x0] =	vst.idx.msk $0xffff, v8  }
0x289: {  	[tilespmem:s10], [sflag:$0x1] =	stream.strided.gather @!p0 [hbm4b:s9+s18], $0x2000, s8, s18, $0x38;
	[tilespmem:$0x18800] =	vst v63  }
0x28a: {  	_ =	swait.ge [sflag:s25], $0x2000  }
0x28b: {  	[sflag:s25] =	ssyncset.done $0x0  }
0x28c: {  	[sflag:s25] =	ssyncadd.s32 $0xFFFFE000  }
0x28d: {  	s10 =	sld [smem:s17+$0xFFFFFFFD];
	_ =	sdelay $0x2  }
0x28e: {  	s9 =	sand.u32 $0x7F, s10  }
0x28f: {  	s10 =	sadd.s32 $0xFFFFFFFE, s7;
	v8 =	vor.u32 s9, v0  }
0x290: {  	v43 =	vmov s10  }
0x291: {  	v44 =	vshll.u32 v43, $0x3  }
0x292: {  	v9 =	vand.u32 $0x7D, v43;
	v10 =	vand.u32 $0xC00, v44  }
0x293: {  	v9 =	vor.u32 v9, v10  }
0x294: {  	v10 =	vor.u32 v1, v9;
	v8 =	vld.idx.msk [tilespmem:v8+s22+$0x0], $0xffff  }
0x295: {  	v45 =	vor.u32 s9, v2;
	_ =	sdelay $0x3  }
0x296: {  	[tilespmem:v10+s26+$0x0] =	vst.idx.msk $0xffff, v8  }
0x297: {  	v46 =	vor.u32 v3, v9;
	v8 =	vld.idx.msk [tilespmem:v45+s22+$0x0], $0xffff  }
0x298: {  	v47 =	vor.u32 s9, v4;
	_ =	sdelay $0x3  }
0x299: {  	[tilespmem:v46+s26+$0x0] =	vst.idx.msk $0xffff, v8  }
0x29a: {  	v48 =	vor.u32 v5, v9;
	v8 =	vld.idx.msk [tilespmem:v47+s22+$0x0], $0xffff  }
0x29b: {  	v49 =	vor.u32 s9, v6;
	_ =	sdelay $0x3  }
0x29c: {  	[tilespmem:v48+s26+$0x0] =	vst.idx.msk $0xffff, v8  }
0x29d: {  	v9 =	vor.u32 v7, v9;
	v8 =	vld.idx.msk [tilespmem:v49+s22+$0x0], $0xffff  }
0x29e: {  	s9 =	sld @!p0 [smem:s17+$0x5];
	_ =	sdelay $0x2  }
0x29f: {  	s9 =	sand.u32 @!p0 $0xFFFFF80, s9  }
0x2a0: {  	s10 =	simm.s32 @!p0 $0xA400;
	s9 =	sadd.s32 @!p0 s2, s9;
	[tilespmem:v9+s26+$0x0] =	vst.idx.msk $0xffff, v8  }
0x2a1: {  	[tilespmem:s10], [sflag:$0x1] =	stream.strided.gather @!p0 [hbm4b:s9+s18], $0x2000, s8, s18, $0x38;
	[tilespmem:$0x18800] =	vst v63  }
0x2a2: {  	_ =	swait.ge [sflag:s25], $0x2000  }
0x2a3: {  	[sflag:s25] =	ssyncset.done $0x0  }
0x2a4: {  	[sflag:s25] =	ssyncadd.s32 $0xFFFFE000  }
0x2a5: {  	s10 =	sld [smem:s17+$0xFFFFFFFE];
	_ =	sdelay $0x2  }
0x2a6: {  	s9 =	sand.u32 $0x7F, s10  }
0x2a7: {  	s10 =	sadd.s32 $0xFFFFFFFF, s7;
	v8 =	vor.u32 s9, v0  }
0x2a8: {  	v50 =	vmov s10  }
0x2a9: {  	v51 =	vshll.u32 v50, $0x3  }
0x2aa: {  	v9 =	vand.u32 $0x7E, v50;
	v10 =	vand.u32 $0xC00, v51  }
0x2ab: {  	v9 =	vor.u32 v9, v10  }
0x2ac: {  	v10 =	vor.u32 v1, v9;
	v8 =	vld.idx.msk [tilespmem:v8+s23+$0x0], $0xffff  }
0x2ad: {  	v52 =	vor.u32 s9, v2;
	_ =	sdelay $0x3  }
0x2ae: {  	[tilespmem:v10+s26+$0x0] =	vst.idx.msk $0xffff, v8  }
0x2af: {  	v53 =	vor.u32 v3, v9;
	v8 =	vld.idx.msk [tilespmem:v52+s23+$0x0], $0xffff  }
0x2b0: {  	v54 =	vor.u32 s9, v4;
	_ =	sdelay $0x3  }
0x2b1: {  	[tilespmem:v53+s26+$0x0] =	vst.idx.msk $0xffff, v8  }
0x2b2: {  	v55 =	vor.u32 v5, v9;
	v8 =	vld.idx.msk [tilespmem:v54+s23+$0x0], $0xffff  }
0x2b3: {  	v56 =	vor.u32 s9, v6;
	_ =	sdelay $0x3  }
0x2b4: {  	[tilespmem:v55+s26+$0x0] =	vst.idx.msk $0xffff, v8  }
0x2b5: {  	v9 =	vor.u32 v7, v9;
	v8 =	vld.idx.msk [tilespmem:v56+s23+$0x0], $0xffff  }
0x2b6: {  	s9 =	sld @!p0 [smem:s17+$0x6];
	_ =	sdelay $0x2  }
0x2b7: {  	s9 =	sand.u32 @!p0 $0xFFFFF80, s9  }
0x2b8: {  	s10 =	simm.s32 @!p0 $0xC400;
	s9 =	sadd.s32 @!p0 s2, s9;
	[tilespmem:v9+s26+$0x0] =	vst.idx.msk $0xffff, v8  }
0x2b9: {  	[tilespmem:s10], [sflag:$0x1] =	stream.strided.gather @!p0 [hbm4b:s9+s18], $0x2000, s8, s18, $0x38;
	[tilespmem:$0x18800] =	vst v63  }
0x2ba: {  	_ =	swait.ge [sflag:s25], $0x2000  }
0x2bb: {  	[sflag:s25] =	ssyncset.done $0x0  }
0x2bc: {  	[sflag:s25] =	ssyncadd.s32 $0xFFFFE000  }
0x2bd: {  	s18 =	sld [smem:s17+$0xFFFFFFFF];
	_ =	sdelay $0x2  }
0x2be: {  	s8 =	sand.u32 $0x7F, s18  }
0x2bf: {  	v8 =	vor.u32 s8, v0  }
0x2c0: {  	v57 =	vmov s7  }
0x2c1: {  	v58 =	vshll.u32 v57, $0x3  }
0x2c2: {  	v10 =	vand.u32 $0xC00, v58;
	v9 =	vand.u32 $0x7F, v57  }
0x2c3: {  	v9 =	vor.u32 v9, v10  }
0x2c4: {  	v10 =	vor.u32 v1, v9;
	v8 =	vld.idx.msk [tilespmem:v8+s24+$0x0], $0xffff  }
0x2c5: {  	v59 =	vor.u32 s8, v2;
	_ =	sdelay $0x3  }
0x2c6: {  	[tilespmem:v10+s26+$0x0] =	vst.idx.msk $0xffff, v8  }
0x2c7: {  	v60 =	vor.u32 v3, v9;
	v8 =	vld.idx.msk [tilespmem:v59+s24+$0x0], $0xffff  }
0x2c8: {  	v61 =	vor.u32 s8, v4;
	_ =	sdelay $0x3  }
0x2c9: {  	[tilespmem:v60+s26+$0x0] =	vst.idx.msk $0xffff, v8  }
0x2ca: {  	v62 =	vor.u32 v5, v9;
	v8 =	vld.idx.msk [tilespmem:v61+s24+$0x0], $0xffff  }
0x2cb: {  	v63 =	vor.u32 s8, v6;
	_ =	sdelay $0x3  }
0x2cc: {  	[tilespmem:v62+s26+$0x0] =	vst.idx.msk $0xffff, v8  }
0x2cd: {  	v9 =	vor.u32 v7, v9;
	v8 =	vld.idx.msk [tilespmem:v63+s24+$0x0], $0xffff  }
.Ltmp6:
0x2ce: {  	_ = 	snop;
	(pc) =	sbr.rel @p0 .LBB2_11-.Ltmp6, $2  }
0x2cf: {  	_ =	sdelay $0x2  }
0x2d0: {  	[tilespmem:v9+s26+$0x0] =	vst.idx.msk $0xffff, v8  }
0x2d1: {  	s8 =	sld [smem:s17+$0x7]  }
.Ltmp7:
0x2d2: {  	_ = 	snop;
	(pc) =	sbr.rel .LBB2_9-.Ltmp7, $4  }
0x2d3: {  	_ = 	snop  }
0x2d4: {  	s8 =	sand.u32 $0xFFFFF80, s8  }
0x2d5: {  	s7 =	sadd.s32 $0x8, s7;
	s17 =	sadd.s32 $0x8, s17;
	s8 =	sadd.s32 s2, s8  }
0x2d6: {  	[tilespmem:s24], [sflag:$0x1] =	stream.strided.gather [hbm4b:s8+s3], $0x2000, s31, s3, $0x38;
	[tilespmem:$0x18800] =	vst v63  }
.LBB2_12:
0x2d7: {  	_ =	sfence.sel $0x180000  }
0x2d8: {  	[bflag:$0x0] =	sbarrier.arrive $0xFFFF  }
0x2d9: {  	_ =	strace $0x90000047  }
0x2da: {  	s0 =	stileid.u32;
	[bflag:$0x2] =	sbarrier.arrive $0xFFFF  }
0x2db: {  	p0 =	sne.s32 s0, $0x0;
	s0 =	rddreg [dreg:$0x9]  }
0x2dc: {  	s0 =	sadd.s32 @!p0 $0x100000, s0  }
0x2dd: {  	[sflag:s0] =	ssyncadd.tile.s32 @!p0 $0x1;
	_ =	shalt  }
.Lfunc_end2:
_tile_overlayer_lowered:
.L_overlay_start_2:
0x2de: {  	(tag) =	ssettag $0x2  }
0x2df: {  	s0 =	rddreg [dreg:$0x0];
	s2 =	stileid.u32  }
0x2e0: {  	s1 =	rddreg [dreg:$0x1];
	p0 =	sne.s32 s2, $0x0  }
0x2e1: {  	s3 =	rddreg [dreg:$0x2];
	[bflag:$0x3] =	sbarrier.arrive $0xFFFF;
	s2 =	simm.s32 @!p0 $0x1C03  }
0x2e2: {  	[timem:s3], [sflag:s2] =	dma.local @!p0 [hbm:s0], s1  }
0x2e3: {  	s0 =	simm.s32 @!p0 $0x3  }
0x2e4: {  	_ =	swait.ge @!p0 [sflag:s0], s1  }
0x2e5: {  	s1 =	ssub.s32 @!p0 $0x0, s1;
	[sflag:s0] =	ssyncset.done @!p0 $0x0  }
0x2e6: {  	[sflag:s0] =	ssyncadd.s32 @!p0 s1  }
0x2e7: {  	[bflag:$0x3] =	sbarrier.arrive $0xFFFF  }
0x2e8: {  	_ =	shalt  }

</sc_bundles>
